<compile_context>
chip_gen: v7x
topology: tpu7x:2x2x1
jax: 0.10.2.dev20260603
libtpu: 0.0.44.dev20260713+nightly
codegen_flags: <defaults>
</compile_context>

<pallas_src>
import functools
import jax
import jax.numpy as jnp
from jax import lax
from jax.experimental import pallas as pl
from jax.experimental.pallas import tpu as pltpu
from jax.experimental.pallas import tpu_sc as plsc

_N = 10000
_NPAD = 10240
_E = 320000
_F = 9
_HID = 32
_P = 10
_PRED = 50
_FP = 128
_K = 128
_NB = 79
_EPT = _NB * _K
_EPAD = 32 * _EPT
_RPT = _NPAD // 16
_BLK = 1024

@functools.lru_cache(maxsize=None)
def _sc_kernels():
    mesh = plsc.VectorSubcoreMesh(core_axis_name="c", subcore_axis_name="s")

    @functools.partial(
        pl.kernel,
        out_type=jax.ShapeDtypeStruct((2, _NPAD), jnp.float32),
        mesh=mesh,
        scratch_types=[
            pltpu.VMEM((_K,), jnp.int32),
            pltpu.VMEM((_K,), jnp.float32),
            pltpu.VMEM((_RPT,), jnp.float32),
            pltpu.VMEM_SHARED((_NPAD,), jnp.float32),
        ],
    )
    def _deg_kernel(col_hbm, w_hbm, deg_out, colbuf, wbuf, zbuf, deg_sh):
        c = lax.axis_index("c")
        s = lax.axis_index("s")
        wid = c * 16 + s
        for i in range(_RPT // 16):
            zbuf[pl.ds(i * 16, 16)] = jnp.zeros((16,), jnp.float32)
        r0 = s * _RPT
        pltpu.sync_copy(zbuf, deg_sh.at[pl.ds(r0, _RPT)])
        plsc.subcore_barrier()

        def body(b, carry):
            base = wid * _EPT + b * _K
            pltpu.sync_copy(col_hbm.at[pl.ds(base, _K)], colbuf)
            pltpu.sync_copy(w_hbm.at[pl.ds(base, _K)], wbuf)
            pltpu.sync_copy(wbuf, deg_sh.at[colbuf], add=True)
            return carry

        lax.fori_loop(0, _NB, body, 0)
        plsc.subcore_barrier()
        pltpu.sync_copy(deg_sh.at[pl.ds(r0, _RPT)],
                        deg_out.at[c, pl.ds(r0, _RPT)])

    @functools.partial(
        pl.kernel,
        out_type=jax.ShapeDtypeStruct((2, _NPAD, _FP), jnp.float32),
        mesh=mesh,
        scratch_types=[
            pltpu.VMEM((_K,), jnp.int32),
            pltpu.VMEM((_K,), jnp.int32),
            pltpu.VMEM((_K,), jnp.float32),
            pltpu.VMEM((_K, _FP), jnp.float32),
            pltpu.VMEM((_K, _FP), jnp.float32),
            pltpu.VMEM_SHARED((_NPAD, _FP), jnp.float32),
            pltpu.SemaphoreType.DMA,
        ],
    )
    def _spmm_kernel(row_hbm, col_hbm, w_hbm, xs_hbm, y_out,
                     rowbuf, colbuf, wbuf, xbuf, zbuf, y_sh, sem):
        c = lax.axis_index("c")
        s = lax.axis_index("s")
        wid = c * 16 + s

        def zrow(i, carry):
            for j in range(_FP // 16):
                zbuf[i, pl.ds(j * 16, 16)] = jnp.zeros((16,), jnp.float32)
            return carry

        lax.fori_loop(0, _K, zrow, 0)
        r0 = s * _RPT

        def zcopy(i, carry):
            pltpu.sync_copy(zbuf, y_sh.at[pl.ds(r0 + i * _K, _K), :])
            return carry

        lax.fori_loop(0, _RPT // _K, zcopy, 0)
        plsc.subcore_barrier()

        def body(b, carry):
            base = wid * _EPT + b * _K
            pltpu.sync_copy(row_hbm.at[pl.ds(base, _K)], rowbuf)
            pltpu.sync_copy(col_hbm.at[pl.ds(base, _K)], colbuf)
            pltpu.sync_copy(w_hbm.at[pl.ds(base, _K)], wbuf)
            pltpu.async_copy(xs_hbm.at[rowbuf], xbuf, sem).wait()

            def scale(g, c2):
                wv = wbuf[pl.ds(g * 16, 16)]
                for l in range(16):
                    w = wv[l]
                    e = g * 16 + l
                    for j in range(_FP // 16):
                        xbuf[e, pl.ds(j * 16, 16)] = \
                            xbuf[e, pl.ds(j * 16, 16)] * w
                return c2

            lax.fori_loop(0, _K // 16, scale, 0)
            pltpu.sync_copy(xbuf, y_sh.at[colbuf], add=True)
            return carry

        lax.fori_loop(0, _NB, body, 0)
        plsc.subcore_barrier()
        pltpu.sync_copy(y_sh.at[pl.ds(r0, _RPT), :],
                        y_out.at[c, pl.ds(r0, _RPT), :])

    return _deg_kernel, _spmm_kernel


def _scale_body(degt_ref, x_ref, xs_ref):
    d = degt_ref[:, 0:1] + degt_ref[:, 1:2] + 1.0
    dinv = lax.rsqrt(d)
    xs_ref[...] = x_ref[...] * dinv


def _dense_body(degt_ref, x_ref, ya_ref, yb_ref, bz_ref, bh_ref, bzb_ref,
                bhb_ref, pm_ref, w1_ref, b1_ref, w2_ref, b2_ref, w3_ref,
                b3_ref, out_ref):
    d = degt_ref[:, 0:1] + degt_ref[:, 1:2] + 1.0
    dinv = lax.rsqrt(d)
    y = dinv * (ya_ref[0] + yb_ref[0]) + (dinv * dinv) * x_ref[...]
    gz = jnp.dot(y, bz_ref[...], preferred_element_type=jnp.float32,
                   precision=lax.Precision.HIGHEST) + bzb_ref[...]
    gh = jnp.dot(y, bh_ref[...], preferred_element_type=jnp.float32,
                   precision=lax.Precision.HIGHEST) + bhb_ref[...]
    u = (1.0 - jax.nn.sigmoid(gz)) * jnp.tanh(gh)
    h = jnp.dot(u, pm_ref[...], preferred_element_type=jnp.float32,
                   precision=lax.Precision.HIGHEST)
    h = jax.nn.relu(h)
    h = jax.nn.relu(jnp.dot(h, w1_ref[...], preferred_element_type=jnp.float32,
                   precision=lax.Precision.HIGHEST)
                    + b1_ref[...])
    h = jax.nn.relu(jnp.dot(h, w2_ref[...], preferred_element_type=jnp.float32,
                   precision=lax.Precision.HIGHEST)
                    + b2_ref[...])
    out_ref[...] = jnp.dot(h, w3_ref[...], preferred_element_type=jnp.float32,
                   precision=lax.Precision.HIGHEST) \
        + b3_ref[...]


def kernel(x, edge_index, edge_weight, attention,
           conv_z_W, conv_z_b, conv_r_W, conv_r_b, conv_h_W, conv_h_b,
           lin_z_W, lin_z_b, lin_r_W, lin_r_b, lin_h_W, lin_h_b,
           dec_W1, dec_b1, dec_W2, dec_b2, dec_W3, dec_b3):
    n = x.shape[1]

    xflat = x[0].reshape(n, _F * _P)
    xpad = jnp.pad(xflat, ((0, _NPAD - n), (0, _FP - _F * _P)))
    npad_e = _EPAD - _E
    rowp = jnp.concatenate([edge_index[0], jnp.zeros((npad_e,), jnp.int32)])
    colp = jnp.concatenate([edge_index[1], jnp.zeros((npad_e,), jnp.int32)])
    wp = jnp.concatenate([edge_weight, jnp.zeros((npad_e,), jnp.float32)])

    lz = lin_z_W[:_HID]
    lh = lin_h_W[:_HID]
    az = conv_z_W @ lz
    ah = conv_h_W @ lh
    bz_bias = jnp.tile(conv_z_b @ lz + lin_z_b, _P)[None, :]
    bh_bias = jnp.tile(conv_h_b @ lh + lin_h_b, _P)[None, :]
    eye_p = jnp.eye(_P, dtype=jnp.float32)
    bz_w = (az[:, None, None, :] * eye_p[None, :, :, None]).reshape(
        _F * _P, _P * _HID)
    bh_w = (ah[:, None, None, :] * eye_p[None, :, :, None]).reshape(
        _F * _P, _P * _HID)
    bz_w = jnp.pad(bz_w, ((0, _FP - _F * _P), (0, 0)))
    bh_w = jnp.pad(bh_w, ((0, _FP - _F * _P), (0, 0)))
    probs = jax.nn.softmax(attention)
    pmat = jnp.repeat(probs, _HID)[:, None] * jnp.tile(
        jnp.eye(_HID, dtype=jnp.float32), (_P, 1))

    deg_k, spmm_k = _sc_kernels()
    deg2 = deg_k(colp, wp)
    degt = deg2.T

    nblk = _NPAD // _BLK
    xs = pl.pallas_call(
        _scale_body,
        grid=(nblk,),
        in_specs=[
            pl.BlockSpec((_BLK, 2), lambda i: (i, 0)),
            pl.BlockSpec((_BLK, _FP), lambda i: (i, 0)),
        ],
        out_specs=pl.BlockSpec((_BLK, _FP), lambda i: (i, 0)),
        out_shape=jax.ShapeDtypeStruct((_NPAD, _FP), jnp.float32),
    )(degt, xpad)

    y2 = spmm_k(rowp, colp, wp, xs)

    full = lambda shape: pl.BlockSpec(shape, lambda i: tuple(0 for _ in shape))
    out = pl.pallas_call(
        _dense_body,
        grid=(nblk,),
        in_specs=[
            pl.BlockSpec((_BLK, 2), lambda i: (i, 0)),
            pl.BlockSpec((_BLK, _FP), lambda i: (i, 0)),
            pl.BlockSpec((1, _BLK, _FP), lambda i: (0, i, 0)),
            pl.BlockSpec((1, _BLK, _FP), lambda i: (1, i, 0)),
            full((_FP, _P * _HID)),
            full((_FP, _P * _HID)),
            full((1, _P * _HID)),
            full((1, _P * _HID)),
            full((_P * _HID, _HID)),
            full((_HID, 2 * _HID)),
            full((1, 2 * _HID)),
            full((2 * _HID, _HID)),
            full((1, _HID)),
            full((_HID, 2 * _PRED)),
            full((1, 2 * _PRED)),
        ],
        out_specs=pl.BlockSpec((_BLK, 2 * _PRED), lambda i: (i, 0)),
        out_shape=jax.ShapeDtypeStruct((_NPAD, 2 * _PRED), jnp.float32),
    )(degt, xpad, y2, y2, bz_w, bh_w, bz_bias, bh_bias, pmat,
      dec_W1, dec_b1[None, :], dec_W2, dec_b2[None, :], dec_W3, dec_b3[None, :])

    return out[:n].reshape(n, _PRED, 2)

# --- scband reference (transcript-rebuilt; emitter-appended) ---
"""Pipeline reference for scband-interaction-aware-predictor-23776938951051 (READ-ONLY COPY).

The authoritative reference and input builder live on the scoring server;
editing this copy changes nothing except your own understanding.
"""

import jax, jax.numpy as jnp
import numpy as np

N = 10000
E = 320000
F_IN = 9
HID = 32
PERIODS = 10
PRED = 50

def _glorot(key, shape):
    lim = float(np.sqrt(6.0 / (shape[0] + shape[1])))
    return jax.random.uniform(key, shape, minval=-lim, maxval=lim, dtype=jnp.float32)

def setup_inputs(seed: int = 0):
    key = jax.random.key(seed)
    ks = jax.random.split(key, 32)
    inp = {}
    inp["x"] = jax.random.normal(ks[0], (1, N, F_IN, PERIODS), dtype=jnp.float32)
    inp["edge_index"] = jax.random.randint(ks[1], (2, E), 0, N, dtype=jnp.int32)
    inp["edge_weight"] = jax.random.uniform(ks[2], (E,), dtype=jnp.float32)
    inp["attention"] = jax.random.uniform(ks[3], (PERIODS,), dtype=jnp.float32)
    inp["conv_z_W"] = _glorot(ks[4], (F_IN, HID)); inp["conv_z_b"] = jnp.zeros((HID,), jnp.float32)
    inp["conv_r_W"] = _glorot(ks[5], (F_IN, HID)); inp["conv_r_b"] = jnp.zeros((HID,), jnp.float32)
    inp["conv_h_W"] = _glorot(ks[6], (F_IN, HID)); inp["conv_h_b"] = jnp.zeros((HID,), jnp.float32)
    inp["lin_z_W"] = _glorot(ks[7], (2 * HID, HID)); inp["lin_z_b"] = jnp.zeros((HID,), jnp.float32)
    inp["lin_r_W"] = _glorot(ks[8], (2 * HID, HID)); inp["lin_r_b"] = jnp.zeros((HID,), jnp.float32)
    inp["lin_h_W"] = _glorot(ks[9], (2 * HID, HID)); inp["lin_h_b"] = jnp.zeros((HID,), jnp.float32)
    inp["dec_W1"] = _glorot(ks[10], (HID, 2 * HID)); inp["dec_b1"] = jnp.zeros((2 * HID,), jnp.float32)
    inp["dec_W2"] = _glorot(ks[11], (2 * HID, HID)); inp["dec_b2"] = jnp.zeros((HID,), jnp.float32)
    inp["dec_W3"] = _glorot(ks[12], (HID, 2 * PRED)); inp["dec_b3"] = jnp.zeros((2 * PRED,), jnp.float32)
    return inp

def _gcn_conv(xt, row, col, ew, W, b):
    # PyG GCNConv with add_self_loops=True, symmetric normalization, node_dim=-2 (batched)
    n = xt.shape[1]
    loop = jnp.arange(n, dtype=row.dtype)
    r = jnp.concatenate([row, loop])
    c = jnp.concatenate([col, loop])
    w = jnp.concatenate([ew, jnp.ones((n,), xt.dtype)])
    deg = jnp.zeros((n,), xt.dtype).at[c].add(w)
    dinv = jnp.where(deg > 0.0, deg ** -0.5, 0.0)
    norm = dinv[r] * w * dinv[c]
    xw = xt @ W
    msg = xw[:, r, :] * norm[None, :, None]
    out = jnp.zeros_like(xw).at[:, c, :].add(msg)
    return out + b

def reference(x, edge_index, edge_weight, attention,
              conv_z_W, conv_z_b, conv_r_W, conv_r_b, conv_h_W, conv_h_b,
              lin_z_W, lin_z_b, lin_r_W, lin_r_b, lin_h_W, lin_h_b,
              dec_W1, dec_b1, dec_W2, dec_b2, dec_W3, dec_b3):
    row, col = edge_index[0], edge_index[1]
    H0 = jnp.zeros((x.shape[0], x.shape[1], HID), x.dtype)
    probs = jax.nn.softmax(attention)
    H_accum = jnp.zeros_like(H0)
    # A3TGCN2: attention-weighted sum of per-period TGCN cells (upstream impl does
    # NOT carry H across periods; each period uses the initial H = zeros)
    for p in range(PERIODS):
        Xt = x[:, :, :, p]
        Z = jax.nn.sigmoid(jnp.concatenate([_gcn_conv(Xt, row, col, edge_weight, conv_z_W, conv_z_b), H0], axis=-1) @ lin_z_W + lin_z_b)
        R = jax.nn.sigmoid(jnp.concatenate([_gcn_conv(Xt, row, col, edge_weight, conv_r_W, conv_r_b), H0], axis=-1) @ lin_r_W + lin_r_b)
        H_tilde = jnp.tanh(jnp.concatenate([_gcn_conv(Xt, row, col, edge_weight, conv_h_W, conv_h_b), H0 * R], axis=-1) @ lin_h_W + lin_h_b)
        H = Z * H0 + (1.0 - Z) * H_tilde
        H_accum = H_accum + probs[p] * H
    h = jax.nn.relu(H_accum)
    h = jax.nn.relu(h @ dec_W1 + dec_b1)  # dropout is identity in eval mode
    h = jax.nn.relu(h @ dec_W2 + dec_b2)
    pred = h @ dec_W3 + dec_b3
    return pred.reshape(-1, PRED, 2)

if __name__ == "__main__":
    import jax
    _d = setup_inputs()
    print(jax.jit(kernel)(*tuple(_d.values())))

</pallas_src>

<mosaic_0001>
#map = affine_map<(d0, d1) -> (0)>
#map1 = affine_map<(d0, d1) -> (0, 0)>
module attributes {stable_mosaic.version = 14 : i64} {
  func.func @_deg_kernel(%arg0: i32, %arg1: i32, %arg2: memref<323584xi32, #tpu.memory_space<hbm>>, %arg3: memref<323584xf32, #tpu.memory_space<hbm>>, %arg4: memref<2x10240xf32, #tpu.memory_space<hbm>>, %arg5: memref<128xi32, #tpu.memory_space<vmem>>, %arg6: memref<128xf32, #tpu.memory_space<vmem>>, %arg7: memref<640xf32, #tpu.memory_space<vmem>>, %arg8: memref<10240xf32, #tpu.memory_space<vmem_shared>>) attributes {dimension_semantics = [#tpu.dimension_semantics<core_parallel>, #tpu.dimension_semantics<subcore_parallel>], iteration_bounds = array<i64: 2, 16>, scalar_prefetch = 0 : i64, scratch_operands = 4 : i64, tpu.core_type = #tpu.core_type<sc_vector_subcore>, window_params = [{transform_indices = #map}, {transform_indices = #map}, {transform_indices = #map1}]} {
    %mul3A = arith.constant 16 : i32
    %mul3A_0 = arith.muli %arg0, %mul3A : i32
    %add3A = arith.addi %mul3A_0, %arg1 : i32
    %broadcast_in_dim3A = arith.constant 0.000000e+00 : f32
    %broadcast_in_dim3A_1 = vector.broadcast %broadcast_in_dim3A : f32 to vector<16xf32>
    %swap3A = arith.constant 0 : index
    %swap3A_2 = tpu.vector_load %arg7[%swap3A] {strides = array<i32>} : memref<640xf32, #tpu.memory_space<vmem>>, vector<16xf32>,
    %swap3A_3 = vector.shape_cast %swap3A_2 : vector<16xf32> to vector<16xf32>
    %swap3A_4 = vector.shape_cast %broadcast_in_dim3A_1 : vector<16xf32> to vector<16xf32>
    tpu.vector_store %arg7[%swap3A], %swap3A_4 {strides = array<i32>} : memref<640xf32, #tpu.memory_space<vmem>>, vector<16xf32>,
    %broadcast_in_dim3A_5 = arith.constant 0.000000e+00 : f32
    %broadcast_in_dim3A_6 = vector.broadcast %broadcast_in_dim3A_5 : f32 to vector<16xf32>
    %swap3A_7 = arith.constant 16 : index
    %swap3A_8 = tpu.vector_load %arg7[%swap3A_7] {strides = array<i32>} : memref<640xf32, #tpu.memory_space<vmem>>, vector<16xf32>,
    %swap3A_9 = vector.shape_cast %swap3A_8 : vector<16xf32> to vector<16xf32>
    %swap3A_10 = vector.shape_cast %broadcast_in_dim3A_6 : vector<16xf32> to vector<16xf32>
    tpu.vector_store %arg7[%swap3A_7], %swap3A_10 {strides = array<i32>} : memref<640xf32, #tpu.memory_space<vmem>>, vector<16xf32>,
    %broadcast_in_dim3A_11 = arith.constant 0.000000e+00 : f32
    %broadcast_in_dim3A_12 = vector.broadcast %broadcast_in_dim3A_11 : f32 to vector<16xf32>
    %swap3A_13 = arith.constant 32 : index
    %swap3A_14 = tpu.vector_load %arg7[%swap3A_13] {strides = array<i32>} : memref<640xf32, #tpu.memory_space<vmem>>, vector<16xf32>,
    %swap3A_15 = vector.shape_cast %swap3A_14 : vector<16xf32> to vector<16xf32>
    %swap3A_16 = vector.shape_cast %broadcast_in_dim3A_12 : vector<16xf32> to vector<16xf32>
    tpu.vector_store %arg7[%swap3A_13], %swap3A_16 {strides = array<i32>} : memref<640xf32, #tpu.memory_space<vmem>>, vector<16xf32>,
    %broadcast_in_dim3A_17 = arith.constant 0.000000e+00 : f32
    %broadcast_in_dim3A_18 = vector.broadcast %broadcast_in_dim3A_17 : f32 to vector<16xf32>
    %swap3A_19 = arith.constant 48 : index
    %swap3A_20 = tpu.vector_load %arg7[%swap3A_19] {strides = array<i32>} : memref<640xf32, #tpu.memory_space<vmem>>, vector<16xf32>,
    %swap3A_21 = vector.shape_cast %swap3A_20 : vector<16xf32> to vector<16xf32>
    %swap3A_22 = vector.shape_cast %broadcast_in_dim3A_18 : vector<16xf32> to vector<16xf32>
    tpu.vector_store %arg7[%swap3A_19], %swap3A_22 {strides = array<i32>} : memref<640xf32, #tpu.memory_space<vmem>>, vector<16xf32>,
    %broadcast_in_dim3A_23 = arith.constant 0.000000e+00 : f32
    %broadcast_in_dim3A_24 = vector.broadcast %broadcast_in_dim3A_23 : f32 to vector<16xf32>
    %swap3A_25 = arith.constant 64 : index
    %swap3A_26 = tpu.vector_load %arg7[%swap3A_25] {strides = array<i32>} : memref<640xf32, #tpu.memory_space<vmem>>, vector<16xf32>,
    %swap3A_27 = vector.shape_cast %swap3A_26 : vector<16xf32> to vector<16xf32>
    %swap3A_28 = vector.shape_cast %broadcast_in_dim3A_24 : vector<16xf32> to vector<16xf32>
    tpu.vector_store %arg7[%swap3A_25], %swap3A_28 {strides = array<i32>} : memref<640xf32, #tpu.memory_space<vmem>>, vector<16xf32>,
    %broadcast_in_dim3A_29 = arith.constant 0.000000e+00 : f32
    %broadcast_in_dim3A_30 = vector.broadcast %broadcast_in_dim3A_29 : f32 to vector<16xf32>
    %swap3A_31 = arith.constant 80 : index
    %swap3A_32 = tpu.vector_load %arg7[%swap3A_31] {strides = array<i32>} : memref<640xf32, #tpu.memory_space<vmem>>, vector<16xf32>,
    %swap3A_33 = vector.shape_cast %swap3A_32 : vector<16xf32> to vector<16xf32>
    %swap3A_34 = vector.shape_cast %broadcast_in_dim3A_30 : vector<16xf32> to vector<16xf32>
    tpu.vector_store %arg7[%swap3A_31], %swap3A_34 {strides = array<i32>} : memref<640xf32, #tpu.memory_space<vmem>>, vector<16xf32>,
    %broadcast_in_dim3A_35 = arith.constant 0.000000e+00 : f32
    %broadcast_in_dim3A_36 = vector.broadcast %broadcast_in_dim3A_35 : f32 to vector<16xf32>
    %swap3A_37 = arith.constant 96 : index
    %swap3A_38 = tpu.vector_load %arg7[%swap3A_37] {strides = array<i32>} : memref<640xf32, #tpu.memory_space<vmem>>, vector<16xf32>,
    %swap3A_39 = vector.shape_cast %swap3A_38 : vector<16xf32> to vector<16xf32>
    %swap3A_40 = vector.shape_cast %broadcast_in_dim3A_36 : vector<16xf32> to vector<16xf32>
    tpu.vector_store %arg7[%swap3A_37], %swap3A_40 {strides = array<i32>} : memref<640xf32, #tpu.memory_space<vmem>>, vector<16xf32>,
    %broadcast_in_dim3A_41 = arith.constant 0.000000e+00 : f32
    %broadcast_in_dim3A_42 = vector.broadcast %broadcast_in_dim3A_41 : f32 to vector<16xf32>
    %swap3A_43 = arith.constant 112 : index
    %swap3A_44 = tpu.vector_load %arg7[%swap3A_43] {strides = array<i32>} : memref<640xf32, #tpu.memory_space<vmem>>, vector<16xf32>,
    %swap3A_45 = vector.shape_cast %swap3A_44 : vector<16xf32> to vector<16xf32>
    %swap3A_46 = vector.shape_cast %broadcast_in_dim3A_42 : vector<16xf32> to vector<16xf32>
    tpu.vector_store %arg7[%swap3A_43], %swap3A_46 {strides = array<i32>} : memref<640xf32, #tpu.memory_space<vmem>>, vector<16xf32>,
    %broadcast_in_dim3A_47 = arith.constant 0.000000e+00 : f32
    %broadcast_in_dim3A_48 = vector.broadcast %broadcast_in_dim3A_47 : f32 to vector<16xf32>
    %swap3A_49 = arith.constant 128 : index
    %swap3A_50 = tpu.vector_load %arg7[%swap3A_49] {strides = array<i32>} : memref<640xf32, #tpu.memory_space<vmem>>, vector<16xf32>,
    %swap3A_51 = vector.shape_cast %swap3A_50 : vector<16xf32> to vector<16xf32>
    %swap3A_52 = vector.shape_cast %broadcast_in_dim3A_48 : vector<16xf32> to vector<16xf32>
    tpu.vector_store %arg7[%swap3A_49], %swap3A_52 {strides = array<i32>} : memref<640xf32, #tpu.memory_space<vmem>>, vector<16xf32>,
    %broadcast_in_dim3A_53 = arith.constant 0.000000e+00 : f32
    %broadcast_in_dim3A_54 = vector.broadcast %broadcast_in_dim3A_53 : f32 to vector<16xf32>
    %swap3A_55 = arith.constant 144 : index
    %swap3A_56 = tpu.vector_load %arg7[%swap3A_55] {strides = array<i32>} : memref<640xf32, #tpu.memory_space<vmem>>, vector<16xf32>,
    %swap3A_57 = vector.shape_cast %swap3A_56 : vector<16xf32> to vector<16xf32>
    %swap3A_58 = vector.shape_cast %broadcast_in_dim3A_54 : vector<16xf32> to vector<16xf32>
    tpu.vector_store %arg7[%swap3A_55], %swap3A_58 {strides = array<i32>} : memref<640xf32, #tpu.memory_space<vmem>>, vector<16xf32>,
    %broadcast_in_dim3A_59 = arith.constant 0.000000e+00 : f32
    %broadcast_in_dim3A_60 = vector.broadcast %broadcast_in_dim3A_59 : f32 to vector<16xf32>
    %swap3A_61 = arith.constant 160 : index
    %swap3A_62 = tpu.vector_load %arg7[%swap3A_61] {strides = array<i32>} : memref<640xf32, #tpu.memory_space<vmem>>, vector<16xf32>,
    %swap3A_63 = vector.shape_cast %swap3A_62 : vector<16xf32> to vector<16xf32>
    %swap3A_64 = vector.shape_cast %broadcast_in_dim3A_60 : vector<16xf32> to vector<16xf32>
    tpu.vector_store %arg7[%swap3A_61], %swap3A_64 {strides = array<i32>} : memref<640xf32, #tpu.memory_space<vmem>>, vector<16xf32>,
    %broadcast_in_dim3A_65 = arith.constant 0.000000e+00 : f32
    %broadcast_in_dim3A_66 = vector.broadcast %broadcast_in_dim3A_65 : f32 to vector<16xf32>
    %swap3A_67 = arith.constant 176 : index
    %swap3A_68 = tpu.vector_load %arg7[%swap3A_67] {strides = array<i32>} : memref<640xf32, #tpu.memory_space<vmem>>, vector<16xf32>,
    %swap3A_69 = vector.shape_cast %swap3A_68 : vector<16xf32> to vector<16xf32>
    %swap3A_70 = vector.shape_cast %broadcast_in_dim3A_66 : vector<16xf32> to vector<16xf32>
    tpu.vector_store %arg7[%swap3A_67], %swap3A_70 {strides = array<i32>} : memref<640xf32, #tpu.memory_space<vmem>>, vector<16xf32>,
    %broadcast_in_dim3A_71 = arith.constant 0.000000e+00 : f32
    %broadcast_in_dim3A_72 = vector.broadcast %broadcast_in_dim3A_71 : f32 to vector<16xf32>
    %swap3A_73 = arith.constant 192 : index
    %swap3A_74 = tpu.vector_load %arg7[%swap3A_73] {strides = array<i32>} : memref<640xf32, #tpu.memory_space<vmem>>, vector<16xf32>,
    %swap3A_75 = vector.shape_cast %swap3A_74 : vector<16xf32> to vector<16xf32>
    %swap3A_76 = vector.shape_cast %broadcast_in_dim3A_72 : vector<16xf32> to vector<16xf32>
    tpu.vector_store %arg7[%swap3A_73], %swap3A_76 {strides = array<i32>} : memref<640xf32, #tpu.memory_space<vmem>>, vector<16xf32>,
    %broadcast_in_dim3A_77 = arith.constant 0.000000e+00 : f32
    %broadcast_in_dim3A_78 = vector.broadcast %broadcast_in_dim3A_77 : f32 to vector<16xf32>
    %swap3A_79 = arith.constant 208 : index
    %swap3A_80 = tpu.vector_load %arg7[%swap3A_79] {strides = array<i32>} : memref<640xf32, #tpu.memory_space<vmem>>, vector<16xf32>,
    %swap3A_81 = vector.shape_cast %swap3A_80 : vector<16xf32> to vector<16xf32>
    %swap3A_82 = vector.shape_cast %broadcast_in_dim3A_78 : vector<16xf32> to vector<16xf32>
    tpu.vector_store %arg7[%swap3A_79], %swap3A_82 {strides = array<i32>} : memref<640xf32, #tpu.memory_space<vmem>>, vector<16xf32>,
    %broadcast_in_dim3A_83 = arith.constant 0.000000e+00 : f32
    %broadcast_in_dim3A_84 = vector.broadcast %broadcast_in_dim3A_83 : f32 to vector<16xf32>
    %swap3A_85 = arith.constant 224 : index
    %swap3A_86 = tpu.vector_load %arg7[%swap3A_85] {strides = array<i32>} : memref<640xf32, #tpu.memory_space<vmem>>, vector<16xf32>,
    %swap3A_87 = vector.shape_cast %swap3A_86 : vector<16xf32> to vector<16xf32>
    %swap3A_88 = vector.shape_cast %broadcast_in_dim3A_84 : vector<16xf32> to vector<16xf32>
    tpu.vector_store %arg7[%swap3A_85], %swap3A_88 {strides = array<i32>} : memref<640xf32, #tpu.memory_space<vmem>>, vector<16xf32>,
    %broadcast_in_dim3A_89 = arith.constant 0.000000e+00 : f32
    %broadcast_in_dim3A_90 = vector.broadcast %broadcast_in_dim3A_89 : f32 to vector<16xf32>
    %swap3A_91 = arith.constant 240 : index
    %swap3A_92 = tpu.vector_load %arg7[%swap3A_91] {strides = array<i32>} : memref<640xf32, #tpu.memory_space<vmem>>, vector<16xf32>,
    %swap3A_93 = vector.shape_cast %swap3A_92 : vector<16xf32> to vector<16xf32>
    %swap3A_94 = vector.shape_cast %broadcast_in_dim3A_90 : vector<16xf32> to vector<16xf32>
    tpu.vector_store %arg7[%swap3A_91], %swap3A_94 {strides = array<i32>} : memref<640xf32, #tpu.memory_space<vmem>>, vector<16xf32>,
    %broadcast_in_dim3A_95 = arith.constant 0.000000e+00 : f32
    %broadcast_in_dim3A_96 = vector.broadcast %broadcast_in_dim3A_95 : f32 to vector<16xf32>
    %swap3A_97 = arith.constant 256 : index
    %swap3A_98 = tpu.vector_load %arg7[%swap3A_97] {strides = array<i32>} : memref<640xf32, #tpu.memory_space<vmem>>, vector<16xf32>,
    %swap3A_99 = vector.shape_cast %swap3A_98 : vector<16xf32> to vector<16xf32>
    %swap3A_100 = vector.shape_cast %broadcast_in_dim3A_96 : vector<16xf32> to vector<16xf32>
    tpu.vector_store %arg7[%swap3A_97], %swap3A_100 {strides = array<i32>} : memref<640xf32, #tpu.memory_space<vmem>>, vector<16xf32>,
    %broadcast_in_dim3A_101 = arith.constant 0.000000e+00 : f32
    %broadcast_in_dim3A_102 = vector.broadcast %broadcast_in_dim3A_101 : f32 to vector<16xf32>
    %swap3A_103 = arith.constant 272 : index
    %swap3A_104 = tpu.vector_load %arg7[%swap3A_103] {strides = array<i32>} : memref<640xf32, #tpu.memory_space<vmem>>, vector<16xf32>,
    %swap3A_105 = vector.shape_cast %swap3A_104 : vector<16xf32> to vector<16xf32>
    %swap3A_106 = vector.shape_cast %broadcast_in_dim3A_102 : vector<16xf32> to vector<16xf32>
    tpu.vector_store %arg7[%swap3A_103], %swap3A_106 {strides = array<i32>} : memref<640xf32, #tpu.memory_space<vmem>>, vector<16xf32>,
    %broadcast_in_dim3A_107 = arith.constant 0.000000e+00 : f32
    %broadcast_in_dim3A_108 = vector.broadcast %broadcast_in_dim3A_107 : f32 to vector<16xf32>
    %swap3A_109 = arith.constant 288 : index
    %swap3A_110 = tpu.vector_load %arg7[%swap3A_109] {strides = array<i32>} : memref<640xf32, #tpu.memory_space<vmem>>, vector<16xf32>,
    %swap3A_111 = vector.shape_cast %swap3A_110 : vector<16xf32> to vector<16xf32>
    %swap3A_112 = vector.shape_cast %broadcast_in_dim3A_108 : vector<16xf32> to vector<16xf32>
    tpu.vector_store %arg7[%swap3A_109], %swap3A_112 {strides = array<i32>} : memref<640xf32, #tpu.memory_space<vmem>>, vector<16xf32>,
    %broadcast_in_dim3A_113 = arith.constant 0.000000e+00 : f32
    %broadcast_in_dim3A_114 = vector.broadcast %broadcast_in_dim3A_113 : f32 to vector<16xf32>
    %swap3A_115 = arith.constant 304 : index
    %swap3A_116 = tpu.vector_load %arg7[%swap3A_115] {strides = array<i32>} : memref<640xf32, #tpu.memory_space<vmem>>, vector<16xf32>,
    %swap3A_117 = vector.shape_cast %swap3A_116 : vector<16xf32> to vector<16xf32>
    %swap3A_118 = vector.shape_cast %broadcast_in_dim3A_114 : vector<16xf32> to vector<16xf32>
    tpu.vector_store %arg7[%swap3A_115], %swap3A_118 {strides = array<i32>} : memref<640xf32, #tpu.memory_space<vmem>>, vector<16xf32>,
    %broadcast_in_dim3A_119 = arith.constant 0.000000e+00 : f32
    %broadcast_in_dim3A_120 = vector.broadcast %broadcast_in_dim3A_119 : f32 to vector<16xf32>
    %swap3A_121 = arith.constant 320 : index
    %swap3A_122 = tpu.vector_load %arg7[%swap3A_121] {strides = array<i32>} : memref<640xf32, #tpu.memory_space<vmem>>, vector<16xf32>,
    %swap3A_123 = vector.shape_cast %swap3A_122 : vector<16xf32> to vector<16xf32>
    %swap3A_124 = vector.shape_cast %broadcast_in_dim3A_120 : vector<16xf32> to vector<16xf32>
    tpu.vector_store %arg7[%swap3A_121], %swap3A_124 {strides = array<i32>} : memref<640xf32, #tpu.memory_space<vmem>>, vector<16xf32>,
    %broadcast_in_dim3A_125 = arith.constant 0.000000e+00 : f32
    %broadcast_in_dim3A_126 = vector.broadcast %broadcast_in_dim3A_125 : f32 to vector<16xf32>
    %swap3A_127 = arith.constant 336 : index
    %swap3A_128 = tpu.vector_load %arg7[%swap3A_127] {strides = array<i32>} : memref<640xf32, #tpu.memory_space<vmem>>, vector<16xf32>,
    %swap3A_129 = vector.shape_cast %swap3A_128 : vector<16xf32> to vector<16xf32>
    %swap3A_130 = vector.shape_cast %broadcast_in_dim3A_126 : vector<16xf32> to vector<16xf32>
    tpu.vector_store %arg7[%swap3A_127], %swap3A_130 {strides = array<i32>} : memref<640xf32, #tpu.memory_space<vmem>>, vector<16xf32>,
    %broadcast_in_dim3A_131 = arith.constant 0.000000e+00 : f32
    %broadcast_in_dim3A_132 = vector.broadcast %broadcast_in_dim3A_131 : f32 to vector<16xf32>
    %swap3A_133 = arith.constant 352 : index
    %swap3A_134 = tpu.vector_load %arg7[%swap3A_133] {strides = array<i32>} : memref<640xf32, #tpu.memory_space<vmem>>, vector<16xf32>,
    %swap3A_135 = vector.shape_cast %swap3A_134 : vector<16xf32> to vector<16xf32>
    %swap3A_136 = vector.shape_cast %broadcast_in_dim3A_132 : vector<16xf32> to vector<16xf32>
    tpu.vector_store %arg7[%swap3A_133], %swap3A_136 {strides = array<i32>} : memref<640xf32, #tpu.memory_space<vmem>>, vector<16xf32>,
    %broadcast_in_dim3A_137 = arith.constant 0.000000e+00 : f32
    %broadcast_in_dim3A_138 = vector.broadcast %broadcast_in_dim3A_137 : f32 to vector<16xf32>
    %swap3A_139 = arith.constant 368 : index
    %swap3A_140 = tpu.vector_load %arg7[%swap3A_139] {strides = array<i32>} : memref<640xf32, #tpu.memory_space<vmem>>, vector<16xf32>,
    %swap3A_141 = vector.shape_cast %swap3A_140 : vector<16xf32> to vector<16xf32>
    %swap3A_142 = vector.shape_cast %broadcast_in_dim3A_138 : vector<16xf32> to vector<16xf32>
    tpu.vector_store %arg7[%swap3A_139], %swap3A_142 {strides = array<i32>} : memref<640xf32, #tpu.memory_space<vmem>>, vector<16xf32>,
    %broadcast_in_dim3A_143 = arith.constant 0.000000e+00 : f32
    %broadcast_in_dim3A_144 = vector.broadcast %broadcast_in_dim3A_143 : f32 to vector<16xf32>
    %swap3A_145 = arith.constant 384 : index
    %swap3A_146 = tpu.vector_load %arg7[%swap3A_145] {strides = array<i32>} : memref<640xf32, #tpu.memory_space<vmem>>, vector<16xf32>,
    %swap3A_147 = vector.shape_cast %swap3A_146 : vector<16xf32> to vector<16xf32>
    %swap3A_148 = vector.shape_cast %broadcast_in_dim3A_144 : vector<16xf32> to vector<16xf32>
    tpu.vector_store %arg7[%swap3A_145], %swap3A_148 {strides = array<i32>} : memref<640xf32, #tpu.memory_space<vmem>>, vector<16xf32>,
    %broadcast_in_dim3A_149 = arith.constant 0.000000e+00 : f32
    %broadcast_in_dim3A_150 = vector.broadcast %broadcast_in_dim3A_149 : f32 to vector<16xf32>
    %swap3A_151 = arith.constant 400 : index
    %swap3A_152 = tpu.vector_load %arg7[%swap3A_151] {strides = array<i32>} : memref<640xf32, #tpu.memory_space<vmem>>, vector<16xf32>,
    %swap3A_153 = vector.shape_cast %swap3A_152 : vector<16xf32> to vector<16xf32>
    %swap3A_154 = vector.shape_cast %broadcast_in_dim3A_150 : vector<16xf32> to vector<16xf32>
    tpu.vector_store %arg7[%swap3A_151], %swap3A_154 {strides = array<i32>} : memref<640xf32, #tpu.memory_space<vmem>>, vector<16xf32>,
    %broadcast_in_dim3A_155 = arith.constant 0.000000e+00 : f32
    %broadcast_in_dim3A_156 = vector.broadcast %broadcast_in_dim3A_155 : f32 to vector<16xf32>
    %swap3A_157 = arith.constant 416 : index
    %swap3A_158 = tpu.vector_load %arg7[%swap3A_157] {strides = array<i32>} : memref<640xf32, #tpu.memory_space<vmem>>, vector<16xf32>,
    %swap3A_159 = vector.shape_cast %swap3A_158 : vector<16xf32> to vector<16xf32>
    %swap3A_160 = vector.shape_cast %broadcast_in_dim3A_156 : vector<16xf32> to vector<16xf32>
    tpu.vector_store %arg7[%swap3A_157], %swap3A_160 {strides = array<i32>} : memref<640xf32, #tpu.memory_space<vmem>>, vector<16xf32>,
    %broadcast_in_dim3A_161 = arith.constant 0.000000e+00 : f32
    %broadcast_in_dim3A_162 = vector.broadcast %broadcast_in_dim3A_161 : f32 to vector<16xf32>
    %swap3A_163 = arith.constant 432 : index
    %swap3A_164 = tpu.vector_load %arg7[%swap3A_163] {strides = array<i32>} : memref<640xf32, #tpu.memory_space<vmem>>, vector<16xf32>,
    %swap3A_165 = vector.shape_cast %swap3A_164 : vector<16xf32> to vector<16xf32>
    %swap3A_166 = vector.shape_cast %broadcast_in_dim3A_162 : vector<16xf32> to vector<16xf32>
    tpu.vector_store %arg7[%swap3A_163], %swap3A_166 {strides = array<i32>} : memref<640xf32, #tpu.memory_space<vmem>>, vector<16xf32>,
    %broadcast_in_dim3A_167 = arith.constant 0.000000e+00 : f32
    %broadcast_in_dim3A_168 = vector.broadcast %broadcast_in_dim3A_167 : f32 to vector<16xf32>
    %swap3A_169 = arith.constant 448 : index
    %swap3A_170 = tpu.vector_load %arg7[%swap3A_169] {strides = array<i32>} : memref<640xf32, #tpu.memory_space<vmem>>, vector<16xf32>,
    %swap3A_171 = vector.shape_cast %swap3A_170 : vector<16xf32> to vector<16xf32>
    %swap3A_172 = vector.shape_cast %broadcast_in_dim3A_168 : vector<16xf32> to vector<16xf32>
    tpu.vector_store %arg7[%swap3A_169], %swap3A_172 {strides = array<i32>} : memref<640xf32, #tpu.memory_space<vmem>>, vector<16xf32>,
    %broadcast_in_dim3A_173 = arith.constant 0.000000e+00 : f32
    %broadcast_in_dim3A_174 = vector.broadcast %broadcast_in_dim3A_173 : f32 to vector<16xf32>
    %swap3A_175 = arith.constant 464 : index
    %swap3A_176 = tpu.vector_load %arg7[%swap3A_175] {strides = array<i32>} : memref<640xf32, #tpu.memory_space<vmem>>, vector<16xf32>,
    %swap3A_177 = vector.shape_cast %swap3A_176 : vector<16xf32> to vector<16xf32>
    %swap3A_178 = vector.shape_cast %broadcast_in_dim3A_174 : vector<16xf32> to vector<16xf32>
    tpu.vector_store %arg7[%swap3A_175], %swap3A_178 {strides = array<i32>} : memref<640xf32, #tpu.memory_space<vmem>>, vector<16xf32>,
    %broadcast_in_dim3A_179 = arith.constant 0.000000e+00 : f32
    %broadcast_in_dim3A_180 = vector.broadcast %broadcast_in_dim3A_179 : f32 to vector<16xf32>
    %swap3A_181 = arith.constant 480 : index
    %swap3A_182 = tpu.vector_load %arg7[%swap3A_181] {strides = array<i32>} : memref<640xf32, #tpu.memory_space<vmem>>, vector<16xf32>,
    %swap3A_183 = vector.shape_cast %swap3A_182 : vector<16xf32> to vector<16xf32>
    %swap3A_184 = vector.shape_cast %broadcast_in_dim3A_180 : vector<16xf32> to vector<16xf32>
    tpu.vector_store %arg7[%swap3A_181], %swap3A_184 {strides = array<i32>} : memref<640xf32, #tpu.memory_space<vmem>>, vector<16xf32>,
    %broadcast_in_dim3A_185 = arith.constant 0.000000e+00 : f32
    %broadcast_in_dim3A_186 = vector.broadcast %broadcast_in_dim3A_185 : f32 to vector<16xf32>
    %swap3A_187 = arith.constant 496 : index
    %swap3A_188 = tpu.vector_load %arg7[%swap3A_187] {strides = array<i32>} : memref<640xf32, #tpu.memory_space<vmem>>, vector<16xf32>,
    %swap3A_189 = vector.shape_cast %swap3A_188 : vector<16xf32> to vector<16xf32>
    %swap3A_190 = vector.shape_cast %broadcast_in_dim3A_186 : vector<16xf32> to vector<16xf32>
    tpu.vector_store %arg7[%swap3A_187], %swap3A_190 {strides = array<i32>} : memref<640xf32, #tpu.memory_space<vmem>>, vector<16xf32>,
    %broadcast_in_dim3A_191 = arith.constant 0.000000e+00 : f32
    %broadcast_in_dim3A_192 = vector.broadcast %broadcast_in_dim3A_191 : f32 to vector<16xf32>
    %swap3A_193 = arith.constant 512 : index
    %swap3A_194 = tpu.vector_load %arg7[%swap3A_193] {strides = array<i32>} : memref<640xf32, #tpu.memory_space<vmem>>, vector<16xf32>,
    %swap3A_195 = vector.shape_cast %swap3A_194 : vector<16xf32> to vector<16xf32>
    %swap3A_196 = vector.shape_cast %broadcast_in_dim3A_192 : vector<16xf32> to vector<16xf32>
    tpu.vector_store %arg7[%swap3A_193], %swap3A_196 {strides = array<i32>} : memref<640xf32, #tpu.memory_space<vmem>>, vector<16xf32>,
    %broadcast_in_dim3A_197 = arith.constant 0.000000e+00 : f32
    %broadcast_in_dim3A_198 = vector.broadcast %broadcast_in_dim3A_197 : f32 to vector<16xf32>
    %swap3A_199 = arith.constant 528 : index
    %swap3A_200 = tpu.vector_load %arg7[%swap3A_199] {strides = array<i32>} : memref<640xf32, #tpu.memory_space<vmem>>, vector<16xf32>,
    %swap3A_201 = vector.shape_cast %swap3A_200 : vector<16xf32> to vector<16xf32>
    %swap3A_202 = vector.shape_cast %broadcast_in_dim3A_198 : vector<16xf32> to vector<16xf32>
    tpu.vector_store %arg7[%swap3A_199], %swap3A_202 {strides = array<i32>} : memref<640xf32, #tpu.memory_space<vmem>>, vector<16xf32>,
    %broadcast_in_dim3A_203 = arith.constant 0.000000e+00 : f32
    %broadcast_in_dim3A_204 = vector.broadcast %broadcast_in_dim3A_203 : f32 to vector<16xf32>
    %swap3A_205 = arith.constant 544 : index
    %swap3A_206 = tpu.vector_load %arg7[%swap3A_205] {strides = array<i32>} : memref<640xf32, #tpu.memory_space<vmem>>, vector<16xf32>,
    %swap3A_207 = vector.shape_cast %swap3A_206 : vector<16xf32> to vector<16xf32>
    %swap3A_208 = vector.shape_cast %broadcast_in_dim3A_204 : vector<16xf32> to vector<16xf32>
    tpu.vector_store %arg7[%swap3A_205], %swap3A_208 {strides = array<i32>} : memref<640xf32, #tpu.memory_space<vmem>>, vector<16xf32>,
    %broadcast_in_dim3A_209 = arith.constant 0.000000e+00 : f32
    %broadcast_in_dim3A_210 = vector.broadcast %broadcast_in_dim3A_209 : f32 to vector<16xf32>
    %swap3A_211 = arith.constant 560 : index
    %swap3A_212 = tpu.vector_load %arg7[%swap3A_211] {strides = array<i32>} : memref<640xf32, #tpu.memory_space<vmem>>, vector<16xf32>,
    %swap3A_213 = vector.shape_cast %swap3A_212 : vector<16xf32> to vector<16xf32>
    %swap3A_214 = vector.shape_cast %broadcast_in_dim3A_210 : vector<16xf32> to vector<16xf32>
    tpu.vector_store %arg7[%swap3A_211], %swap3A_214 {strides = array<i32>} : memref<640xf32, #tpu.memory_space<vmem>>, vector<16xf32>,
    %broadcast_in_dim3A_215 = arith.constant 0.000000e+00 : f32
    %broadcast_in_dim3A_216 = vector.broadcast %broadcast_in_dim3A_215 : f32 to vector<16xf32>
    %swap3A_217 = arith.constant 576 : index
    %swap3A_218 = tpu.vector_load %arg7[%swap3A_217] {strides = array<i32>} : memref<640xf32, #tpu.memory_space<vmem>>, vector<16xf32>,
    %swap3A_219 = vector.shape_cast %swap3A_218 : vector<16xf32> to vector<16xf32>
    %swap3A_220 = vector.shape_cast %broadcast_in_dim3A_216 : vector<16xf32> to vector<16xf32>
    tpu.vector_store %arg7[%swap3A_217], %swap3A_220 {strides = array<i32>} : memref<640xf32, #tpu.memory_space<vmem>>, vector<16xf32>,
    %broadcast_in_dim3A_221 = arith.constant 0.000000e+00 : f32
    %broadcast_in_dim3A_222 = vector.broadcast %broadcast_in_dim3A_221 : f32 to vector<16xf32>
    %swap3A_223 = arith.constant 592 : index
    %swap3A_224 = tpu.vector_load %arg7[%swap3A_223] {strides = array<i32>} : memref<640xf32, #tpu.memory_space<vmem>>, vector<16xf32>,
    %swap3A_225 = vector.shape_cast %swap3A_224 : vector<16xf32> to vector<16xf32>
    %swap3A_226 = vector.shape_cast %broadcast_in_dim3A_222 : vector<16xf32> to vector<16xf32>
    tpu.vector_store %arg7[%swap3A_223], %swap3A_226 {strides = array<i32>} : memref<640xf32, #tpu.memory_space<vmem>>, vector<16xf32>,
    %broadcast_in_dim3A_227 = arith.constant 0.000000e+00 : f32
    %broadcast_in_dim3A_228 = vector.broadcast %broadcast_in_dim3A_227 : f32 to vector<16xf32>
    %swap3A_229 = arith.constant 608 : index
    %swap3A_230 = tpu.vector_load %arg7[%swap3A_229] {strides = array<i32>} : memref<640xf32, #tpu.memory_space<vmem>>, vector<16xf32>,
    %swap3A_231 = vector.shape_cast %swap3A_230 : vector<16xf32> to vector<16xf32>
    %swap3A_232 = vector.shape_cast %broadcast_in_dim3A_228 : vector<16xf32> to vector<16xf32>
    tpu.vector_store %arg7[%swap3A_229], %swap3A_232 {strides = array<i32>} : memref<640xf32, #tpu.memory_space<vmem>>, vector<16xf32>,
    %broadcast_in_dim3A_233 = arith.constant 0.000000e+00 : f32
    %broadcast_in_dim3A_234 = vector.broadcast %broadcast_in_dim3A_233 : f32 to vector<16xf32>
    %swap3A_235 = arith.constant 624 : index
    %swap3A_236 = tpu.vector_load %arg7[%swap3A_235] {strides = array<i32>} : memref<640xf32, #tpu.memory_space<vmem>>, vector<16xf32>,
    %swap3A_237 = vector.shape_cast %swap3A_236 : vector<16xf32> to vector<16xf32>
    %swap3A_238 = vector.shape_cast %broadcast_in_dim3A_234 : vector<16xf32> to vector<16xf32>
    tpu.vector_store %arg7[%swap3A_235], %swap3A_238 {strides = array<i32>} : memref<640xf32, #tpu.memory_space<vmem>>, vector<16xf32>,
    %mul3A_239 = arith.constant 640 : i32
    %mul3A_240 = arith.muli %arg1, %mul3A_239 : i32
    "tpu.region"() ({
      %run_scoped3A = tpu.sem_alloc : memref<!tpu.dma_semaphore, #tpu.memory_space<semaphore_mem>>
      %dma_start3A = tpu.memref_slice %arg8[%mul3A_240] : memref<10240xf32, #tpu.memory_space<vmem_shared>> -> memref<640xf32, #tpu.memory_space<vmem_shared>>
      %dma_start3A_247 = tpu.memref_slice %arg8[%mul3A_240] : memref<10240xf32, #tpu.memory_space<vmem_shared>> -> memref<640xf32, #tpu.memory_space<vmem_shared>>
      tpu.enqueue_dma source(%arg7 : memref<640xf32, #tpu.memory_space<vmem>>) target(%dma_start3A_247 : memref<640xf32, #tpu.memory_space<vmem_shared>>) target_semaphore(%run_scoped3A : memref<!tpu.dma_semaphore, #tpu.memory_space<semaphore_mem>>)
      %dma_wait3A = tpu.memref_slice %arg8[%mul3A_240] : memref<10240xf32, #tpu.memory_space<vmem_shared>> -> memref<640xf32, #tpu.memory_space<vmem_shared>>
      %dma_wait3A_248 = tpu.memref_slice %arg8[%mul3A_240] : memref<10240xf32, #tpu.memory_space<vmem_shared>> -> memref<640xf32, #tpu.memory_space<vmem_shared>>
      tpu.wait_dma2 semaphore(%run_scoped3A : memref<!tpu.dma_semaphore, #tpu.memory_space<semaphore_mem>>) src(%arg7 : memref<640xf32, #tpu.memory_space<vmem>>) dst(%dma_wait3A_248 : memref<640xf32, #tpu.memory_space<vmem_shared>>)
      tpu.yield
    }) : () -> ()
    %barrier3A = arith.constant 0 : index
    tpu.barrier barrier_id(%barrier3A)
    %scan3A = arith.constant 0 : i32
    %scan3A_241 = arith.constant 0 : i32
    %scan3A_242 = arith.constant 79 : i32
    %scan3A_243 = arith.addi %scan3A_241, %scan3A_242 : i32
    %scan3A_244 = arith.constant 1 : i32
    scf.for %scan3A_247 = %scan3A_241 to %scan3A_243 step %scan3A_244  : i32 {
      %mul3A_248 = arith.constant 10112 : i32
      %mul3A_249 = arith.muli %add3A, %mul3A_248 : i32
      %mul3A_250 = arith.constant 128 : i32
      %mul3A_251 = arith.muli %scan3A_247, %mul3A_250 : i32
      %add3A_252 = arith.addi %mul3A_249, %mul3A_251 : i32
      "tpu.region"() ({
        %run_scoped3A = tpu.sem_alloc : memref<!tpu.dma_semaphore, #tpu.memory_space<semaphore_mem>>
        %dma_start3A = tpu.memref_slice %arg2[%add3A_252] : memref<323584xi32, #tpu.memory_space<hbm>> -> memref<128xi32, #tpu.memory_space<hbm>>
        %dma_start3A_253 = tpu.memref_slice %arg2[%add3A_252] : memref<323584xi32, #tpu.memory_space<hbm>> -> memref<128xi32, #tpu.memory_space<hbm>>
        tpu.enqueue_dma source(%dma_start3A_253 : memref<128xi32, #tpu.memory_space<hbm>>) target(%arg5 : memref<128xi32, #tpu.memory_space<vmem>>) target_semaphore(%run_scoped3A : memref<!tpu.dma_semaphore, #tpu.memory_space<semaphore_mem>>)
        %dma_wait3A = tpu.memref_slice %arg2[%add3A_252] : memref<323584xi32, #tpu.memory_space<hbm>> -> memref<128xi32, #tpu.memory_space<hbm>>
        %dma_wait3A_254 = tpu.memref_slice %arg2[%add3A_252] : memref<323584xi32, #tpu.memory_space<hbm>> -> memref<128xi32, #tpu.memory_space<hbm>>
        tpu.wait_dma2 semaphore(%run_scoped3A : memref<!tpu.dma_semaphore, #tpu.memory_space<semaphore_mem>>) src(%dma_wait3A_254 : memref<128xi32, #tpu.memory_space<hbm>>) dst(%arg5 : memref<128xi32, #tpu.memory_space<vmem>>)
        tpu.yield
      }) : () -> ()
      "tpu.region"() ({
        %run_scoped3A = tpu.sem_alloc : memref<!tpu.dma_semaphore, #tpu.memory_space<semaphore_mem>>
        %dma_start3A = tpu.memref_slice %arg3[%add3A_252] : memref<323584xf32, #tpu.memory_space<hbm>> -> memref<128xf32, #tpu.memory_space<hbm>>
        %dma_start3A_253 = tpu.memref_slice %arg3[%add3A_252] : memref<323584xf32, #tpu.memory_space<hbm>> -> memref<128xf32, #tpu.memory_space<hbm>>
        tpu.enqueue_dma source(%dma_start3A_253 : memref<128xf32, #tpu.memory_space<hbm>>) target(%arg6 : memref<128xf32, #tpu.memory_space<vmem>>) target_semaphore(%run_scoped3A : memref<!tpu.dma_semaphore, #tpu.memory_space<semaphore_mem>>)
        %dma_wait3A = tpu.memref_slice %arg3[%add3A_252] : memref<323584xf32, #tpu.memory_space<hbm>> -> memref<128xf32, #tpu.memory_space<hbm>>
        %dma_wait3A_254 = tpu.memref_slice %arg3[%add3A_252] : memref<323584xf32, #tpu.memory_space<hbm>> -> memref<128xf32, #tpu.memory_space<hbm>>
        tpu.wait_dma2 semaphore(%run_scoped3A : memref<!tpu.dma_semaphore, #tpu.memory_space<semaphore_mem>>) src(%dma_wait3A_254 : memref<128xf32, #tpu.memory_space<hbm>>) dst(%arg6 : memref<128xf32, #tpu.memory_space<vmem>>)
        tpu.yield
      }) : () -> ()
      "tpu.region"() ({
        %run_scoped3A = tpu.sem_alloc : memref<!tpu.dma_semaphore, #tpu.memory_space<semaphore_mem>>
        %dma_start3A = arith.constant 0 : i32
        %dma_start3A_253 = tpu.memref_slice %arg8[%dma_start3A] : memref<10240xf32, #tpu.memory_space<vmem_shared>> -> memref<10240xf32, #tpu.memory_space<vmem_shared>>
        tpu.enqueue_indirect_dma source(%arg6 : memref<128xf32, #tpu.memory_space<vmem>>) target(%dma_start3A_253 : memref<10240xf32, #tpu.memory_space<vmem_shared>>) offsets(%arg5 : memref<128xi32, #tpu.memory_space<vmem>>) semaphore(%run_scoped3A : memref<!tpu.dma_semaphore, #tpu.memory_space<semaphore_mem>>) {add = true}
        %dma_wait3A = arith.constant 0 : i32
        %dma_wait3A_254 = tpu.memref_slice %arg8[%dma_wait3A] : memref<10240xf32, #tpu.memory_space<vmem_shared>> -> memref<10240xf32, #tpu.memory_space<vmem_shared>>
        tpu.wait_indirect_dma semaphore(%run_scoped3A : memref<!tpu.dma_semaphore, #tpu.memory_space<semaphore_mem>>) src(%arg6 : memref<128xf32, #tpu.memory_space<vmem>>) dst(%dma_wait3A_254 : memref<10240xf32, #tpu.memory_space<vmem_shared>>)
        tpu.yield
      }) : () -> ()
    }
    %scan3A_245 = arith.constant 79 : i32
    %barrier3A_246 = arith.constant 0 : index
    tpu.barrier barrier_id(%barrier3A_246)
    "tpu.region"() ({
      %run_scoped3A = tpu.sem_alloc : memref<!tpu.dma_semaphore, #tpu.memory_space<semaphore_mem>>
      %dma_start3A = tpu.memref_slice %arg4[%arg0, %mul3A_240] : memref<2x10240xf32, #tpu.memory_space<hbm>> -> memref<1x640xf32, #tpu.memory_space<hbm>>
      %dma_start3A_247 = tpu.memref_squeeze %dma_start3A : memref<1x640xf32, #tpu.memory_space<hbm>> -> memref<640xf32, #tpu.memory_space<hbm>>
      %dma_start3A_248 = tpu.memref_slice %arg8[%mul3A_240] : memref<10240xf32, #tpu.memory_space<vmem_shared>> -> memref<640xf32, #tpu.memory_space<vmem_shared>>
      tpu.enqueue_dma source(%dma_start3A_248 : memref<640xf32, #tpu.memory_space<vmem_shared>>) target(%dma_start3A_247 : memref<640xf32, #tpu.memory_space<hbm>>) target_semaphore(%run_scoped3A : memref<!tpu.dma_semaphore, #tpu.memory_space<semaphore_mem>>)
      %dma_wait3A = tpu.memref_slice %arg4[%arg0, %mul3A_240] : memref<2x10240xf32, #tpu.memory_space<hbm>> -> memref<1x640xf32, #tpu.memory_space<hbm>>
      %dma_wait3A_249 = tpu.memref_squeeze %dma_wait3A : memref<1x640xf32, #tpu.memory_space<hbm>> -> memref<640xf32, #tpu.memory_space<hbm>>
      %dma_wait3A_250 = tpu.memref_slice %arg8[%mul3A_240] : memref<10240xf32, #tpu.memory_space<vmem_shared>> -> memref<640xf32, #tpu.memory_space<vmem_shared>>
      tpu.wait_dma2 semaphore(%run_scoped3A : memref<!tpu.dma_semaphore, #tpu.memory_space<semaphore_mem>>) src(%dma_wait3A_250 : memref<640xf32, #tpu.memory_space<vmem_shared>>) dst(%dma_wait3A_249 : memref<640xf32, #tpu.memory_space<hbm>>)
      tpu.yield
    }) : () -> ()
    return
  }
}

#map = affine_map<(d0, d1) -> (0)>
#map1 = affine_map<(d0, d1) -> (0, 0)>
#map2 = affine_map<(d0, d1) -> (0, 0, 0)>
module attributes {stable_mosaic.version = 14 : i64} {
  func.func @_spmm_kernel(%arg0: i32, %arg1: i32, %arg2: memref<323584xi32, #tpu.memory_space<hbm>>, %arg3: memref<323584xi32, #tpu.memory_space<hbm>>, %arg4: memref<323584xf32, #tpu.memory_space<hbm>>, %arg5: memref<10240x128xf32, #tpu.memory_space<hbm>>, %arg6: memref<2x10240x128xf32, #tpu.memory_space<hbm>>, %arg7: memref<128xi32, #tpu.memory_space<vmem>>, %arg8: memref<128xi32, #tpu.memory_space<vmem>>, %arg9: memref<128xf32, #tpu.memory_space<vmem>>, %arg10: memref<128x128xf32, #tpu.memory_space<vmem>>, %arg11: memref<128x128xf32, #tpu.memory_space<vmem>>, %arg12: memref<10240x128xf32, #tpu.memory_space<vmem_shared>>, %arg13: memref<!tpu.dma_semaphore, #tpu.memory_space<semaphore_mem>>) attributes {dimension_semantics = [#tpu.dimension_semantics<core_parallel>, #tpu.dimension_semantics<subcore_parallel>], iteration_bounds = array<i64: 2, 16>, scalar_prefetch = 0 : i64, scratch_operands = 7 : i64, tpu.core_type = #tpu.core_type<sc_vector_subcore>, window_params = [{transform_indices = #map}, {transform_indices = #map}, {transform_indices = #map}, {transform_indices = #map1}, {transform_indices = #map2}]} {
    %mul3A = arith.constant 16 : i32
    %mul3A_0 = arith.muli %arg0, %mul3A : i32
    %add3A = arith.addi %mul3A_0, %arg1 : i32
    %scan3A = arith.constant 0 : i32
    %scan3A_1 = arith.constant 0 : i32
    %scan3A_2 = arith.constant 128 : i32
    %scan3A_3 = arith.addi %scan3A_1, %scan3A_2 : i32
    %scan3A_4 = arith.constant 1 : i32
    scf.for %scan3A_21 = %scan3A_1 to %scan3A_3 step %scan3A_4  : i32 {
      %broadcast_in_dim3A = arith.constant 0.000000e+00 : f32
      %broadcast_in_dim3A_22 = vector.broadcast %broadcast_in_dim3A : f32 to vector<16xf32>
      %swap3A = arith.index_cast %scan3A_21 : i32 to index
      %swap3A_23 = arith.constant 0 : index
      %swap3A_24 = tpu.vector_load %arg11[%swap3A, %swap3A_23] {strides = array<i32>} : memref<128x128xf32, #tpu.memory_space<vmem>>, vector<1x16xf32>,
      %swap3A_25 = vector.shape_cast %swap3A_24 : vector<1x16xf32> to vector<16xf32>
      %swap3A_26 = vector.shape_cast %broadcast_in_dim3A_22 : vector<16xf32> to vector<1x16xf32>
      tpu.vector_store %arg11[%swap3A, %swap3A_23], %swap3A_26 {strides = array<i32>} : memref<128x128xf32, #tpu.memory_space<vmem>>, vector<1x16xf32>,
      %broadcast_in_dim3A_27 = arith.constant 0.000000e+00 : f32
      %broadcast_in_dim3A_28 = vector.broadcast %broadcast_in_dim3A_27 : f32 to vector<16xf32>
      %swap3A_29 = arith.index_cast %scan3A_21 : i32 to index
      %swap3A_30 = arith.constant 16 : index
      %swap3A_31 = tpu.vector_load %arg11[%swap3A_29, %swap3A_30] {strides = array<i32>} : memref<128x128xf32, #tpu.memory_space<vmem>>, vector<1x16xf32>,
      %swap3A_32 = vector.shape_cast %swap3A_31 : vector<1x16xf32> to vector<16xf32>
      %swap3A_33 = vector.shape_cast %broadcast_in_dim3A_28 : vector<16xf32> to vector<1x16xf32>
      tpu.vector_store %arg11[%swap3A_29, %swap3A_30], %swap3A_33 {strides = array<i32>} : memref<128x128xf32, #tpu.memory_space<vmem>>, vector<1x16xf32>,
      %broadcast_in_dim3A_34 = arith.constant 0.000000e+00 : f32
      %broadcast_in_dim3A_35 = vector.broadcast %broadcast_in_dim3A_34 : f32 to vector<16xf32>
      %swap3A_36 = arith.index_cast %scan3A_21 : i32 to index
      %swap3A_37 = arith.constant 32 : index
      %swap3A_38 = tpu.vector_load %arg11[%swap3A_36, %swap3A_37] {strides = array<i32>} : memref<128x128xf32, #tpu.memory_space<vmem>>, vector<1x16xf32>,
      %swap3A_39 = vector.shape_cast %swap3A_38 : vector<1x16xf32> to vector<16xf32>
      %swap3A_40 = vector.shape_cast %broadcast_in_dim3A_35 : vector<16xf32> to vector<1x16xf32>
      tpu.vector_store %arg11[%swap3A_36, %swap3A_37], %swap3A_40 {strides = array<i32>} : memref<128x128xf32, #tpu.memory_space<vmem>>, vector<1x16xf32>,
      %broadcast_in_dim3A_41 = arith.constant 0.000000e+00 : f32
      %broadcast_in_dim3A_42 = vector.broadcast %broadcast_in_dim3A_41 : f32 to vector<16xf32>
      %swap3A_43 = arith.index_cast %scan3A_21 : i32 to index
      %swap3A_44 = arith.constant 48 : index
      %swap3A_45 = tpu.vector_load %arg11[%swap3A_43, %swap3A_44] {strides = array<i32>} : memref<128x128xf32, #tpu.memory_space<vmem>>, vector<1x16xf32>,
      %swap3A_46 = vector.shape_cast %swap3A_45 : vector<1x16xf32> to vector<16xf32>
      %swap3A_47 = vector.shape_cast %broadcast_in_dim3A_42 : vector<16xf32> to vector<1x16xf32>
      tpu.vector_store %arg11[%swap3A_43, %swap3A_44], %swap3A_47 {strides = array<i32>} : memref<128x128xf32, #tpu.memory_space<vmem>>, vector<1x16xf32>,
      %broadcast_in_dim3A_48 = arith.constant 0.000000e+00 : f32
      %broadcast_in_dim3A_49 = vector.broadcast %broadcast_in_dim3A_48 : f32 to vector<16xf32>
      %swap3A_50 = arith.index_cast %scan3A_21 : i32 to index
      %swap3A_51 = arith.constant 64 : index
      %swap3A_52 = tpu.vector_load %arg11[%swap3A_50, %swap3A_51] {strides = array<i32>} : memref<128x128xf32, #tpu.memory_space<vmem>>, vector<1x16xf32>,
      %swap3A_53 = vector.shape_cast %swap3A_52 : vector<1x16xf32> to vector<16xf32>
      %swap3A_54 = vector.shape_cast %broadcast_in_dim3A_49 : vector<16xf32> to vector<1x16xf32>
      tpu.vector_store %arg11[%swap3A_50, %swap3A_51], %swap3A_54 {strides = array<i32>} : memref<128x128xf32, #tpu.memory_space<vmem>>, vector<1x16xf32>,
      %broadcast_in_dim3A_55 = arith.constant 0.000000e+00 : f32
      %broadcast_in_dim3A_56 = vector.broadcast %broadcast_in_dim3A_55 : f32 to vector<16xf32>
      %swap3A_57 = arith.index_cast %scan3A_21 : i32 to index
      %swap3A_58 = arith.constant 80 : index
      %swap3A_59 = tpu.vector_load %arg11[%swap3A_57, %swap3A_58] {strides = array<i32>} : memref<128x128xf32, #tpu.memory_space<vmem>>, vector<1x16xf32>,
      %swap3A_60 = vector.shape_cast %swap3A_59 : vector<1x16xf32> to vector<16xf32>
      %swap3A_61 = vector.shape_cast %broadcast_in_dim3A_56 : vector<16xf32> to vector<1x16xf32>
      tpu.vector_store %arg11[%swap3A_57, %swap3A_58], %swap3A_61 {strides = array<i32>} : memref<128x128xf32, #tpu.memory_space<vmem>>, vector<1x16xf32>,
      %broadcast_in_dim3A_62 = arith.constant 0.000000e+00 : f32
      %broadcast_in_dim3A_63 = vector.broadcast %broadcast_in_dim3A_62 : f32 to vector<16xf32>
      %swap3A_64 = arith.index_cast %scan3A_21 : i32 to index
      %swap3A_65 = arith.constant 96 : index
      %swap3A_66 = tpu.vector_load %arg11[%swap3A_64, %swap3A_65] {strides = array<i32>} : memref<128x128xf32, #tpu.memory_space<vmem>>, vector<1x16xf32>,
      %swap3A_67 = vector.shape_cast %swap3A_66 : vector<1x16xf32> to vector<16xf32>
      %swap3A_68 = vector.shape_cast %broadcast_in_dim3A_63 : vector<16xf32> to vector<1x16xf32>
      tpu.vector_store %arg11[%swap3A_64, %swap3A_65], %swap3A_68 {strides = array<i32>} : memref<128x128xf32, #tpu.memory_space<vmem>>, vector<1x16xf32>,
      %broadcast_in_dim3A_69 = arith.constant 0.000000e+00 : f32
      %broadcast_in_dim3A_70 = vector.broadcast %broadcast_in_dim3A_69 : f32 to vector<16xf32>
      %swap3A_71 = arith.index_cast %scan3A_21 : i32 to index
      %swap3A_72 = arith.constant 112 : index
      %swap3A_73 = tpu.vector_load %arg11[%swap3A_71, %swap3A_72] {strides = array<i32>} : memref<128x128xf32, #tpu.memory_space<vmem>>, vector<1x16xf32>,
      %swap3A_74 = vector.shape_cast %swap3A_73 : vector<1x16xf32> to vector<16xf32>
      %swap3A_75 = vector.shape_cast %broadcast_in_dim3A_70 : vector<16xf32> to vector<1x16xf32>
      tpu.vector_store %arg11[%swap3A_71, %swap3A_72], %swap3A_75 {strides = array<i32>} : memref<128x128xf32, #tpu.memory_space<vmem>>, vector<1x16xf32>,
    }
    %scan3A_5 = arith.constant 128 : i32
    %mul3A_6 = arith.constant 640 : i32
    %mul3A_7 = arith.muli %arg1, %mul3A_6 : i32
    %scan3A_8 = arith.constant 0 : i32
    %scan3A_9 = arith.constant 0 : i32
    %scan3A_10 = arith.constant 5 : i32
    %scan3A_11 = arith.addi %scan3A_9, %scan3A_10 : i32
    %scan3A_12 = arith.constant 1 : i32
    scf.for %scan3A_21 = %scan3A_9 to %scan3A_11 step %scan3A_12  : i32 {
      %mul3A_22 = arith.constant 128 : i32
      %mul3A_23 = arith.muli %scan3A_21, %mul3A_22 : i32
      %add3A_24 = arith.addi %mul3A_7, %mul3A_23 : i32
      "tpu.region"() ({
        %run_scoped3A = tpu.sem_alloc : memref<!tpu.dma_semaphore, #tpu.memory_space<semaphore_mem>>
        %dma_start3A = arith.constant 0 : i32
        %dma_start3A_25 = tpu.memref_slice %arg12[%add3A_24, %dma_start3A] : memref<10240x128xf32, #tpu.memory_space<vmem_shared>> -> memref<128x128xf32, #tpu.memory_space<vmem_shared>>
        %dma_start3A_26 = arith.constant 0 : i32
        %dma_start3A_27 = tpu.memref_slice %arg12[%add3A_24, %dma_start3A_26] : memref<10240x128xf32, #tpu.memory_space<vmem_shared>> -> memref<128x128xf32, #tpu.memory_space<vmem_shared>>
        tpu.enqueue_dma source(%arg11 : memref<128x128xf32, #tpu.memory_space<vmem>>) target(%dma_start3A_27 : memref<128x128xf32, #tpu.memory_space<vmem_shared>>) target_semaphore(%run_scoped3A : memref<!tpu.dma_semaphore, #tpu.memory_space<semaphore_mem>>)
        %dma_wait3A = arith.constant 0 : i32
        %dma_wait3A_28 = tpu.memref_slice %arg12[%add3A_24, %dma_wait3A] : memref<10240x128xf32, #tpu.memory_space<vmem_shared>> -> memref<128x128xf32, #tpu.memory_space<vmem_shared>>
        %dma_wait3A_29 = arith.constant 0 : i32
        %dma_wait3A_30 = tpu.memref_slice %arg12[%add3A_24, %dma_wait3A_29] : memref<10240x128xf32, #tpu.memory_space<vmem_shared>> -> memref<128x128xf32, #tpu.memory_space<vmem_shared>>
        tpu.wait_dma2 semaphore(%run_scoped3A : memref<!tpu.dma_semaphore, #tpu.memory_space<semaphore_mem>>) src(%arg11 : memref<128x128xf32, #tpu.memory_space<vmem>>) dst(%dma_wait3A_30 : memref<128x128xf32, #tpu.memory_space<vmem_shared>>)
        tpu.yield
      }) : () -> ()
    }
    %scan3A_13 = arith.constant 5 : i32
    %barrier3A = arith.constant 0 : index
    tpu.barrier barrier_id(%barrier3A)
    %scan3A_14 = arith.constant 0 : i32
    %scan3A_15 = arith.constant 0 : i32
    %scan3A_16 = arith.constant 79 : i32
    %scan3A_17 = arith.addi %scan3A_15, %scan3A_16 : i32
    %scan3A_18 = arith.constant 1 : i32
    scf.for %scan3A_21 = %scan3A_15 to %scan3A_17 step %scan3A_18  : i32 {
      %mul3A_22 = arith.constant 10112 : i32
      %mul3A_23 = arith.muli %add3A, %mul3A_22 : i32
      %mul3A_24 = arith.constant 128 : i32
      %mul3A_25 = arith.muli %scan3A_21, %mul3A_24 : i32
      %add3A_26 = arith.addi %mul3A_23, %mul3A_25 : i32
      "tpu.region"() ({
        %run_scoped3A = tpu.sem_alloc : memref<!tpu.dma_semaphore, #tpu.memory_space<semaphore_mem>>
        %dma_start3A_37 = tpu.memref_slice %arg2[%add3A_26] : memref<323584xi32, #tpu.memory_space<hbm>> -> memref<128xi32, #tpu.memory_space<hbm>>
        %dma_start3A_38 = tpu.memref_slice %arg2[%add3A_26] : memref<323584xi32, #tpu.memory_space<hbm>> -> memref<128xi32, #tpu.memory_space<hbm>>
        tpu.enqueue_dma source(%dma_start3A_38 : memref<128xi32, #tpu.memory_space<hbm>>) target(%arg7 : memref<128xi32, #tpu.memory_space<vmem>>) target_semaphore(%run_scoped3A : memref<!tpu.dma_semaphore, #tpu.memory_space<semaphore_mem>>)
        %dma_wait3A_39 = tpu.memref_slice %arg2[%add3A_26] : memref<323584xi32, #tpu.memory_space<hbm>> -> memref<128xi32, #tpu.memory_space<hbm>>
        %dma_wait3A_40 = tpu.memref_slice %arg2[%add3A_26] : memref<323584xi32, #tpu.memory_space<hbm>> -> memref<128xi32, #tpu.memory_space<hbm>>
        tpu.wait_dma2 semaphore(%run_scoped3A : memref<!tpu.dma_semaphore, #tpu.memory_space<semaphore_mem>>) src(%dma_wait3A_40 : memref<128xi32, #tpu.memory_space<hbm>>) dst(%arg7 : memref<128xi32, #tpu.memory_space<vmem>>)
        tpu.yield
      }) : () -> ()
      "tpu.region"() ({
        %run_scoped3A = tpu.sem_alloc : memref<!tpu.dma_semaphore, #tpu.memory_space<semaphore_mem>>
        %dma_start3A_37 = tpu.memref_slice %arg3[%add3A_26] : memref<323584xi32, #tpu.memory_space<hbm>> -> memref<128xi32, #tpu.memory_space<hbm>>
        %dma_start3A_38 = tpu.memref_slice %arg3[%add3A_26] : memref<323584xi32, #tpu.memory_space<hbm>> -> memref<128xi32, #tpu.memory_space<hbm>>
        tpu.enqueue_dma source(%dma_start3A_38 : memref<128xi32, #tpu.memory_space<hbm>>) target(%arg8 : memref<128xi32, #tpu.memory_space<vmem>>) target_semaphore(%run_scoped3A : memref<!tpu.dma_semaphore, #tpu.memory_space<semaphore_mem>>)
        %dma_wait3A_39 = tpu.memref_slice %arg3[%add3A_26] : memref<323584xi32, #tpu.memory_space<hbm>> -> memref<128xi32, #tpu.memory_space<hbm>>
        %dma_wait3A_40 = tpu.memref_slice %arg3[%add3A_26] : memref<323584xi32, #tpu.memory_space<hbm>> -> memref<128xi32, #tpu.memory_space<hbm>>
        tpu.wait_dma2 semaphore(%run_scoped3A : memref<!tpu.dma_semaphore, #tpu.memory_space<semaphore_mem>>) src(%dma_wait3A_40 : memref<128xi32, #tpu.memory_space<hbm>>) dst(%arg8 : memref<128xi32, #tpu.memory_space<vmem>>)
        tpu.yield
      }) : () -> ()
      "tpu.region"() ({
        %run_scoped3A = tpu.sem_alloc : memref<!tpu.dma_semaphore, #tpu.memory_space<semaphore_mem>>
        %dma_start3A_37 = tpu.memref_slice %arg4[%add3A_26] : memref<323584xf32, #tpu.memory_space<hbm>> -> memref<128xf32, #tpu.memory_space<hbm>>
        %dma_start3A_38 = tpu.memref_slice %arg4[%add3A_26] : memref<323584xf32, #tpu.memory_space<hbm>> -> memref<128xf32, #tpu.memory_space<hbm>>
        tpu.enqueue_dma source(%dma_start3A_38 : memref<128xf32, #tpu.memory_space<hbm>>) target(%arg9 : memref<128xf32, #tpu.memory_space<vmem>>) target_semaphore(%run_scoped3A : memref<!tpu.dma_semaphore, #tpu.memory_space<semaphore_mem>>)
        %dma_wait3A_39 = tpu.memref_slice %arg4[%add3A_26] : memref<323584xf32, #tpu.memory_space<hbm>> -> memref<128xf32, #tpu.memory_space<hbm>>
        %dma_wait3A_40 = tpu.memref_slice %arg4[%add3A_26] : memref<323584xf32, #tpu.memory_space<hbm>> -> memref<128xf32, #tpu.memory_space<hbm>>
        tpu.wait_dma2 semaphore(%run_scoped3A : memref<!tpu.dma_semaphore, #tpu.memory_space<semaphore_mem>>) src(%dma_wait3A_40 : memref<128xf32, #tpu.memory_space<hbm>>) dst(%arg9 : memref<128xf32, #tpu.memory_space<vmem>>)
        tpu.yield
      }) : () -> ()
      %dma_start3A = arith.constant 0 : i32
      %dma_start3A_27 = arith.constant 0 : i32
      %dma_start3A_28 = tpu.memref_slice %arg5[%dma_start3A, %dma_start3A_27] : memref<10240x128xf32, #tpu.memory_space<hbm>> -> memref<10240x128xf32, #tpu.memory_space<hbm>>
      tpu.enqueue_indirect_dma source(%dma_start3A_28 : memref<10240x128xf32, #tpu.memory_space<hbm>>) target(%arg10 : memref<128x128xf32, #tpu.memory_space<vmem>>) offsets(%arg7 : memref<128xi32, #tpu.memory_space<vmem>>) semaphore(%arg13 : memref<!tpu.dma_semaphore, #tpu.memory_space<semaphore_mem>>)
      %dma_wait3A = arith.constant 0 : i32
      %dma_wait3A_29 = arith.constant 0 : i32
      %dma_wait3A_30 = tpu.memref_slice %arg5[%dma_wait3A, %dma_wait3A_29] : memref<10240x128xf32, #tpu.memory_space<hbm>> -> memref<10240x128xf32, #tpu.memory_space<hbm>>
      tpu.wait_indirect_dma semaphore(%arg13 : memref<!tpu.dma_semaphore, #tpu.memory_space<semaphore_mem>>) src(%dma_wait3A_30 : memref<10240x128xf32, #tpu.memory_space<hbm>>) dst(%arg10 : memref<128x128xf32, #tpu.memory_space<vmem>>)
      %scan3A_31 = arith.constant 0 : i32
      %scan3A_32 = arith.constant 0 : i32
      %scan3A_33 = arith.constant 8 : i32
      %scan3A_34 = arith.addi %scan3A_32, %scan3A_33 : i32
      %scan3A_35 = arith.constant 1 : i32
      scf.for %scan3A_37 = %scan3A_32 to %scan3A_34 step %scan3A_35  : i32 {
        %mul3A_38 = arith.constant 16 : i32
        %mul3A_39 = arith.muli %scan3A_37, %mul3A_38 : i32
        %get3A = arith.index_cast %mul3A_39 : i32 to index
        %get3A_40 = tpu.vector_load %arg9[%get3A] {strides = array<i32>} : memref<128xf32, #tpu.memory_space<vmem>>, vector<16xf32>,
        %get3A_41 = vector.shape_cast %get3A_40 : vector<16xf32> to vector<16xf32>
        %slice3A = vector.extract_strided_slice %get3A_41 {offsets = [0], sizes = [1], strides = [1]} : vector<16xf32> to vector<1xf32>
        %squeeze3A = vector.extract %slice3A[0] : f32 from vector<1xf32>
        %mul3A_42 = arith.constant 16 : i32
        %mul3A_43 = arith.muli %scan3A_37, %mul3A_42 : i32
        %add3A_44 = arith.constant 0 : i32
        %add3A_45 = arith.addi %mul3A_43, %add3A_44 : i32
        %get3A_46 = arith.index_cast %add3A_45 : i32 to index
        %get3A_47 = arith.constant 0 : index
        %get3A_48 = tpu.vector_load %arg10[%get3A_46, %get3A_47] {strides = array<i32>} : memref<128x128xf32, #tpu.memory_space<vmem>>, vector<1x16xf32>,
        %get3A_49 = vector.shape_cast %get3A_48 : vector<1x16xf32> to vector<16xf32>
        %mul3A_50 = vector.broadcast %squeeze3A : f32 to vector<16xf32>
        %mul3A_51 = arith.mulf %get3A_49, %mul3A_50 : vector<16xf32>
        %swap3A = arith.index_cast %add3A_45 : i32 to index
        %swap3A_52 = arith.constant 0 : index
        %swap3A_53 = tpu.vector_load %arg10[%swap3A, %swap3A_52] {strides = array<i32>} : memref<128x128xf32, #tpu.memory_space<vmem>>, vector<1x16xf32>,
        %swap3A_54 = vector.shape_cast %swap3A_53 : vector<1x16xf32> to vector<16xf32>
        %swap3A_55 = vector.shape_cast %mul3A_51 : vector<16xf32> to vector<1x16xf32>
        tpu.vector_store %arg10[%swap3A, %swap3A_52], %swap3A_55 {strides = array<i32>} : memref<128x128xf32, #tpu.memory_space<vmem>>, vector<1x16xf32>,
        %get3A_56 = arith.index_cast %add3A_45 : i32 to index
        %get3A_57 = arith.constant 16 : index
        %get3A_58 = tpu.vector_load %arg10[%get3A_56, %get3A_57] {strides = array<i32>} : memref<128x128xf32, #tpu.memory_space<vmem>>, vector<1x16xf32>,
        %get3A_59 = vector.shape_cast %get3A_58 : vector<1x16xf32> to vector<16xf32>
        %mul3A_60 = vector.broadcast %squeeze3A : f32 to vector<16xf32>
        %mul3A_61 = arith.mulf %get3A_59, %mul3A_60 : vector<16xf32>
        %swap3A_62 = arith.index_cast %add3A_45 : i32 to index
        %swap3A_63 = arith.constant 16 : index
        %swap3A_64 = tpu.vector_load %arg10[%swap3A_62, %swap3A_63] {strides = array<i32>} : memref<128x128xf32, #tpu.memory_space<vmem>>, vector<1x16xf32>,
        %swap3A_65 = vector.shape_cast %swap3A_64 : vector<1x16xf32> to vector<16xf32>
        %swap3A_66 = vector.shape_cast %mul3A_61 : vector<16xf32> to vector<1x16xf32>
        tpu.vector_store %arg10[%swap3A_62, %swap3A_63], %swap3A_66 {strides = array<i32>} : memref<128x128xf32, #tpu.memory_space<vmem>>, vector<1x16xf32>,
        %get3A_67 = arith.index_cast %add3A_45 : i32 to index
        %get3A_68 = arith.constant 32 : index
        %get3A_69 = tpu.vector_load %arg10[%get3A_67, %get3A_68] {strides = array<i32>} : memref<128x128xf32, #tpu.memory_space<vmem>>, vector<1x16xf32>,
        %get3A_70 = vector.shape_cast %get3A_69 : vector<1x16xf32> to vector<16xf32>
        %mul3A_71 = vector.broadcast %squeeze3A : f32 to vector<16xf32>
        %mul3A_72 = arith.mulf %get3A_70, %mul3A_71 : vector<16xf32>
        %swap3A_73 = arith.index_cast %add3A_45 : i32 to index
        %swap3A_74 = arith.constant 32 : index
        %swap3A_75 = tpu.vector_load %arg10[%swap3A_73, %swap3A_74] {strides = array<i32>} : memref<128x128xf32, #tpu.memory_space<vmem>>, vector<1x16xf32>,
        %swap3A_76 = vector.shape_cast %swap3A_75 : vector<1x16xf32> to vector<16xf32>
        %swap3A_77 = vector.shape_cast %mul3A_72 : vector<16xf32> to vector<1x16xf32>
        tpu.vector_store %arg10[%swap3A_73, %swap3A_74], %swap3A_77 {strides = array<i32>} : memref<128x128xf32, #tpu.memory_space<vmem>>, vector<1x16xf32>,
        %get3A_78 = arith.index_cast %add3A_45 : i32 to index
        %get3A_79 = arith.constant 48 : index
        %get3A_80 = tpu.vector_load %arg10[%get3A_78, %get3A_79] {strides = array<i32>} : memref<128x128xf32, #tpu.memory_space<vmem>>, vector<1x16xf32>,
        %get3A_81 = vector.shape_cast %get3A_80 : vector<1x16xf32> to vector<16xf32>
        %mul3A_82 = vector.broadcast %squeeze3A : f32 to vector<16xf32>
        %mul3A_83 = arith.mulf %get3A_81, %mul3A_82 : vector<16xf32>
        %swap3A_84 = arith.index_cast %add3A_45 : i32 to index
        %swap3A_85 = arith.constant 48 : index
        %swap3A_86 = tpu.vector_load %arg10[%swap3A_84, %swap3A_85] {strides = array<i32>} : memref<128x128xf32, #tpu.memory_space<vmem>>, vector<1x16xf32>,
        %swap3A_87 = vector.shape_cast %swap3A_86 : vector<1x16xf32> to vector<16xf32>
        %swap3A_88 = vector.shape_cast %mul3A_83 : vector<16xf32> to vector<1x16xf32>
        tpu.vector_store %arg10[%swap3A_84, %swap3A_85], %swap3A_88 {strides = array<i32>} : memref<128x128xf32, #tpu.memory_space<vmem>>, vector<1x16xf32>,
        %get3A_89 = arith.index_cast %add3A_45 : i32 to index
        %get3A_90 = arith.constant 64 : index
        %get3A_91 = tpu.vector_load %arg10[%get3A_89, %get3A_90] {strides = array<i32>} : memref<128x128xf32, #tpu.memory_space<vmem>>, vector<1x16xf32>,
        %get3A_92 = vector.shape_cast %get3A_91 : vector<1x16xf32> to vector<16xf32>
        %mul3A_93 = vector.broadcast %squeeze3A : f32 to vector<16xf32>
        %mul3A_94 = arith.mulf %get3A_92, %mul3A_93 : vector<16xf32>
        %swap3A_95 = arith.index_cast %add3A_45 : i32 to index
        %swap3A_96 = arith.constant 64 : index
        %swap3A_97 = tpu.vector_load %arg10[%swap3A_95, %swap3A_96] {strides = array<i32>} : memref<128x128xf32, #tpu.memory_space<vmem>>, vector<1x16xf32>,
        %swap3A_98 = vector.shape_cast %swap3A_97 : vector<1x16xf32> to vector<16xf32>
        %swap3A_99 = vector.shape_cast %mul3A_94 : vector<16xf32> to vector<1x16xf32>
        tpu.vector_store %arg10[%swap3A_95, %swap3A_96], %swap3A_99 {strides = array<i32>} : memref<128x128xf32, #tpu.memory_space<vmem>>, vector<1x16xf32>,
        %get3A_100 = arith.index_cast %add3A_45 : i32 to index
        %get3A_101 = arith.constant 80 : index
        %get3A_102 = tpu.vector_load %arg10[%get3A_100, %get3A_101] {strides = array<i32>} : memref<128x128xf32, #tpu.memory_space<vmem>>, vector<1x16xf32>,
        %get3A_103 = vector.shape_cast %get3A_102 : vector<1x16xf32> to vector<16xf32>
        %mul3A_104 = vector.broadcast %squeeze3A : f32 to vector<16xf32>
        %mul3A_105 = arith.mulf %get3A_103, %mul3A_104 : vector<16xf32>
        %swap3A_106 = arith.index_cast %add3A_45 : i32 to index
        %swap3A_107 = arith.constant 80 : index
        %swap3A_108 = tpu.vector_load %arg10[%swap3A_106, %swap3A_107] {strides = array<i32>} : memref<128x128xf32, #tpu.memory_space<vmem>>, vector<1x16xf32>,
        %swap3A_109 = vector.shape_cast %swap3A_108 : vector<1x16xf32> to vector<16xf32>
        %swap3A_110 = vector.shape_cast %mul3A_105 : vector<16xf32> to vector<1x16xf32>
        tpu.vector_store %arg10[%swap3A_106, %swap3A_107], %swap3A_110 {strides = array<i32>} : memref<128x128xf32, #tpu.memory_space<vmem>>, vector<1x16xf32>,
        %get3A_111 = arith.index_cast %add3A_45 : i32 to index
        %get3A_112 = arith.constant 96 : index
        %get3A_113 = tpu.vector_load %arg10[%get3A_111, %get3A_112] {strides = array<i32>} : memref<128x128xf32, #tpu.memory_space<vmem>>, vector<1x16xf32>,
        %get3A_114 = vector.shape_cast %get3A_113 : vector<1x16xf32> to vector<16xf32>
        %mul3A_115 = vector.broadcast %squeeze3A : f32 to vector<16xf32>
        %mul3A_116 = arith.mulf %get3A_114, %mul3A_115 : vector<16xf32>
        %swap3A_117 = arith.index_cast %add3A_45 : i32 to index
        %swap3A_118 = arith.constant 96 : index
        %swap3A_119 = tpu.vector_load %arg10[%swap3A_117, %swap3A_118] {strides = array<i32>} : memref<128x128xf32, #tpu.memory_space<vmem>>, vector<1x16xf32>,
        %swap3A_120 = vector.shape_cast %swap3A_119 : vector<1x16xf32> to vector<16xf32>
        %swap3A_121 = vector.shape_cast %mul3A_116 : vector<16xf32> to vector<1x16xf32>
        tpu.vector_store %arg10[%swap3A_117, %swap3A_118], %swap3A_121 {strides = array<i32>} : memref<128x128xf32, #tpu.memory_space<vmem>>, vector<1x16xf32>,
        %get3A_122 = arith.index_cast %add3A_45 : i32 to index
        %get3A_123 = arith.constant 112 : index
        %get3A_124 = tpu.vector_load %arg10[%get3A_122, %get3A_123] {strides = array<i32>} : memref<128x128xf32, #tpu.memory_space<vmem>>, vector<1x16xf32>,
        %get3A_125 = vector.shape_cast %get3A_124 : vector<1x16xf32> to vector<16xf32>
        %mul3A_126 = vector.broadcast %squeeze3A : f32 to vector<16xf32>
        %mul3A_127 = arith.mulf %get3A_125, %mul3A_126 : vector<16xf32>
        %swap3A_128 = arith.index_cast %add3A_45 : i32 to index
        %swap3A_129 = arith.constant 112 : index
        %swap3A_130 = tpu.vector_load %arg10[%swap3A_128, %swap3A_129] {strides = array<i32>} : memref<128x128xf32, #tpu.memory_space<vmem>>, vector<1x16xf32>,
        %swap3A_131 = vector.shape_cast %swap3A_130 : vector<1x16xf32> to vector<16xf32>
        %swap3A_132 = vector.shape_cast %mul3A_127 : vector<16xf32> to vector<1x16xf32>
        tpu.vector_store %arg10[%swap3A_128, %swap3A_129], %swap3A_132 {strides = array<i32>} : memref<128x128xf32, #tpu.memory_space<vmem>>, vector<1x16xf32>,
        %slice3A_133 = vector.extract_strided_slice %get3A_41 {offsets = [1], sizes = [1], strides = [1]} : vector<16xf32> to vector<1xf32>
        %squeeze3A_134 = vector.extract %slice3A_133[0] : f32 from vector<1xf32>
        %mul3A_135 = arith.constant 16 : i32
        %mul3A_136 = arith.muli %scan3A_37, %mul3A_135 : i32
        %add3A_137 = arith.constant 1 : i32
        %add3A_138 = arith.addi %mul3A_136, %add3A_137 : i32
        %get3A_139 = arith.index_cast %add3A_138 : i32 to index
        %get3A_140 = arith.constant 0 : index
        %get3A_141 = tpu.vector_load %arg10[%get3A_139, %get3A_140] {strides = array<i32>} : memref<128x128xf32, #tpu.memory_space<vmem>>, vector<1x16xf32>,
        %get3A_142 = vector.shape_cast %get3A_141 : vector<1x16xf32> to vector<16xf32>
        %mul3A_143 = vector.broadcast %squeeze3A_134 : f32 to vector<16xf32>
        %mul3A_144 = arith.mulf %get3A_142, %mul3A_143 : vector<16xf32>
        %swap3A_145 = arith.index_cast %add3A_138 : i32 to index
        %swap3A_146 = arith.constant 0 : index
        %swap3A_147 = tpu.vector_load %arg10[%swap3A_145, %swap3A_146] {strides = array<i32>} : memref<128x128xf32, #tpu.memory_space<vmem>>, vector<1x16xf32>,
        %swap3A_148 = vector.shape_cast %swap3A_147 : vector<1x16xf32> to vector<16xf32>
        %swap3A_149 = vector.shape_cast %mul3A_144 : vector<16xf32> to vector<1x16xf32>
        tpu.vector_store %arg10[%swap3A_145, %swap3A_146], %swap3A_149 {strides = array<i32>} : memref<128x128xf32, #tpu.memory_space<vmem>>, vector<1x16xf32>,
        %get3A_150 = arith.index_cast %add3A_138 : i32 to index
        %get3A_151 = arith.constant 16 : index
        %get3A_152 = tpu.vector_load %arg10[%get3A_150, %get3A_151] {strides = array<i32>} : memref<128x128xf32, #tpu.memory_space<vmem>>, vector<1x16xf32>,
        %get3A_153 = vector.shape_cast %get3A_152 : vector<1x16xf32> to vector<16xf32>
        %mul3A_154 = vector.broadcast %squeeze3A_134 : f32 to vector<16xf32>
        %mul3A_155 = arith.mulf %get3A_153, %mul3A_154 : vector<16xf32>
        %swap3A_156 = arith.index_cast %add3A_138 : i32 to index
        %swap3A_157 = arith.constant 16 : index
        %swap3A_158 = tpu.vector_load %arg10[%swap3A_156, %swap3A_157] {strides = array<i32>} : memref<128x128xf32, #tpu.memory_space<vmem>>, vector<1x16xf32>,
        %swap3A_159 = vector.shape_cast %swap3A_158 : vector<1x16xf32> to vector<16xf32>
        %swap3A_160 = vector.shape_cast %mul3A_155 : vector<16xf32> to vector<1x16xf32>
        tpu.vector_store %arg10[%swap3A_156, %swap3A_157], %swap3A_160 {strides = array<i32>} : memref<128x128xf32, #tpu.memory_space<vmem>>, vector<1x16xf32>,
        %get3A_161 = arith.index_cast %add3A_138 : i32 to index
        %get3A_162 = arith.constant 32 : index
        %get3A_163 = tpu.vector_load %arg10[%get3A_161, %get3A_162] {strides = array<i32>} : memref<128x128xf32, #tpu.memory_space<vmem>>, vector<1x16xf32>,
        %get3A_164 = vector.shape_cast %get3A_163 : vector<1x16xf32> to vector<16xf32>
        %mul3A_165 = vector.broadcast %squeeze3A_134 : f32 to vector<16xf32>
        %mul3A_166 = arith.mulf %get3A_164, %mul3A_165 : vector<16xf32>
        %swap3A_167 = arith.index_cast %add3A_138 : i32 to index
        %swap3A_168 = arith.constant 32 : index
        %swap3A_169 = tpu.vector_load %arg10[%swap3A_167, %swap3A_168] {strides = array<i32>} : memref<128x128xf32, #tpu.memory_space<vmem>>, vector<1x16xf32>,
        %swap3A_170 = vector.shape_cast %swap3A_169 : vector<1x16xf32> to vector<16xf32>
        %swap3A_171 = vector.shape_cast %mul3A_166 : vector<16xf32> to vector<1x16xf32>
        tpu.vector_store %arg10[%swap3A_167, %swap3A_168], %swap3A_171 {strides = array<i32>} : memref<128x128xf32, #tpu.memory_space<vmem>>, vector<1x16xf32>,
        %get3A_172 = arith.index_cast %add3A_138 : i32 to index
        %get3A_173 = arith.constant 48 : index
        %get3A_174 = tpu.vector_load %arg10[%get3A_172, %get3A_173] {strides = array<i32>} : memref<128x128xf32, #tpu.memory_space<vmem>>, vector<1x16xf32>,
        %get3A_175 = vector.shape_cast %get3A_174 : vector<1x16xf32> to vector<16xf32>
        %mul3A_176 = vector.broadcast %squeeze3A_134 : f32 to vector<16xf32>
        %mul3A_177 = arith.mulf %get3A_175, %mul3A_176 : vector<16xf32>
        %swap3A_178 = arith.index_cast %add3A_138 : i32 to index
        %swap3A_179 = arith.constant 48 : index
        %swap3A_180 = tpu.vector_load %arg10[%swap3A_178, %swap3A_179] {strides = array<i32>} : memref<128x128xf32, #tpu.memory_space<vmem>>, vector<1x16xf32>,
        %swap3A_181 = vector.shape_cast %swap3A_180 : vector<1x16xf32> to vector<16xf32>
        %swap3A_182 = vector.shape_cast %mul3A_177 : vector<16xf32> to vector<1x16xf32>
        tpu.vector_store %arg10[%swap3A_178, %swap3A_179], %swap3A_182 {strides = array<i32>} : memref<128x128xf32, #tpu.memory_space<vmem>>, vector<1x16xf32>,
        %get3A_183 = arith.index_cast %add3A_138 : i32 to index
        %get3A_184 = arith.constant 64 : index
        %get3A_185 = tpu.vector_load %arg10[%get3A_183, %get3A_184] {strides = array<i32>} : memref<128x128xf32, #tpu.memory_space<vmem>>, vector<1x16xf32>,
        %get3A_186 = vector.shape_cast %get3A_185 : vector<1x16xf32> to vector<16xf32>
        %mul3A_187 = vector.broadcast %squeeze3A_134 : f32 to vector<16xf32>
        %mul3A_188 = arith.mulf %get3A_186, %mul3A_187 : vector<16xf32>
        %swap3A_189 = arith.index_cast %add3A_138 : i32 to index
        %swap3A_190 = arith.constant 64 : index
        %swap3A_191 = tpu.vector_load %arg10[%swap3A_189, %swap3A_190] {strides = array<i32>} : memref<128x128xf32, #tpu.memory_space<vmem>>, vector<1x16xf32>,
        %swap3A_192 = vector.shape_cast %swap3A_191 : vector<1x16xf32> to vector<16xf32>
        %swap3A_193 = vector.shape_cast %mul3A_188 : vector<16xf32> to vector<1x16xf32>
        tpu.vector_store %arg10[%swap3A_189, %swap3A_190], %swap3A_193 {strides = array<i32>} : memref<128x128xf32, #tpu.memory_space<vmem>>, vector<1x16xf32>,
        %get3A_194 = arith.index_cast %add3A_138 : i32 to index
        %get3A_195 = arith.constant 80 : index
        %get3A_196 = tpu.vector_load %arg10[%get3A_194, %get3A_195] {strides = array<i32>} : memref<128x128xf32, #tpu.memory_space<vmem>>, vector<1x16xf32>,
        %get3A_197 = vector.shape_cast %get3A_196 : vector<1x16xf32> to vector<16xf32>
        %mul3A_198 = vector.broadcast %squeeze3A_134 : f32 to vector<16xf32>
        %mul3A_199 = arith.mulf %get3A_197, %mul3A_198 : vector<16xf32>
        %swap3A_200 = arith.index_cast %add3A_138 : i32 to index
        %swap3A_201 = arith.constant 80 : index
        %swap3A_202 = tpu.vector_load %arg10[%swap3A_200, %swap3A_201] {strides = array<i32>} : memref<128x128xf32, #tpu.memory_space<vmem>>, vector<1x16xf32>,
        %swap3A_203 = vector.shape_cast %swap3A_202 : vector<1x16xf32> to vector<16xf32>
        %swap3A_204 = vector.shape_cast %mul3A_199 : vector<16xf32> to vector<1x16xf32>
        tpu.vector_store %arg10[%swap3A_200, %swap3A_201], %swap3A_204 {strides = array<i32>} : memref<128x128xf32, #tpu.memory_space<vmem>>, vector<1x16xf32>,
        %get3A_205 = arith.index_cast %add3A_138 : i32 to index
        %get3A_206 = arith.constant 96 : index
        %get3A_207 = tpu.vector_load %arg10[%get3A_205, %get3A_206] {strides = array<i32>} : memref<128x128xf32, #tpu.memory_space<vmem>>, vector<1x16xf32>,
        %get3A_208 = vector.shape_cast %get3A_207 : vector<1x16xf32> to vector<16xf32>
        %mul3A_209 = vector.broadcast %squeeze3A_134 : f32 to vector<16xf32>
        %mul3A_210 = arith.mulf %get3A_208, %mul3A_209 : vector<16xf32>
        %swap3A_211 = arith.index_cast %add3A_138 : i32 to index
        %swap3A_212 = arith.constant 96 : index
        %swap3A_213 = tpu.vector_load %arg10[%swap3A_211, %swap3A_212] {strides = array<i32>} : memref<128x128xf32, #tpu.memory_space<vmem>>, vector<1x16xf32>,
        %swap3A_214 = vector.shape_cast %swap3A_213 : vector<1x16xf32> to vector<16xf32>
        %swap3A_215 = vector.shape_cast %mul3A_210 : vector<16xf32> to vector<1x16xf32>
        tpu.vector_store %arg10[%swap3A_211, %swap3A_212], %swap3A_215 {strides = array<i32>} : memref<128x128xf32, #tpu.memory_space<vmem>>, vector<1x16xf32>,
        %get3A_216 = arith.index_cast %add3A_138 : i32 to index
        %get3A_217 = arith.constant 112 : index
        %get3A_218 = tpu.vector_load %arg10[%get3A_216, %get3A_217] {strides = array<i32>} : memref<128x128xf32, #tpu.memory_space<vmem>>, vector<1x16xf32>,
        %get3A_219 = vector.shape_cast %get3A_218 : vector<1x16xf32> to vector<16xf32>
        %mul3A_220 = vector.broadcast %squeeze3A_134 : f32 to vector<16xf32>
        %mul3A_221 = arith.mulf %get3A_219, %mul3A_220 : vector<16xf32>
        %swap3A_222 = arith.index_cast %add3A_138 : i32 to index
        %swap3A_223 = arith.constant 112 : index
        %swap3A_224 = tpu.vector_load %arg10[%swap3A_222, %swap3A_223] {strides = array<i32>} : memref<128x128xf32, #tpu.memory_space<vmem>>, vector<1x16xf32>,
        %swap3A_225 = vector.shape_cast %swap3A_224 : vector<1x16xf32> to vector<16xf32>
        %swap3A_226 = vector.shape_cast %mul3A_221 : vector<16xf32> to vector<1x16xf32>
        tpu.vector_store %arg10[%swap3A_222, %swap3A_223], %swap3A_226 {strides = array<i32>} : memref<128x128xf32, #tpu.memory_space<vmem>>, vector<1x16xf32>,
        %slice3A_227 = vector.extract_strided_slice %get3A_41 {offsets = [2], sizes = [1], strides = [1]} : vector<16xf32> to vector<1xf32>
        %squeeze3A_228 = vector.extract %slice3A_227[0] : f32 from vector<1xf32>
        %mul3A_229 = arith.constant 16 : i32
        %mul3A_230 = arith.muli %scan3A_37, %mul3A_229 : i32
        %add3A_231 = arith.constant 2 : i32
        %add3A_232 = arith.addi %mul3A_230, %add3A_231 : i32
        %get3A_233 = arith.index_cast %add3A_232 : i32 to index
        %get3A_234 = arith.constant 0 : index
        %get3A_235 = tpu.vector_load %arg10[%get3A_233, %get3A_234] {strides = array<i32>} : memref<128x128xf32, #tpu.memory_space<vmem>>, vector<1x16xf32>,
        %get3A_236 = vector.shape_cast %get3A_235 : vector<1x16xf32> to vector<16xf32>
        %mul3A_237 = vector.broadcast %squeeze3A_228 : f32 to vector<16xf32>
        %mul3A_238 = arith.mulf %get3A_236, %mul3A_237 : vector<16xf32>
        %swap3A_239 = arith.index_cast %add3A_232 : i32 to index
        %swap3A_240 = arith.constant 0 : index
        %swap3A_241 = tpu.vector_load %arg10[%swap3A_239, %swap3A_240] {strides = array<i32>} : memref<128x128xf32, #tpu.memory_space<vmem>>, vector<1x16xf32>,
        %swap3A_242 = vector.shape_cast %swap3A_241 : vector<1x16xf32> to vector<16xf32>
        %swap3A_243 = vector.shape_cast %mul3A_238 : vector<16xf32> to vector<1x16xf32>
        tpu.vector_store %arg10[%swap3A_239, %swap3A_240], %swap3A_243 {strides = array<i32>} : memref<128x128xf32, #tpu.memory_space<vmem>>, vector<1x16xf32>,
        %get3A_244 = arith.index_cast %add3A_232 : i32 to index
        %get3A_245 = arith.constant 16 : index
        %get3A_246 = tpu.vector_load %arg10[%get3A_244, %get3A_245] {strides = array<i32>} : memref<128x128xf32, #tpu.memory_space<vmem>>, vector<1x16xf32>,
        %get3A_247 = vector.shape_cast %get3A_246 : vector<1x16xf32> to vector<16xf32>
        %mul3A_248 = vector.broadcast %squeeze3A_228 : f32 to vector<16xf32>
        %mul3A_249 = arith.mulf %get3A_247, %mul3A_248 : vector<16xf32>
        %swap3A_250 = arith.index_cast %add3A_232 : i32 to index
        %swap3A_251 = arith.constant 16 : index
        %swap3A_252 = tpu.vector_load %arg10[%swap3A_250, %swap3A_251] {strides = array<i32>} : memref<128x128xf32, #tpu.memory_space<vmem>>, vector<1x16xf32>,
        %swap3A_253 = vector.shape_cast %swap3A_252 : vector<1x16xf32> to vector<16xf32>
        %swap3A_254 = vector.shape_cast %mul3A_249 : vector<16xf32> to vector<1x16xf32>
        tpu.vector_store %arg10[%swap3A_250, %swap3A_251], %swap3A_254 {strides = array<i32>} : memref<128x128xf32, #tpu.memory_space<vmem>>, vector<1x16xf32>,
        %get3A_255 = arith.index_cast %add3A_232 : i32 to index
        %get3A_256 = arith.constant 32 : index
        %get3A_257 = tpu.vector_load %arg10[%get3A_255, %get3A_256] {strides = array<i32>} : memref<128x128xf32, #tpu.memory_space<vmem>>, vector<1x16xf32>,
        %get3A_258 = vector.shape_cast %get3A_257 : vector<1x16xf32> to vector<16xf32>
        %mul3A_259 = vector.broadcast %squeeze3A_228 : f32 to vector<16xf32>
        %mul3A_260 = arith.mulf %get3A_258, %mul3A_259 : vector<16xf32>
        %swap3A_261 = arith.index_cast %add3A_232 : i32 to index
        %swap3A_262 = arith.constant 32 : index
        %swap3A_263 = tpu.vector_load %arg10[%swap3A_261, %swap3A_262] {strides = array<i32>} : memref<128x128xf32, #tpu.memory_space<vmem>>, vector<1x16xf32>,
        %swap3A_264 = vector.shape_cast %swap3A_263 : vector<1x16xf32> to vector<16xf32>
        %swap3A_265 = vector.shape_cast %mul3A_260 : vector<16xf32> to vector<1x16xf32>
        tpu.vector_store %arg10[%swap3A_261, %swap3A_262], %swap3A_265 {strides = array<i32>} : memref<128x128xf32, #tpu.memory_space<vmem>>, vector<1x16xf32>,
        %get3A_266 = arith.index_cast %add3A_232 : i32 to index
        %get3A_267 = arith.constant 48 : index
        %get3A_268 = tpu.vector_load %arg10[%get3A_266, %get3A_267] {strides = array<i32>} : memref<128x128xf32, #tpu.memory_space<vmem>>, vector<1x16xf32>,
        %get3A_269 = vector.shape_cast %get3A_268 : vector<1x16xf32> to vector<16xf32>
        %mul3A_270 = vector.broadcast %squeeze3A_228 : f32 to vector<16xf32>
        %mul3A_271 = arith.mulf %get3A_269, %mul3A_270 : vector<16xf32>
        %swap3A_272 = arith.index_cast %add3A_232 : i32 to index
        %swap3A_273 = arith.constant 48 : index
        %swap3A_274 = tpu.vector_load %arg10[%swap3A_272, %swap3A_273] {strides = array<i32>} : memref<128x128xf32, #tpu.memory_space<vmem>>, vector<1x16xf32>,
        %swap3A_275 = vector.shape_cast %swap3A_274 : vector<1x16xf32> to vector<16xf32>
        %swap3A_276 = vector.shape_cast %mul3A_271 : vector<16xf32> to vector<1x16xf32>
        tpu.vector_store %arg10[%swap3A_272, %swap3A_273], %swap3A_276 {strides = array<i32>} : memref<128x128xf32, #tpu.memory_space<vmem>>, vector<1x16xf32>,
        %get3A_277 = arith.index_cast %add3A_232 : i32 to index
        %get3A_278 = arith.constant 64 : index
        %get3A_279 = tpu.vector_load %arg10[%get3A_277, %get3A_278] {strides = array<i32>} : memref<128x128xf32, #tpu.memory_space<vmem>>, vector<1x16xf32>,
        %get3A_280 = vector.shape_cast %get3A_279 : vector<1x16xf32> to vector<16xf32>
        %mul3A_281 = vector.broadcast %squeeze3A_228 : f32 to vector<16xf32>
        %mul3A_282 = arith.mulf %get3A_280, %mul3A_281 : vector<16xf32>
        %swap3A_283 = arith.index_cast %add3A_232 : i32 to index
        %swap3A_284 = arith.constant 64 : index
        %swap3A_285 = tpu.vector_load %arg10[%swap3A_283, %swap3A_284] {strides = array<i32>} : memref<128x128xf32, #tpu.memory_space<vmem>>, vector<1x16xf32>,
        %swap3A_286 = vector.shape_cast %swap3A_285 : vector<1x16xf32> to vector<16xf32>
        %swap3A_287 = vector.shape_cast %mul3A_282 : vector<16xf32> to vector<1x16xf32>
        tpu.vector_store %arg10[%swap3A_283, %swap3A_284], %swap3A_287 {strides = array<i32>} : memref<128x128xf32, #tpu.memory_space<vmem>>, vector<1x16xf32>,
        %get3A_288 = arith.index_cast %add3A_232 : i32 to index
        %get3A_289 = arith.constant 80 : index
        %get3A_290 = tpu.vector_load %arg10[%get3A_288, %get3A_289] {strides = array<i32>} : memref<128x128xf32, #tpu.memory_space<vmem>>, vector<1x16xf32>,
        %get3A_291 = vector.shape_cast %get3A_290 : vector<1x16xf32> to vector<16xf32>
        %mul3A_292 = vector.broadcast %squeeze3A_228 : f32 to vector<16xf32>
        %mul3A_293 = arith.mulf %get3A_291, %mul3A_292 : vector<16xf32>
        %swap3A_294 = arith.index_cast %add3A_232 : i32 to index
        %swap3A_295 = arith.constant 80 : index
        %swap3A_296 = tpu.vector_load %arg10[%swap3A_294, %swap3A_295] {strides = array<i32>} : memref<128x128xf32, #tpu.memory_space<vmem>>, vector<1x16xf32>,
        %swap3A_297 = vector.shape_cast %swap3A_296 : vector<1x16xf32> to vector<16xf32>
        %swap3A_298 = vector.shape_cast %mul3A_293 : vector<16xf32> to vector<1x16xf32>
        tpu.vector_store %arg10[%swap3A_294, %swap3A_295], %swap3A_298 {strides = array<i32>} : memref<128x128xf32, #tpu.memory_space<vmem>>, vector<1x16xf32>,
        %get3A_299 = arith.index_cast %add3A_232 : i32 to index
        %get3A_300 = arith.constant 96 : index
        %get3A_301 = tpu.vector_load %arg10[%get3A_299, %get3A_300] {strides = array<i32>} : memref<128x128xf32, #tpu.memory_space<vmem>>, vector<1x16xf32>,
        %get3A_302 = vector.shape_cast %get3A_301 : vector<1x16xf32> to vector<16xf32>
        %mul3A_303 = vector.broadcast %squeeze3A_228 : f32 to vector<16xf32>
        %mul3A_304 = arith.mulf %get3A_302, %mul3A_303 : vector<16xf32>
        %swap3A_305 = arith.index_cast %add3A_232 : i32 to index
        %swap3A_306 = arith.constant 96 : index
        %swap3A_307 = tpu.vector_load %arg10[%swap3A_305, %swap3A_306] {strides = array<i32>} : memref<128x128xf32, #tpu.memory_space<vmem>>, vector<1x16xf32>,
        %swap3A_308 = vector.shape_cast %swap3A_307 : vector<1x16xf32> to vector<16xf32>
        %swap3A_309 = vector.shape_cast %mul3A_304 : vector<16xf32> to vector<1x16xf32>
        tpu.vector_store %arg10[%swap3A_305, %swap3A_306], %swap3A_309 {strides = array<i32>} : memref<128x128xf32, #tpu.memory_space<vmem>>, vector<1x16xf32>,
        %get3A_310 = arith.index_cast %add3A_232 : i32 to index
        %get3A_311 = arith.constant 112 : index
        %get3A_312 = tpu.vector_load %arg10[%get3A_310, %get3A_311] {strides = array<i32>} : memref<128x128xf32, #tpu.memory_space<vmem>>, vector<1x16xf32>,
        %get3A_313 = vector.shape_cast %get3A_312 : vector<1x16xf32> to vector<16xf32>
        %mul3A_314 = vector.broadcast %squeeze3A_228 : f32 to vector<16xf32>
        %mul3A_315 = arith.mulf %get3A_313, %mul3A_314 : vector<16xf32>
        %swap3A_316 = arith.index_cast %add3A_232 : i32 to index
        %swap3A_317 = arith.constant 112 : index
        %swap3A_318 = tpu.vector_load %arg10[%swap3A_316, %swap3A_317] {strides = array<i32>} : memref<128x128xf32, #tpu.memory_space<vmem>>, vector<1x16xf32>,
        %swap3A_319 = vector.shape_cast %swap3A_318 : vector<1x16xf32> to vector<16xf32>
        %swap3A_320 = vector.shape_cast %mul3A_315 : vector<16xf32> to vector<1x16xf32>
        tpu.vector_store %arg10[%swap3A_316, %swap3A_317], %swap3A_320 {strides = array<i32>} : memref<128x128xf32, #tpu.memory_space<vmem>>, vector<1x16xf32>,
        %slice3A_321 = vector.extract_strided_slice %get3A_41 {offsets = [3], sizes = [1], strides = [1]} : vector<16xf32> to vector<1xf32>
        %squeeze3A_322 = vector.extract %slice3A_321[0] : f32 from vector<1xf32>
        %mul3A_323 = arith.constant 16 : i32
        %mul3A_324 = arith.muli %scan3A_37, %mul3A_323 : i32
        %add3A_325 = arith.constant 3 : i32
        %add3A_326 = arith.addi %mul3A_324, %add3A_325 : i32
        %get3A_327 = arith.index_cast %add3A_326 : i32 to index
        %get3A_328 = arith.constant 0 : index
        %get3A_329 = tpu.vector_load %arg10[%get3A_327, %get3A_328] {strides = array<i32>} : memref<128x128xf32, #tpu.memory_space<vmem>>, vector<1x16xf32>,
        %get3A_330 = vector.shape_cast %get3A_329 : vector<1x16xf32> to vector<16xf32>
        %mul3A_331 = vector.broadcast %squeeze3A_322 : f32 to vector<16xf32>
        %mul3A_332 = arith.mulf %get3A_330, %mul3A_331 : vector<16xf32>
        %swap3A_333 = arith.index_cast %add3A_326 : i32 to index
        %swap3A_334 = arith.constant 0 : index
        %swap3A_335 = tpu.vector_load %arg10[%swap3A_333, %swap3A_334] {strides = array<i32>} : memref<128x128xf32, #tpu.memory_space<vmem>>, vector<1x16xf32>,
        %swap3A_336 = vector.shape_cast %swap3A_335 : vector<1x16xf32> to vector<16xf32>
        %swap3A_337 = vector.shape_cast %mul3A_332 : vector<16xf32> to vector<1x16xf32>
        tpu.vector_store %arg10[%swap3A_333, %swap3A_334], %swap3A_337 {strides = array<i32>} : memref<128x128xf32, #tpu.memory_space<vmem>>, vector<1x16xf32>,
        %get3A_338 = arith.index_cast %add3A_326 : i32 to index
        %get3A_339 = arith.constant 16 : index
        %get3A_340 = tpu.vector_load %arg10[%get3A_338, %get3A_339] {strides = array<i32>} : memref<128x128xf32, #tpu.memory_space<vmem>>, vector<1x16xf32>,
        %get3A_341 = vector.shape_cast %get3A_340 : vector<1x16xf32> to vector<16xf32>
        %mul3A_342 = vector.broadcast %squeeze3A_322 : f32 to vector<16xf32>
        %mul3A_343 = arith.mulf %get3A_341, %mul3A_342 : vector<16xf32>
        %swap3A_344 = arith.index_cast %add3A_326 : i32 to index
        %swap3A_345 = arith.constant 16 : index
        %swap3A_346 = tpu.vector_load %arg10[%swap3A_344, %swap3A_345] {strides = array<i32>} : memref<128x128xf32, #tpu.memory_space<vmem>>, vector<1x16xf32>,
        %swap3A_347 = vector.shape_cast %swap3A_346 : vector<1x16xf32> to vector<16xf32>
        %swap3A_348 = vector.shape_cast %mul3A_343 : vector<16xf32> to vector<1x16xf32>
        tpu.vector_store %arg10[%swap3A_344, %swap3A_345], %swap3A_348 {strides = array<i32>} : memref<128x128xf32, #tpu.memory_space<vmem>>, vector<1x16xf32>,
        %get3A_349 = arith.index_cast %add3A_326 : i32 to index
        %get3A_350 = arith.constant 32 : index
        %get3A_351 = tpu.vector_load %arg10[%get3A_349, %get3A_350] {strides = array<i32>} : memref<128x128xf32, #tpu.memory_space<vmem>>, vector<1x16xf32>,
        %get3A_352 = vector.shape_cast %get3A_351 : vector<1x16xf32> to vector<16xf32>
        %mul3A_353 = vector.broadcast %squeeze3A_322 : f32 to vector<16xf32>
        %mul3A_354 = arith.mulf %get3A_352, %mul3A_353 : vector<16xf32>
        %swap3A_355 = arith.index_cast %add3A_326 : i32 to index
        %swap3A_356 = arith.constant 32 : index
        %swap3A_357 = tpu.vector_load %arg10[%swap3A_355, %swap3A_356] {strides = array<i32>} : memref<128x128xf32, #tpu.memory_space<vmem>>, vector<1x16xf32>,
        %swap3A_358 = vector.shape_cast %swap3A_357 : vector<1x16xf32> to vector<16xf32>
        %swap3A_359 = vector.shape_cast %mul3A_354 : vector<16xf32> to vector<1x16xf32>
        tpu.vector_store %arg10[%swap3A_355, %swap3A_356], %swap3A_359 {strides = array<i32>} : memref<128x128xf32, #tpu.memory_space<vmem>>, vector<1x16xf32>,
        %get3A_360 = arith.index_cast %add3A_326 : i32 to index
        %get3A_361 = arith.constant 48 : index
        %get3A_362 = tpu.vector_load %arg10[%get3A_360, %get3A_361] {strides = array<i32>} : memref<128x128xf32, #tpu.memory_space<vmem>>, vector<1x16xf32>,
        %get3A_363 = vector.shape_cast %get3A_362 : vector<1x16xf32> to vector<16xf32>
        %mul3A_364 = vector.broadcast %squeeze3A_322 : f32 to vector<16xf32>
        %mul3A_365 = arith.mulf %get3A_363, %mul3A_364 : vector<16xf32>
        %swap3A_366 = arith.index_cast %add3A_326 : i32 to index
        %swap3A_367 = arith.constant 48 : index
        %swap3A_368 = tpu.vector_load %arg10[%swap3A_366, %swap3A_367] {strides = array<i32>} : memref<128x128xf32, #tpu.memory_space<vmem>>, vector<1x16xf32>,
        %swap3A_369 = vector.shape_cast %swap3A_368 : vector<1x16xf32> to vector<16xf32>
        %swap3A_370 = vector.shape_cast %mul3A_365 : vector<16xf32> to vector<1x16xf32>
        tpu.vector_store %arg10[%swap3A_366, %swap3A_367], %swap3A_370 {strides = array<i32>} : memref<128x128xf32, #tpu.memory_space<vmem>>, vector<1x16xf32>,
        %get3A_371 = arith.index_cast %add3A_326 : i32 to index
        %get3A_372 = arith.constant 64 : index
        %get3A_373 = tpu.vector_load %arg10[%get3A_371, %get3A_372] {strides = array<i32>} : memref<128x128xf32, #tpu.memory_space<vmem>>, vector<1x16xf32>,
        %get3A_374 = vector.shape_cast %get3A_373 : vector<1x16xf32> to vector<16xf32>
        %mul3A_375 = vector.broadcast %squeeze3A_322 : f32 to vector<16xf32>
        %mul3A_376 = arith.mulf %get3A_374, %mul3A_375 : vector<16xf32>
        %swap3A_377 = arith.index_cast %add3A_326 : i32 to index
        %swap3A_378 = arith.constant 64 : index
        %swap3A_379 = tpu.vector_load %arg10[%swap3A_377, %swap3A_378] {strides = array<i32>} : memref<128x128xf32, #tpu.memory_space<vmem>>, vector<1x16xf32>,
        %swap3A_380 = vector.shape_cast %swap3A_379 : vector<1x16xf32> to vector<16xf32>
        %swap3A_381 = vector.shape_cast %mul3A_376 : vector<16xf32> to vector<1x16xf32>
        tpu.vector_store %arg10[%swap3A_377, %swap3A_378], %swap3A_381 {strides = array<i32>} : memref<128x128xf32, #tpu.memory_space<vmem>>, vector<1x16xf32>,
        %get3A_382 = arith.index_cast %add3A_326 : i32 to index
        %get3A_383 = arith.constant 80 : index
        %get3A_384 = tpu.vector_load %arg10[%get3A_382, %get3A_383] {strides = array<i32>} : memref<128x128xf32, #tpu.memory_space<vmem>>, vector<1x16xf32>,
        %get3A_385 = vector.shape_cast %get3A_384 : vector<1x16xf32> to vector<16xf32>
        %mul3A_386 = vector.broadcast %squeeze3A_322 : f32 to vector<16xf32>
        %mul3A_387 = arith.mulf %get3A_385, %mul3A_386 : vector<16xf32>
        %swap3A_388 = arith.index_cast %add3A_326 : i32 to index
        %swap3A_389 = arith.constant 80 : index
        %swap3A_390 = tpu.vector_load %arg10[%swap3A_388, %swap3A_389] {strides = array<i32>} : memref<128x128xf32, #tpu.memory_space<vmem>>, vector<1x16xf32>,
        %swap3A_391 = vector.shape_cast %swap3A_390 : vector<1x16xf32> to vector<16xf32>
        %swap3A_392 = vector.shape_cast %mul3A_387 : vector<16xf32> to vector<1x16xf32>
        tpu.vector_store %arg10[%swap3A_388, %swap3A_389], %swap3A_392 {strides = array<i32>} : memref<128x128xf32, #tpu.memory_space<vmem>>, vector<1x16xf32>,
        %get3A_393 = arith.index_cast %add3A_326 : i32 to index
        %get3A_394 = arith.constant 96 : index
        %get3A_395 = tpu.vector_load %arg10[%get3A_393, %get3A_394] {strides = array<i32>} : memref<128x128xf32, #tpu.memory_space<vmem>>, vector<1x16xf32>,
        %get3A_396 = vector.shape_cast %get3A_395 : vector<1x16xf32> to vector<16xf32>
        %mul3A_397 = vector.broadcast %squeeze3A_322 : f32 to vector<16xf32>
        %mul3A_398 = arith.mulf %get3A_396, %mul3A_397 : vector<16xf32>
        %swap3A_399 = arith.index_cast %add3A_326 : i32 to index
        %swap3A_400 = arith.constant 96 : index
        %swap3A_401 = tpu.vector_load %arg10[%swap3A_399, %swap3A_400] {strides = array<i32>} : memref<128x128xf32, #tpu.memory_space<vmem>>, vector<1x16xf32>,
        %swap3A_402 = vector.shape_cast %swap3A_401 : vector<1x16xf32> to vector<16xf32>
        %swap3A_403 = vector.shape_cast %mul3A_398 : vector<16xf32> to vector<1x16xf32>
        tpu.vector_store %arg10[%swap3A_399, %swap3A_400], %swap3A_403 {strides = array<i32>} : memref<128x128xf32, #tpu.memory_space<vmem>>, vector<1x16xf32>,
        %get3A_404 = arith.index_cast %add3A_326 : i32 to index
        %get3A_405 = arith.constant 112 : index
        %get3A_406 = tpu.vector_load %arg10[%get3A_404, %get3A_405] {strides = array<i32>} : memref<128x128xf32, #tpu.memory_space<vmem>>, vector<1x16xf32>,
        %get3A_407 = vector.shape_cast %get3A_406 : vector<1x16xf32> to vector<16xf32>
        %mul3A_408 = vector.broadcast %squeeze3A_322 : f32 to vector<16xf32>
        %mul3A_409 = arith.mulf %get3A_407, %mul3A_408 : vector<16xf32>
        %swap3A_410 = arith.index_cast %add3A_326 : i32 to index
        %swap3A_411 = arith.constant 112 : index
        %swap3A_412 = tpu.vector_load %arg10[%swap3A_410, %swap3A_411] {strides = array<i32>} : memref<128x128xf32, #tpu.memory_space<vmem>>, vector<1x16xf32>,
        %swap3A_413 = vector.shape_cast %swap3A_412 : vector<1x16xf32> to vector<16xf32>
        %swap3A_414 = vector.shape_cast %mul3A_409 : vector<16xf32> to vector<1x16xf32>
        tpu.vector_store %arg10[%swap3A_410, %swap3A_411], %swap3A_414 {strides = array<i32>} : memref<128x128xf32, #tpu.memory_space<vmem>>, vector<1x16xf32>,
        %slice3A_415 = vector.extract_strided_slice %get3A_41 {offsets = [4], sizes = [1], strides = [1]} : vector<16xf32> to vector<1xf32>
        %squeeze3A_416 = vector.extract %slice3A_415[0] : f32 from vector<1xf32>
        %mul3A_417 = arith.constant 16 : i32
        %mul3A_418 = arith.muli %scan3A_37, %mul3A_417 : i32
        %add3A_419 = arith.constant 4 : i32
        %add3A_420 = arith.addi %mul3A_418, %add3A_419 : i32
        %get3A_421 = arith.index_cast %add3A_420 : i32 to index
        %get3A_422 = arith.constant 0 : index
        %get3A_423 = tpu.vector_load %arg10[%get3A_421, %get3A_422] {strides = array<i32>} : memref<128x128xf32, #tpu.memory_space<vmem>>, vector<1x16xf32>,
        %get3A_424 = vector.shape_cast %get3A_423 : vector<1x16xf32> to vector<16xf32>
        %mul3A_425 = vector.broadcast %squeeze3A_416 : f32 to vector<16xf32>
        %mul3A_426 = arith.mulf %get3A_424, %mul3A_425 : vector<16xf32>
        %swap3A_427 = arith.index_cast %add3A_420 : i32 to index
        %swap3A_428 = arith.constant 0 : index
        %swap3A_429 = tpu.vector_load %arg10[%swap3A_427, %swap3A_428] {strides = array<i32>} : memref<128x128xf32, #tpu.memory_space<vmem>>, vector<1x16xf32>,
        %swap3A_430 = vector.shape_cast %swap3A_429 : vector<1x16xf32> to vector<16xf32>
        %swap3A_431 = vector.shape_cast %mul3A_426 : vector<16xf32> to vector<1x16xf32>
        tpu.vector_store %arg10[%swap3A_427, %swap3A_428], %swap3A_431 {strides = array<i32>} : memref<128x128xf32, #tpu.memory_space<vmem>>, vector<1x16xf32>,
        %get3A_432 = arith.index_cast %add3A_420 : i32 to index
        %get3A_433 = arith.constant 16 : index
        %get3A_434 = tpu.vector_load %arg10[%get3A_432, %get3A_433] {strides = array<i32>} : memref<128x128xf32, #tpu.memory_space<vmem>>, vector<1x16xf32>,
        %get3A_435 = vector.shape_cast %get3A_434 : vector<1x16xf32> to vector<16xf32>
        %mul3A_436 = vector.broadcast %squeeze3A_416 : f32 to vector<16xf32>
        %mul3A_437 = arith.mulf %get3A_435, %mul3A_436 : vector<16xf32>
        %swap3A_438 = arith.index_cast %add3A_420 : i32 to index
        %swap3A_439 = arith.constant 16 : index
        %swap3A_440 = tpu.vector_load %arg10[%swap3A_438, %swap3A_439] {strides = array<i32>} : memref<128x128xf32, #tpu.memory_space<vmem>>, vector<1x16xf32>,
        %swap3A_441 = vector.shape_cast %swap3A_440 : vector<1x16xf32> to vector<16xf32>
        %swap3A_442 = vector.shape_cast %mul3A_437 : vector<16xf32> to vector<1x16xf32>
        tpu.vector_store %arg10[%swap3A_438, %swap3A_439], %swap3A_442 {strides = array<i32>} : memref<128x128xf32, #tpu.memory_space<vmem>>, vector<1x16xf32>,
        %get3A_443 = arith.index_cast %add3A_420 : i32 to index
        %get3A_444 = arith.constant 32 : index
        %get3A_445 = tpu.vector_load %arg10[%get3A_443, %get3A_444] {strides = array<i32>} : memref<128x128xf32, #tpu.memory_space<vmem>>, vector<1x16xf32>,
        %get3A_446 = vector.shape_cast %get3A_445 : vector<1x16xf32> to vector<16xf32>
        %mul3A_447 = vector.broadcast %squeeze3A_416 : f32 to vector<16xf32>
        %mul3A_448 = arith.mulf %get3A_446, %mul3A_447 : vector<16xf32>
        %swap3A_449 = arith.index_cast %add3A_420 : i32 to index
        %swap3A_450 = arith.constant 32 : index
        %swap3A_451 = tpu.vector_load %arg10[%swap3A_449, %swap3A_450] {strides = array<i32>} : memref<128x128xf32, #tpu.memory_space<vmem>>, vector<1x16xf32>,
        %swap3A_452 = vector.shape_cast %swap3A_451 : vector<1x16xf32> to vector<16xf32>
        %swap3A_453 = vector.shape_cast %mul3A_448 : vector<16xf32> to vector<1x16xf32>
        tpu.vector_store %arg10[%swap3A_449, %swap3A_450], %swap3A_453 {strides = array<i32>} : memref<128x128xf32, #tpu.memory_space<vmem>>, vector<1x16xf32>,
        %get3A_454 = arith.index_cast %add3A_420 : i32 to index
        %get3A_455 = arith.constant 48 : index
        %get3A_456 = tpu.vector_load %arg10[%get3A_454, %get3A_455] {strides = array<i32>} : memref<128x128xf32, #tpu.memory_space<vmem>>, vector<1x16xf32>,
        %get3A_457 = vector.shape_cast %get3A_456 : vector<1x16xf32> to vector<16xf32>
        %mul3A_458 = vector.broadcast %squeeze3A_416 : f32 to vector<16xf32>
        %mul3A_459 = arith.mulf %get3A_457, %mul3A_458 : vector<16xf32>
        %swap3A_460 = arith.index_cast %add3A_420 : i32 to index
        %swap3A_461 = arith.constant 48 : index
        %swap3A_462 = tpu.vector_load %arg10[%swap3A_460, %swap3A_461] {strides = array<i32>} : memref<128x128xf32, #tpu.memory_space<vmem>>, vector<1x16xf32>,
        %swap3A_463 = vector.shape_cast %swap3A_462 : vector<1x16xf32> to vector<16xf32>
        %swap3A_464 = vector.shape_cast %mul3A_459 : vector<16xf32> to vector<1x16xf32>
        tpu.vector_store %arg10[%swap3A_460, %swap3A_461], %swap3A_464 {strides = array<i32>} : memref<128x128xf32, #tpu.memory_space<vmem>>, vector<1x16xf32>,
        %get3A_465 = arith.index_cast %add3A_420 : i32 to index
        %get3A_466 = arith.constant 64 : index
        %get3A_467 = tpu.vector_load %arg10[%get3A_465, %get3A_466] {strides = array<i32>} : memref<128x128xf32, #tpu.memory_space<vmem>>, vector<1x16xf32>,
        %get3A_468 = vector.shape_cast %get3A_467 : vector<1x16xf32> to vector<16xf32>
        %mul3A_469 = vector.broadcast %squeeze3A_416 : f32 to vector<16xf32>
        %mul3A_470 = arith.mulf %get3A_468, %mul3A_469 : vector<16xf32>
        %swap3A_471 = arith.index_cast %add3A_420 : i32 to index
        %swap3A_472 = arith.constant 64 : index
        %swap3A_473 = tpu.vector_load %arg10[%swap3A_471, %swap3A_472] {strides = array<i32>} : memref<128x128xf32, #tpu.memory_space<vmem>>, vector<1x16xf32>,
        %swap3A_474 = vector.shape_cast %swap3A_473 : vector<1x16xf32> to vector<16xf32>
        %swap3A_475 = vector.shape_cast %mul3A_470 : vector<16xf32> to vector<1x16xf32>
        tpu.vector_store %arg10[%swap3A_471, %swap3A_472], %swap3A_475 {strides = array<i32>} : memref<128x128xf32, #tpu.memory_space<vmem>>, vector<1x16xf32>,
        %get3A_476 = arith.index_cast %add3A_420 : i32 to index
        %get3A_477 = arith.constant 80 : index
        %get3A_478 = tpu.vector_load %arg10[%get3A_476, %get3A_477] {strides = array<i32>} : memref<128x128xf32, #tpu.memory_space<vmem>>, vector<1x16xf32>,
        %get3A_479 = vector.shape_cast %get3A_478 : vector<1x16xf32> to vector<16xf32>
        %mul3A_480 = vector.broadcast %squeeze3A_416 : f32 to vector<16xf32>
        %mul3A_481 = arith.mulf %get3A_479, %mul3A_480 : vector<16xf32>
        %swap3A_482 = arith.index_cast %add3A_420 : i32 to index
        %swap3A_483 = arith.constant 80 : index
        %swap3A_484 = tpu.vector_load %arg10[%swap3A_482, %swap3A_483] {strides = array<i32>} : memref<128x128xf32, #tpu.memory_space<vmem>>, vector<1x16xf32>,
        %swap3A_485 = vector.shape_cast %swap3A_484 : vector<1x16xf32> to vector<16xf32>
        %swap3A_486 = vector.shape_cast %mul3A_481 : vector<16xf32> to vector<1x16xf32>
        tpu.vector_store %arg10[%swap3A_482, %swap3A_483], %swap3A_486 {strides = array<i32>} : memref<128x128xf32, #tpu.memory_space<vmem>>, vector<1x16xf32>,
        %get3A_487 = arith.index_cast %add3A_420 : i32 to index
        %get3A_488 = arith.constant 96 : index
        %get3A_489 = tpu.vector_load %arg10[%get3A_487, %get3A_488] {strides = array<i32>} : memref<128x128xf32, #tpu.memory_space<vmem>>, vector<1x16xf32>,
        %get3A_490 = vector.shape_cast %get3A_489 : vector<1x16xf32> to vector<16xf32>
        %mul3A_491 = vector.broadcast %squeeze3A_416 : f32 to vector<16xf32>
        %mul3A_492 = arith.mulf %get3A_490, %mul3A_491 : vector<16xf32>
        %swap3A_493 = arith.index_cast %add3A_420 : i32 to index
        %swap3A_494 = arith.constant 96 : index
        %swap3A_495 = tpu.vector_load %arg10[%swap3A_493, %swap3A_494] {strides = array<i32>} : memref<128x128xf32, #tpu.memory_space<vmem>>, vector<1x16xf32>,
        %swap3A_496 = vector.shape_cast %swap3A_495 : vector<1x16xf32> to vector<16xf32>
        %swap3A_497 = vector.shape_cast %mul3A_492 : vector<16xf32> to vector<1x16xf32>
        tpu.vector_store %arg10[%swap3A_493, %swap3A_494], %swap3A_497 {strides = array<i32>} : memref<128x128xf32, #tpu.memory_space<vmem>>, vector<1x16xf32>,
        %get3A_498 = arith.index_cast %add3A_420 : i32 to index
        %get3A_499 = arith.constant 112 : index
        %get3A_500 = tpu.vector_load %arg10[%get3A_498, %get3A_499] {strides = array<i32>} : memref<128x128xf32, #tpu.memory_space<vmem>>, vector<1x16xf32>,
        %get3A_501 = vector.shape_cast %get3A_500 : vector<1x16xf32> to vector<16xf32>
        %mul3A_502 = vector.broadcast %squeeze3A_416 : f32 to vector<16xf32>
        %mul3A_503 = arith.mulf %get3A_501, %mul3A_502 : vector<16xf32>
        %swap3A_504 = arith.index_cast %add3A_420 : i32 to index
        %swap3A_505 = arith.constant 112 : index
        %swap3A_506 = tpu.vector_load %arg10[%swap3A_504, %swap3A_505] {strides = array<i32>} : memref<128x128xf32, #tpu.memory_space<vmem>>, vector<1x16xf32>,
        %swap3A_507 = vector.shape_cast %swap3A_506 : vector<1x16xf32> to vector<16xf32>
        %swap3A_508 = vector.shape_cast %mul3A_503 : vector<16xf32> to vector<1x16xf32>
        tpu.vector_store %arg10[%swap3A_504, %swap3A_505], %swap3A_508 {strides = array<i32>} : memref<128x128xf32, #tpu.memory_space<vmem>>, vector<1x16xf32>,
        %slice3A_509 = vector.extract_strided_slice %get3A_41 {offsets = [5], sizes = [1], strides = [1]} : vector<16xf32> to vector<1xf32>
        %squeeze3A_510 = vector.extract %slice3A_509[0] : f32 from vector<1xf32>
        %mul3A_511 = arith.constant 16 : i32
        %mul3A_512 = arith.muli %scan3A_37, %mul3A_511 : i32
        %add3A_513 = arith.constant 5 : i32
        %add3A_514 = arith.addi %mul3A_512, %add3A_513 : i32
        %get3A_515 = arith.index_cast %add3A_514 : i32 to index
        %get3A_516 = arith.constant 0 : index
        %get3A_517 = tpu.vector_load %arg10[%get3A_515, %get3A_516] {strides = array<i32>} : memref<128x128xf32, #tpu.memory_space<vmem>>, vector<1x16xf32>,
        %get3A_518 = vector.shape_cast %get3A_517 : vector<1x16xf32> to vector<16xf32>
        %mul3A_519 = vector.broadcast %squeeze3A_510 : f32 to vector<16xf32>
        %mul3A_520 = arith.mulf %get3A_518, %mul3A_519 : vector<16xf32>
        %swap3A_521 = arith.index_cast %add3A_514 : i32 to index
        %swap3A_522 = arith.constant 0 : index
        %swap3A_523 = tpu.vector_load %arg10[%swap3A_521, %swap3A_522] {strides = array<i32>} : memref<128x128xf32, #tpu.memory_space<vmem>>, vector<1x16xf32>,
        %swap3A_524 = vector.shape_cast %swap3A_523 : vector<1x16xf32> to vector<16xf32>
        %swap3A_525 = vector.shape_cast %mul3A_520 : vector<16xf32> to vector<1x16xf32>
        tpu.vector_store %arg10[%swap3A_521, %swap3A_522], %swap3A_525 {strides = array<i32>} : memref<128x128xf32, #tpu.memory_space<vmem>>, vector<1x16xf32>,
        %get3A_526 = arith.index_cast %add3A_514 : i32 to index
        %get3A_527 = arith.constant 16 : index
        %get3A_528 = tpu.vector_load %arg10[%get3A_526, %get3A_527] {strides = array<i32>} : memref<128x128xf32, #tpu.memory_space<vmem>>, vector<1x16xf32>,
        %get3A_529 = vector.shape_cast %get3A_528 : vector<1x16xf32> to vector<16xf32>
        %mul3A_530 = vector.broadcast %squeeze3A_510 : f32 to vector<16xf32>
        %mul3A_531 = arith.mulf %get3A_529, %mul3A_530 : vector<16xf32>
        %swap3A_532 = arith.index_cast %add3A_514 : i32 to index
        %swap3A_533 = arith.constant 16 : index
        %swap3A_534 = tpu.vector_load %arg10[%swap3A_532, %swap3A_533] {strides = array<i32>} : memref<128x128xf32, #tpu.memory_space<vmem>>, vector<1x16xf32>,
        %swap3A_535 = vector.shape_cast %swap3A_534 : vector<1x16xf32> to vector<16xf32>
        %swap3A_536 = vector.shape_cast %mul3A_531 : vector<16xf32> to vector<1x16xf32>
        tpu.vector_store %arg10[%swap3A_532, %swap3A_533], %swap3A_536 {strides = array<i32>} : memref<128x128xf32, #tpu.memory_space<vmem>>, vector<1x16xf32>,
        %get3A_537 = arith.index_cast %add3A_514 : i32 to index
        %get3A_538 = arith.constant 32 : index
        %get3A_539 = tpu.vector_load %arg10[%get3A_537, %get3A_538] {strides = array<i32>} : memref<128x128xf32, #tpu.memory_space<vmem>>, vector<1x16xf32>,
        %get3A_540 = vector.shape_cast %get3A_539 : vector<1x16xf32> to vector<16xf32>
        %mul3A_541 = vector.broadcast %squeeze3A_510 : f32 to vector<16xf32>
        %mul3A_542 = arith.mulf %get3A_540, %mul3A_541 : vector<16xf32>
        %swap3A_543 = arith.index_cast %add3A_514 : i32 to index
        %swap3A_544 = arith.constant 32 : index
        %swap3A_545 = tpu.vector_load %arg10[%swap3A_543, %swap3A_544] {strides = array<i32>} : memref<128x128xf32, #tpu.memory_space<vmem>>, vector<1x16xf32>,
        %swap3A_546 = vector.shape_cast %swap3A_545 : vector<1x16xf32> to vector<16xf32>
        %swap3A_547 = vector.shape_cast %mul3A_542 : vector<16xf32> to vector<1x16xf32>
        tpu.vector_store %arg10[%swap3A_543, %swap3A_544], %swap3A_547 {strides = array<i32>} : memref<128x128xf32, #tpu.memory_space<vmem>>, vector<1x16xf32>,
        %get3A_548 = arith.index_cast %add3A_514 : i32 to index
        %get3A_549 = arith.constant 48 : index
        %get3A_550 = tpu.vector_load %arg10[%get3A_548, %get3A_549] {strides = array<i32>} : memref<128x128xf32, #tpu.memory_space<vmem>>, vector<1x16xf32>,
        %get3A_551 = vector.shape_cast %get3A_550 : vector<1x16xf32> to vector<16xf32>
        %mul3A_552 = vector.broadcast %squeeze3A_510 : f32 to vector<16xf32>
        %mul3A_553 = arith.mulf %get3A_551, %mul3A_552 : vector<16xf32>
        %swap3A_554 = arith.index_cast %add3A_514 : i32 to index
        %swap3A_555 = arith.constant 48 : index
        %swap3A_556 = tpu.vector_load %arg10[%swap3A_554, %swap3A_555] {strides = array<i32>} : memref<128x128xf32, #tpu.memory_space<vmem>>, vector<1x16xf32>,
        %swap3A_557 = vector.shape_cast %swap3A_556 : vector<1x16xf32> to vector<16xf32>
        %swap3A_558 = vector.shape_cast %mul3A_553 : vector<16xf32> to vector<1x16xf32>
        tpu.vector_store %arg10[%swap3A_554, %swap3A_555], %swap3A_558 {strides = array<i32>} : memref<128x128xf32, #tpu.memory_space<vmem>>, vector<1x16xf32>,
        %get3A_559 = arith.index_cast %add3A_514 : i32 to index
        %get3A_560 = arith.constant 64 : index
        %get3A_561 = tpu.vector_load %arg10[%get3A_559, %get3A_560] {strides = array<i32>} : memref<128x128xf32, #tpu.memory_space<vmem>>, vector<1x16xf32>,
        %get3A_562 = vector.shape_cast %get3A_561 : vector<1x16xf32> to vector<16xf32>
        %mul3A_563 = vector.broadcast %squeeze3A_510 : f32 to vector<16xf32>
        %mul3A_564 = arith.mulf %get3A_562, %mul3A_563 : vector<16xf32>
        %swap3A_565 = arith.index_cast %add3A_514 : i32 to index
        %swap3A_566 = arith.constant 64 : index
        %swap3A_567 = tpu.vector_load %arg10[%swap3A_565, %swap3A_566] {strides = array<i32>} : memref<128x128xf32, #tpu.memory_space<vmem>>, vector<1x16xf32>,
        %swap3A_568 = vector.shape_cast %swap3A_567 : vector<1x16xf32> to vector<16xf32>
        %swap3A_569 = vector.shape_cast %mul3A_564 : vector<16xf32> to vector<1x16xf32>
        tpu.vector_store %arg10[%swap3A_565, %swap3A_566], %swap3A_569 {strides = array<i32>} : memref<128x128xf32, #tpu.memory_space<vmem>>, vector<1x16xf32>,
        %get3A_570 = arith.index_cast %add3A_514 : i32 to index
        %get3A_571 = arith.constant 80 : index
        %get3A_572 = tpu.vector_load %arg10[%get3A_570, %get3A_571] {strides = array<i32>} : memref<128x128xf32, #tpu.memory_space<vmem>>, vector<1x16xf32>,
        %get3A_573 = vector.shape_cast %get3A_572 : vector<1x16xf32> to vector<16xf32>
        %mul3A_574 = vector.broadcast %squeeze3A_510 : f32 to vector<16xf32>
        %mul3A_575 = arith.mulf %get3A_573, %mul3A_574 : vector<16xf32>
        %swap3A_576 = arith.index_cast %add3A_514 : i32 to index
        %swap3A_577 = arith.constant 80 : index
        %swap3A_578 = tpu.vector_load %arg10[%swap3A_576, %swap3A_577] {strides = array<i32>} : memref<128x128xf32, #tpu.memory_space<vmem>>, vector<1x16xf32>,
        %swap3A_579 = vector.shape_cast %swap3A_578 : vector<1x16xf32> to vector<16xf32>
        %swap3A_580 = vector.shape_cast %mul3A_575 : vector<16xf32> to vector<1x16xf32>
        tpu.vector_store %arg10[%swap3A_576, %swap3A_577], %swap3A_580 {strides = array<i32>} : memref<128x128xf32, #tpu.memory_space<vmem>>, vector<1x16xf32>,
        %get3A_581 = arith.index_cast %add3A_514 : i32 to index
        %get3A_582 = arith.constant 96 : index
        %get3A_583 = tpu.vector_load %arg10[%get3A_581, %get3A_582] {strides = array<i32>} : memref<128x128xf32, #tpu.memory_space<vmem>>, vector<1x16xf32>,
        %get3A_584 = vector.shape_cast %get3A_583 : vector<1x16xf32> to vector<16xf32>
        %mul3A_585 = vector.broadcast %squeeze3A_510 : f32 to vector<16xf32>
        %mul3A_586 = arith.mulf %get3A_584, %mul3A_585 : vector<16xf32>
        %swap3A_587 = arith.index_cast %add3A_514 : i32 to index
        %swap3A_588 = arith.constant 96 : index
        %swap3A_589 = tpu.vector_load %arg10[%swap3A_587, %swap3A_588] {strides = array<i32>} : memref<128x128xf32, #tpu.memory_space<vmem>>, vector<1x16xf32>,
        %swap3A_590 = vector.shape_cast %swap3A_589 : vector<1x16xf32> to vector<16xf32>
        %swap3A_591 = vector.shape_cast %mul3A_586 : vector<16xf32> to vector<1x16xf32>
        tpu.vector_store %arg10[%swap3A_587, %swap3A_588], %swap3A_591 {strides = array<i32>} : memref<128x128xf32, #tpu.memory_space<vmem>>, vector<1x16xf32>,
        %get3A_592 = arith.index_cast %add3A_514 : i32 to index
        %get3A_593 = arith.constant 112 : index
        %get3A_594 = tpu.vector_load %arg10[%get3A_592, %get3A_593] {strides = array<i32>} : memref<128x128xf32, #tpu.memory_space<vmem>>, vector<1x16xf32>,
        %get3A_595 = vector.shape_cast %get3A_594 : vector<1x16xf32> to vector<16xf32>
        %mul3A_596 = vector.broadcast %squeeze3A_510 : f32 to vector<16xf32>
        %mul3A_597 = arith.mulf %get3A_595, %mul3A_596 : vector<16xf32>
        %swap3A_598 = arith.index_cast %add3A_514 : i32 to index
        %swap3A_599 = arith.constant 112 : index
        %swap3A_600 = tpu.vector_load %arg10[%swap3A_598, %swap3A_599] {strides = array<i32>} : memref<128x128xf32, #tpu.memory_space<vmem>>, vector<1x16xf32>,
        %swap3A_601 = vector.shape_cast %swap3A_600 : vector<1x16xf32> to vector<16xf32>
        %swap3A_602 = vector.shape_cast %mul3A_597 : vector<16xf32> to vector<1x16xf32>
        tpu.vector_store %arg10[%swap3A_598, %swap3A_599], %swap3A_602 {strides = array<i32>} : memref<128x128xf32, #tpu.memory_space<vmem>>, vector<1x16xf32>,
        %slice3A_603 = vector.extract_strided_slice %get3A_41 {offsets = [6], sizes = [1], strides = [1]} : vector<16xf32> to vector<1xf32>
        %squeeze3A_604 = vector.extract %slice3A_603[0] : f32 from vector<1xf32>
        %mul3A_605 = arith.constant 16 : i32
        %mul3A_606 = arith.muli %scan3A_37, %mul3A_605 : i32
        %add3A_607 = arith.constant 6 : i32
        %add3A_608 = arith.addi %mul3A_606, %add3A_607 : i32
        %get3A_609 = arith.index_cast %add3A_608 : i32 to index
        %get3A_610 = arith.constant 0 : index
        %get3A_611 = tpu.vector_load %arg10[%get3A_609, %get3A_610] {strides = array<i32>} : memref<128x128xf32, #tpu.memory_space<vmem>>, vector<1x16xf32>,
        %get3A_612 = vector.shape_cast %get3A_611 : vector<1x16xf32> to vector<16xf32>
        %mul3A_613 = vector.broadcast %squeeze3A_604 : f32 to vector<16xf32>
        %mul3A_614 = arith.mulf %get3A_612, %mul3A_613 : vector<16xf32>
        %swap3A_615 = arith.index_cast %add3A_608 : i32 to index
        %swap3A_616 = arith.constant 0 : index
        %swap3A_617 = tpu.vector_load %arg10[%swap3A_615, %swap3A_616] {strides = array<i32>} : memref<128x128xf32, #tpu.memory_space<vmem>>, vector<1x16xf32>,
        %swap3A_618 = vector.shape_cast %swap3A_617 : vector<1x16xf32> to vector<16xf32>
        %swap3A_619 = vector.shape_cast %mul3A_614 : vector<16xf32> to vector<1x16xf32>
        tpu.vector_store %arg10[%swap3A_615, %swap3A_616], %swap3A_619 {strides = array<i32>} : memref<128x128xf32, #tpu.memory_space<vmem>>, vector<1x16xf32>,
        %get3A_620 = arith.index_cast %add3A_608 : i32 to index
        %get3A_621 = arith.constant 16 : index
        %get3A_622 = tpu.vector_load %arg10[%get3A_620, %get3A_621] {strides = array<i32>} : memref<128x128xf32, #tpu.memory_space<vmem>>, vector<1x16xf32>,
        %get3A_623 = vector.shape_cast %get3A_622 : vector<1x16xf32> to vector<16xf32>
        %mul3A_624 = vector.broadcast %squeeze3A_604 : f32 to vector<16xf32>
        %mul3A_625 = arith.mulf %get3A_623, %mul3A_624 : vector<16xf32>
        %swap3A_626 = arith.index_cast %add3A_608 : i32 to index
        %swap3A_627 = arith.constant 16 : index
        %swap3A_628 = tpu.vector_load %arg10[%swap3A_626, %swap3A_627] {strides = array<i32>} : memref<128x128xf32, #tpu.memory_space<vmem>>, vector<1x16xf32>,
        %swap3A_629 = vector.shape_cast %swap3A_628 : vector<1x16xf32> to vector<16xf32>
        %swap3A_630 = vector.shape_cast %mul3A_625 : vector<16xf32> to vector<1x16xf32>
        tpu.vector_store %arg10[%swap3A_626, %swap3A_627], %swap3A_630 {strides = array<i32>} : memref<128x128xf32, #tpu.memory_space<vmem>>, vector<1x16xf32>,
        %get3A_631 = arith.index_cast %add3A_608 : i32 to index
        %get3A_632 = arith.constant 32 : index
        %get3A_633 = tpu.vector_load %arg10[%get3A_631, %get3A_632] {strides = array<i32>} : memref<128x128xf32, #tpu.memory_space<vmem>>, vector<1x16xf32>,
        %get3A_634 = vector.shape_cast %get3A_633 : vector<1x16xf32> to vector<16xf32>
        %mul3A_635 = vector.broadcast %squeeze3A_604 : f32 to vector<16xf32>
        %mul3A_636 = arith.mulf %get3A_634, %mul3A_635 : vector<16xf32>
        %swap3A_637 = arith.index_cast %add3A_608 : i32 to index
        %swap3A_638 = arith.constant 32 : index
        %swap3A_639 = tpu.vector_load %arg10[%swap3A_637, %swap3A_638] {strides = array<i32>} : memref<128x128xf32, #tpu.memory_space<vmem>>, vector<1x16xf32>,
        %swap3A_640 = vector.shape_cast %swap3A_639 : vector<1x16xf32> to vector<16xf32>
        %swap3A_641 = vector.shape_cast %mul3A_636 : vector<16xf32> to vector<1x16xf32>
        tpu.vector_store %arg10[%swap3A_637, %swap3A_638], %swap3A_641 {strides = array<i32>} : memref<128x128xf32, #tpu.memory_space<vmem>>, vector<1x16xf32>,
        %get3A_642 = arith.index_cast %add3A_608 : i32 to index
        %get3A_643 = arith.constant 48 : index
        %get3A_644 = tpu.vector_load %arg10[%get3A_642, %get3A_643] {strides = array<i32>} : memref<128x128xf32, #tpu.memory_space<vmem>>, vector<1x16xf32>,
        %get3A_645 = vector.shape_cast %get3A_644 : vector<1x16xf32> to vector<16xf32>
        %mul3A_646 = vector.broadcast %squeeze3A_604 : f32 to vector<16xf32>
        %mul3A_647 = arith.mulf %get3A_645, %mul3A_646 : vector<16xf32>
        %swap3A_648 = arith.index_cast %add3A_608 : i32 to index
        %swap3A_649 = arith.constant 48 : index
        %swap3A_650 = tpu.vector_load %arg10[%swap3A_648, %swap3A_649] {strides = array<i32>} : memref<128x128xf32, #tpu.memory_space<vmem>>, vector<1x16xf32>,
        %swap3A_651 = vector.shape_cast %swap3A_650 : vector<1x16xf32> to vector<16xf32>
        %swap3A_652 = vector.shape_cast %mul3A_647 : vector<16xf32> to vector<1x16xf32>
        tpu.vector_store %arg10[%swap3A_648, %swap3A_649], %swap3A_652 {strides = array<i32>} : memref<128x128xf32, #tpu.memory_space<vmem>>, vector<1x16xf32>,
        %get3A_653 = arith.index_cast %add3A_608 : i32 to index
        %get3A_654 = arith.constant 64 : index
        %get3A_655 = tpu.vector_load %arg10[%get3A_653, %get3A_654] {strides = array<i32>} : memref<128x128xf32, #tpu.memory_space<vmem>>, vector<1x16xf32>,
        %get3A_656 = vector.shape_cast %get3A_655 : vector<1x16xf32> to vector<16xf32>
        %mul3A_657 = vector.broadcast %squeeze3A_604 : f32 to vector<16xf32>
        %mul3A_658 = arith.mulf %get3A_656, %mul3A_657 : vector<16xf32>
        %swap3A_659 = arith.index_cast %add3A_608 : i32 to index
        %swap3A_660 = arith.constant 64 : index
        %swap3A_661 = tpu.vector_load %arg10[%swap3A_659, %swap3A_660] {strides = array<i32>} : memref<128x128xf32, #tpu.memory_space<vmem>>, vector<1x16xf32>,
        %swap3A_662 = vector.shape_cast %swap3A_661 : vector<1x16xf32> to vector<16xf32>
        %swap3A_663 = vector.shape_cast %mul3A_658 : vector<16xf32> to vector<1x16xf32>
        tpu.vector_store %arg10[%swap3A_659, %swap3A_660], %swap3A_663 {strides = array<i32>} : memref<128x128xf32, #tpu.memory_space<vmem>>, vector<1x16xf32>,
        %get3A_664 = arith.index_cast %add3A_608 : i32 to index
        %get3A_665 = arith.constant 80 : index
        %get3A_666 = tpu.vector_load %arg10[%get3A_664, %get3A_665] {strides = array<i32>} : memref<128x128xf32, #tpu.memory_space<vmem>>, vector<1x16xf32>,
        %get3A_667 = vector.shape_cast %get3A_666 : vector<1x16xf32> to vector<16xf32>
        %mul3A_668 = vector.broadcast %squeeze3A_604 : f32 to vector<16xf32>
        %mul3A_669 = arith.mulf %get3A_667, %mul3A_668 : vector<16xf32>
        %swap3A_670 = arith.index_cast %add3A_608 : i32 to index
        %swap3A_671 = arith.constant 80 : index
        %swap3A_672 = tpu.vector_load %arg10[%swap3A_670, %swap3A_671] {strides = array<i32>} : memref<128x128xf32, #tpu.memory_space<vmem>>, vector<1x16xf32>,
        %swap3A_673 = vector.shape_cast %swap3A_672 : vector<1x16xf32> to vector<16xf32>
        %swap3A_674 = vector.shape_cast %mul3A_669 : vector<16xf32> to vector<1x16xf32>
        tpu.vector_store %arg10[%swap3A_670, %swap3A_671], %swap3A_674 {strides = array<i32>} : memref<128x128xf32, #tpu.memory_space<vmem>>, vector<1x16xf32>,
        %get3A_675 = arith.index_cast %add3A_608 : i32 to index
        %get3A_676 = arith.constant 96 : index
        %get3A_677 = tpu.vector_load %arg10[%get3A_675, %get3A_676] {strides = array<i32>} : memref<128x128xf32, #tpu.memory_space<vmem>>, vector<1x16xf32>,
        %get3A_678 = vector.shape_cast %get3A_677 : vector<1x16xf32> to vector<16xf32>
        %mul3A_679 = vector.broadcast %squeeze3A_604 : f32 to vector<16xf32>
        %mul3A_680 = arith.mulf %get3A_678, %mul3A_679 : vector<16xf32>
        %swap3A_681 = arith.index_cast %add3A_608 : i32 to index
        %swap3A_682 = arith.constant 96 : index
        %swap3A_683 = tpu.vector_load %arg10[%swap3A_681, %swap3A_682] {strides = array<i32>} : memref<128x128xf32, #tpu.memory_space<vmem>>, vector<1x16xf32>,
        %swap3A_684 = vector.shape_cast %swap3A_683 : vector<1x16xf32> to vector<16xf32>
        %swap3A_685 = vector.shape_cast %mul3A_680 : vector<16xf32> to vector<1x16xf32>
        tpu.vector_store %arg10[%swap3A_681, %swap3A_682], %swap3A_685 {strides = array<i32>} : memref<128x128xf32, #tpu.memory_space<vmem>>, vector<1x16xf32>,
        %get3A_686 = arith.index_cast %add3A_608 : i32 to index
        %get3A_687 = arith.constant 112 : index
        %get3A_688 = tpu.vector_load %arg10[%get3A_686, %get3A_687] {strides = array<i32>} : memref<128x128xf32, #tpu.memory_space<vmem>>, vector<1x16xf32>,
        %get3A_689 = vector.shape_cast %get3A_688 : vector<1x16xf32> to vector<16xf32>
        %mul3A_690 = vector.broadcast %squeeze3A_604 : f32 to vector<16xf32>
        %mul3A_691 = arith.mulf %get3A_689, %mul3A_690 : vector<16xf32>
        %swap3A_692 = arith.index_cast %add3A_608 : i32 to index
        %swap3A_693 = arith.constant 112 : index
        %swap3A_694 = tpu.vector_load %arg10[%swap3A_692, %swap3A_693] {strides = array<i32>} : memref<128x128xf32, #tpu.memory_space<vmem>>, vector<1x16xf32>,
        %swap3A_695 = vector.shape_cast %swap3A_694 : vector<1x16xf32> to vector<16xf32>
        %swap3A_696 = vector.shape_cast %mul3A_691 : vector<16xf32> to vector<1x16xf32>
        tpu.vector_store %arg10[%swap3A_692, %swap3A_693], %swap3A_696 {strides = array<i32>} : memref<128x128xf32, #tpu.memory_space<vmem>>, vector<1x16xf32>,
        %slice3A_697 = vector.extract_strided_slice %get3A_41 {offsets = [7], sizes = [1], strides = [1]} : vector<16xf32> to vector<1xf32>
        %squeeze3A_698 = vector.extract %slice3A_697[0] : f32 from vector<1xf32>
        %mul3A_699 = arith.constant 16 : i32
        %mul3A_700 = arith.muli %scan3A_37, %mul3A_699 : i32
        %add3A_701 = arith.constant 7 : i32
        %add3A_702 = arith.addi %mul3A_700, %add3A_701 : i32
        %get3A_703 = arith.index_cast %add3A_702 : i32 to index
        %get3A_704 = arith.constant 0 : index
        %get3A_705 = tpu.vector_load %arg10[%get3A_703, %get3A_704] {strides = array<i32>} : memref<128x128xf32, #tpu.memory_space<vmem>>, vector<1x16xf32>,
        %get3A_706 = vector.shape_cast %get3A_705 : vector<1x16xf32> to vector<16xf32>
        %mul3A_707 = vector.broadcast %squeeze3A_698 : f32 to vector<16xf32>
        %mul3A_708 = arith.mulf %get3A_706, %mul3A_707 : vector<16xf32>
        %swap3A_709 = arith.index_cast %add3A_702 : i32 to index
        %swap3A_710 = arith.constant 0 : index
        %swap3A_711 = tpu.vector_load %arg10[%swap3A_709, %swap3A_710] {strides = array<i32>} : memref<128x128xf32, #tpu.memory_space<vmem>>, vector<1x16xf32>,
        %swap3A_712 = vector.shape_cast %swap3A_711 : vector<1x16xf32> to vector<16xf32>
        %swap3A_713 = vector.shape_cast %mul3A_708 : vector<16xf32> to vector<1x16xf32>
        tpu.vector_store %arg10[%swap3A_709, %swap3A_710], %swap3A_713 {strides = array<i32>} : memref<128x128xf32, #tpu.memory_space<vmem>>, vector<1x16xf32>,
        %get3A_714 = arith.index_cast %add3A_702 : i32 to index
        %get3A_715 = arith.constant 16 : index
        %get3A_716 = tpu.vector_load %arg10[%get3A_714, %get3A_715] {strides = array<i32>} : memref<128x128xf32, #tpu.memory_space<vmem>>, vector<1x16xf32>,
        %get3A_717 = vector.shape_cast %get3A_716 : vector<1x16xf32> to vector<16xf32>
        %mul3A_718 = vector.broadcast %squeeze3A_698 : f32 to vector<16xf32>
        %mul3A_719 = arith.mulf %get3A_717, %mul3A_718 : vector<16xf32>
        %swap3A_720 = arith.index_cast %add3A_702 : i32 to index
        %swap3A_721 = arith.constant 16 : index
        %swap3A_722 = tpu.vector_load %arg10[%swap3A_720, %swap3A_721] {strides = array<i32>} : memref<128x128xf32, #tpu.memory_space<vmem>>, vector<1x16xf32>,
        %swap3A_723 = vector.shape_cast %swap3A_722 : vector<1x16xf32> to vector<16xf32>
        %swap3A_724 = vector.shape_cast %mul3A_719 : vector<16xf32> to vector<1x16xf32>
        tpu.vector_store %arg10[%swap3A_720, %swap3A_721], %swap3A_724 {strides = array<i32>} : memref<128x128xf32, #tpu.memory_space<vmem>>, vector<1x16xf32>,
        %get3A_725 = arith.index_cast %add3A_702 : i32 to index
        %get3A_726 = arith.constant 32 : index
        %get3A_727 = tpu.vector_load %arg10[%get3A_725, %get3A_726] {strides = array<i32>} : memref<128x128xf32, #tpu.memory_space<vmem>>, vector<1x16xf32>,
        %get3A_728 = vector.shape_cast %get3A_727 : vector<1x16xf32> to vector<16xf32>
        %mul3A_729 = vector.broadcast %squeeze3A_698 : f32 to vector<16xf32>
        %mul3A_730 = arith.mulf %get3A_728, %mul3A_729 : vector<16xf32>
        %swap3A_731 = arith.index_cast %add3A_702 : i32 to index
        %swap3A_732 = arith.constant 32 : index
        %swap3A_733 = tpu.vector_load %arg10[%swap3A_731, %swap3A_732] {strides = array<i32>} : memref<128x128xf32, #tpu.memory_space<vmem>>, vector<1x16xf32>,
        %swap3A_734 = vector.shape_cast %swap3A_733 : vector<1x16xf32> to vector<16xf32>
        %swap3A_735 = vector.shape_cast %mul3A_730 : vector<16xf32> to vector<1x16xf32>
        tpu.vector_store %arg10[%swap3A_731, %swap3A_732], %swap3A_735 {strides = array<i32>} : memref<128x128xf32, #tpu.memory_space<vmem>>, vector<1x16xf32>,
        %get3A_736 = arith.index_cast %add3A_702 : i32 to index
        %get3A_737 = arith.constant 48 : index
        %get3A_738 = tpu.vector_load %arg10[%get3A_736, %get3A_737] {strides = array<i32>} : memref<128x128xf32, #tpu.memory_space<vmem>>, vector<1x16xf32>,
        %get3A_739 = vector.shape_cast %get3A_738 : vector<1x16xf32> to vector<16xf32>
        %mul3A_740 = vector.broadcast %squeeze3A_698 : f32 to vector<16xf32>
        %mul3A_741 = arith.mulf %get3A_739, %mul3A_740 : vector<16xf32>
        %swap3A_742 = arith.index_cast %add3A_702 : i32 to index
        %swap3A_743 = arith.constant 48 : index
        %swap3A_744 = tpu.vector_load %arg10[%swap3A_742, %swap3A_743] {strides = array<i32>} : memref<128x128xf32, #tpu.memory_space<vmem>>, vector<1x16xf32>,
        %swap3A_745 = vector.shape_cast %swap3A_744 : vector<1x16xf32> to vector<16xf32>
        %swap3A_746 = vector.shape_cast %mul3A_741 : vector<16xf32> to vector<1x16xf32>
        tpu.vector_store %arg10[%swap3A_742, %swap3A_743], %swap3A_746 {strides = array<i32>} : memref<128x128xf32, #tpu.memory_space<vmem>>, vector<1x16xf32>,
        %get3A_747 = arith.index_cast %add3A_702 : i32 to index
        %get3A_748 = arith.constant 64 : index
        %get3A_749 = tpu.vector_load %arg10[%get3A_747, %get3A_748] {strides = array<i32>} : memref<128x128xf32, #tpu.memory_space<vmem>>, vector<1x16xf32>,
        %get3A_750 = vector.shape_cast %get3A_749 : vector<1x16xf32> to vector<16xf32>
        %mul3A_751 = vector.broadcast %squeeze3A_698 : f32 to vector<16xf32>
        %mul3A_752 = arith.mulf %get3A_750, %mul3A_751 : vector<16xf32>
        %swap3A_753 = arith.index_cast %add3A_702 : i32 to index
        %swap3A_754 = arith.constant 64 : index
        %swap3A_755 = tpu.vector_load %arg10[%swap3A_753, %swap3A_754] {strides = array<i32>} : memref<128x128xf32, #tpu.memory_space<vmem>>, vector<1x16xf32>,
        %swap3A_756 = vector.shape_cast %swap3A_755 : vector<1x16xf32> to vector<16xf32>
        %swap3A_757 = vector.shape_cast %mul3A_752 : vector<16xf32> to vector<1x16xf32>
        tpu.vector_store %arg10[%swap3A_753, %swap3A_754], %swap3A_757 {strides = array<i32>} : memref<128x128xf32, #tpu.memory_space<vmem>>, vector<1x16xf32>,
        %get3A_758 = arith.index_cast %add3A_702 : i32 to index
        %get3A_759 = arith.constant 80 : index
        %get3A_760 = tpu.vector_load %arg10[%get3A_758, %get3A_759] {strides = array<i32>} : memref<128x128xf32, #tpu.memory_space<vmem>>, vector<1x16xf32>,
        %get3A_761 = vector.shape_cast %get3A_760 : vector<1x16xf32> to vector<16xf32>
        %mul3A_762 = vector.broadcast %squeeze3A_698 : f32 to vector<16xf32>
        %mul3A_763 = arith.mulf %get3A_761, %mul3A_762 : vector<16xf32>
        %swap3A_764 = arith.index_cast %add3A_702 : i32 to index
        %swap3A_765 = arith.constant 80 : index
        %swap3A_766 = tpu.vector_load %arg10[%swap3A_764, %swap3A_765] {strides = array<i32>} : memref<128x128xf32, #tpu.memory_space<vmem>>, vector<1x16xf32>,
        %swap3A_767 = vector.shape_cast %swap3A_766 : vector<1x16xf32> to vector<16xf32>
        %swap3A_768 = vector.shape_cast %mul3A_763 : vector<16xf32> to vector<1x16xf32>
        tpu.vector_store %arg10[%swap3A_764, %swap3A_765], %swap3A_768 {strides = array<i32>} : memref<128x128xf32, #tpu.memory_space<vmem>>, vector<1x16xf32>,
        %get3A_769 = arith.index_cast %add3A_702 : i32 to index
        %get3A_770 = arith.constant 96 : index
        %get3A_771 = tpu.vector_load %arg10[%get3A_769, %get3A_770] {strides = array<i32>} : memref<128x128xf32, #tpu.memory_space<vmem>>, vector<1x16xf32>,
        %get3A_772 = vector.shape_cast %get3A_771 : vector<1x16xf32> to vector<16xf32>
        %mul3A_773 = vector.broadcast %squeeze3A_698 : f32 to vector<16xf32>
        %mul3A_774 = arith.mulf %get3A_772, %mul3A_773 : vector<16xf32>
        %swap3A_775 = arith.index_cast %add3A_702 : i32 to index
        %swap3A_776 = arith.constant 96 : index
        %swap3A_777 = tpu.vector_load %arg10[%swap3A_775, %swap3A_776] {strides = array<i32>} : memref<128x128xf32, #tpu.memory_space<vmem>>, vector<1x16xf32>,
        %swap3A_778 = vector.shape_cast %swap3A_777 : vector<1x16xf32> to vector<16xf32>
        %swap3A_779 = vector.shape_cast %mul3A_774 : vector<16xf32> to vector<1x16xf32>
        tpu.vector_store %arg10[%swap3A_775, %swap3A_776], %swap3A_779 {strides = array<i32>} : memref<128x128xf32, #tpu.memory_space<vmem>>, vector<1x16xf32>,
        %get3A_780 = arith.index_cast %add3A_702 : i32 to index
        %get3A_781 = arith.constant 112 : index
        %get3A_782 = tpu.vector_load %arg10[%get3A_780, %get3A_781] {strides = array<i32>} : memref<128x128xf32, #tpu.memory_space<vmem>>, vector<1x16xf32>,
        %get3A_783 = vector.shape_cast %get3A_782 : vector<1x16xf32> to vector<16xf32>
        %mul3A_784 = vector.broadcast %squeeze3A_698 : f32 to vector<16xf32>
        %mul3A_785 = arith.mulf %get3A_783, %mul3A_784 : vector<16xf32>
        %swap3A_786 = arith.index_cast %add3A_702 : i32 to index
        %swap3A_787 = arith.constant 112 : index
        %swap3A_788 = tpu.vector_load %arg10[%swap3A_786, %swap3A_787] {strides = array<i32>} : memref<128x128xf32, #tpu.memory_space<vmem>>, vector<1x16xf32>,
        %swap3A_789 = vector.shape_cast %swap3A_788 : vector<1x16xf32> to vector<16xf32>
        %swap3A_790 = vector.shape_cast %mul3A_785 : vector<16xf32> to vector<1x16xf32>
        tpu.vector_store %arg10[%swap3A_786, %swap3A_787], %swap3A_790 {strides = array<i32>} : memref<128x128xf32, #tpu.memory_space<vmem>>, vector<1x16xf32>,
        %slice3A_791 = vector.extract_strided_slice %get3A_41 {offsets = [8], sizes = [1], strides = [1]} : vector<16xf32> to vector<1xf32>
        %squeeze3A_792 = vector.extract %slice3A_791[0] : f32 from vector<1xf32>
        %mul3A_793 = arith.constant 16 : i32
        %mul3A_794 = arith.muli %scan3A_37, %mul3A_793 : i32
        %add3A_795 = arith.constant 8 : i32
        %add3A_796 = arith.addi %mul3A_794, %add3A_795 : i32
        %get3A_797 = arith.index_cast %add3A_796 : i32 to index
        %get3A_798 = arith.constant 0 : index
        %get3A_799 = tpu.vector_load %arg10[%get3A_797, %get3A_798] {strides = array<i32>} : memref<128x128xf32, #tpu.memory_space<vmem>>, vector<1x16xf32>,
        %get3A_800 = vector.shape_cast %get3A_799 : vector<1x16xf32> to vector<16xf32>
        %mul3A_801 = vector.broadcast %squeeze3A_792 : f32 to vector<16xf32>
        %mul3A_802 = arith.mulf %get3A_800, %mul3A_801 : vector<16xf32>
        %swap3A_803 = arith.index_cast %add3A_796 : i32 to index
        %swap3A_804 = arith.constant 0 : index
        %swap3A_805 = tpu.vector_load %arg10[%swap3A_803, %swap3A_804] {strides = array<i32>} : memref<128x128xf32, #tpu.memory_space<vmem>>, vector<1x16xf32>,
        %swap3A_806 = vector.shape_cast %swap3A_805 : vector<1x16xf32> to vector<16xf32>
        %swap3A_807 = vector.shape_cast %mul3A_802 : vector<16xf32> to vector<1x16xf32>
        tpu.vector_store %arg10[%swap3A_803, %swap3A_804], %swap3A_807 {strides = array<i32>} : memref<128x128xf32, #tpu.memory_space<vmem>>, vector<1x16xf32>,
        %get3A_808 = arith.index_cast %add3A_796 : i32 to index
        %get3A_809 = arith.constant 16 : index
        %get3A_810 = tpu.vector_load %arg10[%get3A_808, %get3A_809] {strides = array<i32>} : memref<128x128xf32, #tpu.memory_space<vmem>>, vector<1x16xf32>,
        %get3A_811 = vector.shape_cast %get3A_810 : vector<1x16xf32> to vector<16xf32>
        %mul3A_812 = vector.broadcast %squeeze3A_792 : f32 to vector<16xf32>
        %mul3A_813 = arith.mulf %get3A_811, %mul3A_812 : vector<16xf32>
        %swap3A_814 = arith.index_cast %add3A_796 : i32 to index
        %swap3A_815 = arith.constant 16 : index
        %swap3A_816 = tpu.vector_load %arg10[%swap3A_814, %swap3A_815] {strides = array<i32>} : memref<128x128xf32, #tpu.memory_space<vmem>>, vector<1x16xf32>,
        %swap3A_817 = vector.shape_cast %swap3A_816 : vector<1x16xf32> to vector<16xf32>
        %swap3A_818 = vector.shape_cast %mul3A_813 : vector<16xf32> to vector<1x16xf32>
        tpu.vector_store %arg10[%swap3A_814, %swap3A_815], %swap3A_818 {strides = array<i32>} : memref<128x128xf32, #tpu.memory_space<vmem>>, vector<1x16xf32>,
        %get3A_819 = arith.index_cast %add3A_796 : i32 to index
        %get3A_820 = arith.constant 32 : index
        %get3A_821 = tpu.vector_load %arg10[%get3A_819, %get3A_820] {strides = array<i32>} : memref<128x128xf32, #tpu.memory_space<vmem>>, vector<1x16xf32>,
        %get3A_822 = vector.shape_cast %get3A_821 : vector<1x16xf32> to vector<16xf32>
        %mul3A_823 = vector.broadcast %squeeze3A_792 : f32 to vector<16xf32>
        %mul3A_824 = arith.mulf %get3A_822, %mul3A_823 : vector<16xf32>
        %swap3A_825 = arith.index_cast %add3A_796 : i32 to index
        %swap3A_826 = arith.constant 32 : index
        %swap3A_827 = tpu.vector_load %arg10[%swap3A_825, %swap3A_826] {strides = array<i32>} : memref<128x128xf32, #tpu.memory_space<vmem>>, vector<1x16xf32>,
        %swap3A_828 = vector.shape_cast %swap3A_827 : vector<1x16xf32> to vector<16xf32>
        %swap3A_829 = vector.shape_cast %mul3A_824 : vector<16xf32> to vector<1x16xf32>
        tpu.vector_store %arg10[%swap3A_825, %swap3A_826], %swap3A_829 {strides = array<i32>} : memref<128x128xf32, #tpu.memory_space<vmem>>, vector<1x16xf32>,
        %get3A_830 = arith.index_cast %add3A_796 : i32 to index
        %get3A_831 = arith.constant 48 : index
        %get3A_832 = tpu.vector_load %arg10[%get3A_830, %get3A_831] {strides = array<i32>} : memref<128x128xf32, #tpu.memory_space<vmem>>, vector<1x16xf32>,
        %get3A_833 = vector.shape_cast %get3A_832 : vector<1x16xf32> to vector<16xf32>
        %mul3A_834 = vector.broadcast %squeeze3A_792 : f32 to vector<16xf32>
        %mul3A_835 = arith.mulf %get3A_833, %mul3A_834 : vector<16xf32>
        %swap3A_836 = arith.index_cast %add3A_796 : i32 to index
        %swap3A_837 = arith.constant 48 : index
        %swap3A_838 = tpu.vector_load %arg10[%swap3A_836, %swap3A_837] {strides = array<i32>} : memref<128x128xf32, #tpu.memory_space<vmem>>, vector<1x16xf32>,
        %swap3A_839 = vector.shape_cast %swap3A_838 : vector<1x16xf32> to vector<16xf32>
        %swap3A_840 = vector.shape_cast %mul3A_835 : vector<16xf32> to vector<1x16xf32>
        tpu.vector_store %arg10[%swap3A_836, %swap3A_837], %swap3A_840 {strides = array<i32>} : memref<128x128xf32, #tpu.memory_space<vmem>>, vector<1x16xf32>,
        %get3A_841 = arith.index_cast %add3A_796 : i32 to index
        %get3A_842 = arith.constant 64 : index
        %get3A_843 = tpu.vector_load %arg10[%get3A_841, %get3A_842] {strides = array<i32>} : memref<128x128xf32, #tpu.memory_space<vmem>>, vector<1x16xf32>,
        %get3A_844 = vector.shape_cast %get3A_843 : vector<1x16xf32> to vector<16xf32>
        %mul3A_845 = vector.broadcast %squeeze3A_792 : f32 to vector<16xf32>
        %mul3A_846 = arith.mulf %get3A_844, %mul3A_845 : vector<16xf32>
        %swap3A_847 = arith.index_cast %add3A_796 : i32 to index
        %swap3A_848 = arith.constant 64 : index
        %swap3A_849 = tpu.vector_load %arg10[%swap3A_847, %swap3A_848] {strides = array<i32>} : memref<128x128xf32, #tpu.memory_space<vmem>>, vector<1x16xf32>,
        %swap3A_850 = vector.shape_cast %swap3A_849 : vector<1x16xf32> to vector<16xf32>
        %swap3A_851 = vector.shape_cast %mul3A_846 : vector<16xf32> to vector<1x16xf32>
        tpu.vector_store %arg10[%swap3A_847, %swap3A_848], %swap3A_851 {strides = array<i32>} : memref<128x128xf32, #tpu.memory_space<vmem>>, vector<1x16xf32>,
        %get3A_852 = arith.index_cast %add3A_796 : i32 to index
        %get3A_853 = arith.constant 80 : index
        %get3A_854 = tpu.vector_load %arg10[%get3A_852, %get3A_853] {strides = array<i32>} : memref<128x128xf32, #tpu.memory_space<vmem>>, vector<1x16xf32>,
        %get3A_855 = vector.shape_cast %get3A_854 : vector<1x16xf32> to vector<16xf32>
        %mul3A_856 = vector.broadcast %squeeze3A_792 : f32 to vector<16xf32>
        %mul3A_857 = arith.mulf %get3A_855, %mul3A_856 : vector<16xf32>
        %swap3A_858 = arith.index_cast %add3A_796 : i32 to index
        %swap3A_859 = arith.constant 80 : index
        %swap3A_860 = tpu.vector_load %arg10[%swap3A_858, %swap3A_859] {strides = array<i32>} : memref<128x128xf32, #tpu.memory_space<vmem>>, vector<1x16xf32>,
        %swap3A_861 = vector.shape_cast %swap3A_860 : vector<1x16xf32> to vector<16xf32>
        %swap3A_862 = vector.shape_cast %mul3A_857 : vector<16xf32> to vector<1x16xf32>
        tpu.vector_store %arg10[%swap3A_858, %swap3A_859], %swap3A_862 {strides = array<i32>} : memref<128x128xf32, #tpu.memory_space<vmem>>, vector<1x16xf32>,
        %get3A_863 = arith.index_cast %add3A_796 : i32 to index
        %get3A_864 = arith.constant 96 : index
        %get3A_865 = tpu.vector_load %arg10[%get3A_863, %get3A_864] {strides = array<i32>} : memref<128x128xf32, #tpu.memory_space<vmem>>, vector<1x16xf32>,
        %get3A_866 = vector.shape_cast %get3A_865 : vector<1x16xf32> to vector<16xf32>
        %mul3A_867 = vector.broadcast %squeeze3A_792 : f32 to vector<16xf32>
        %mul3A_868 = arith.mulf %get3A_866, %mul3A_867 : vector<16xf32>
        %swap3A_869 = arith.index_cast %add3A_796 : i32 to index
        %swap3A_870 = arith.constant 96 : index
        %swap3A_871 = tpu.vector_load %arg10[%swap3A_869, %swap3A_870] {strides = array<i32>} : memref<128x128xf32, #tpu.memory_space<vmem>>, vector<1x16xf32>,
        %swap3A_872 = vector.shape_cast %swap3A_871 : vector<1x16xf32> to vector<16xf32>
        %swap3A_873 = vector.shape_cast %mul3A_868 : vector<16xf32> to vector<1x16xf32>
        tpu.vector_store %arg10[%swap3A_869, %swap3A_870], %swap3A_873 {strides = array<i32>} : memref<128x128xf32, #tpu.memory_space<vmem>>, vector<1x16xf32>,
        %get3A_874 = arith.index_cast %add3A_796 : i32 to index
        %get3A_875 = arith.constant 112 : index
        %get3A_876 = tpu.vector_load %arg10[%get3A_874, %get3A_875] {strides = array<i32>} : memref<128x128xf32, #tpu.memory_space<vmem>>, vector<1x16xf32>,
        %get3A_877 = vector.shape_cast %get3A_876 : vector<1x16xf32> to vector<16xf32>
        %mul3A_878 = vector.broadcast %squeeze3A_792 : f32 to vector<16xf32>
        %mul3A_879 = arith.mulf %get3A_877, %mul3A_878 : vector<16xf32>
        %swap3A_880 = arith.index_cast %add3A_796 : i32 to index
        %swap3A_881 = arith.constant 112 : index
        %swap3A_882 = tpu.vector_load %arg10[%swap3A_880, %swap3A_881] {strides = array<i32>} : memref<128x128xf32, #tpu.memory_space<vmem>>, vector<1x16xf32>,
        %swap3A_883 = vector.shape_cast %swap3A_882 : vector<1x16xf32> to vector<16xf32>
        %swap3A_884 = vector.shape_cast %mul3A_879 : vector<16xf32> to vector<1x16xf32>
        tpu.vector_store %arg10[%swap3A_880, %swap3A_881], %swap3A_884 {strides = array<i32>} : memref<128x128xf32, #tpu.memory_space<vmem>>, vector<1x16xf32>,
        %slice3A_885 = vector.extract_strided_slice %get3A_41 {offsets = [9], sizes = [1], strides = [1]} : vector<16xf32> to vector<1xf32>
        %squeeze3A_886 = vector.extract %slice3A_885[0] : f32 from vector<1xf32>
        %mul3A_887 = arith.constant 16 : i32
        %mul3A_888 = arith.muli %scan3A_37, %mul3A_887 : i32
        %add3A_889 = arith.constant 9 : i32
        %add3A_890 = arith.addi %mul3A_888, %add3A_889 : i32
        %get3A_891 = arith.index_cast %add3A_890 : i32 to index
        %get3A_892 = arith.constant 0 : index
        %get3A_893 = tpu.vector_load %arg10[%get3A_891, %get3A_892] {strides = array<i32>} : memref<128x128xf32, #tpu.memory_space<vmem>>, vector<1x16xf32>,
        %get3A_894 = vector.shape_cast %get3A_893 : vector<1x16xf32> to vector<16xf32>
        %mul3A_895 = vector.broadcast %squeeze3A_886 : f32 to vector<16xf32>
        %mul3A_896 = arith.mulf %get3A_894, %mul3A_895 : vector<16xf32>
        %swap3A_897 = arith.index_cast %add3A_890 : i32 to index
        %swap3A_898 = arith.constant 0 : index
        %swap3A_899 = tpu.vector_load %arg10[%swap3A_897, %swap3A_898] {strides = array<i32>} : memref<128x128xf32, #tpu.memory_space<vmem>>, vector<1x16xf32>,
        %swap3A_900 = vector.shape_cast %swap3A_899 : vector<1x16xf32> to vector<16xf32>
        %swap3A_901 = vector.shape_cast %mul3A_896 : vector<16xf32> to vector<1x16xf32>
        tpu.vector_store %arg10[%swap3A_897, %swap3A_898], %swap3A_901 {strides = array<i32>} : memref<128x128xf32, #tpu.memory_space<vmem>>, vector<1x16xf32>,
        %get3A_902 = arith.index_cast %add3A_890 : i32 to index
        %get3A_903 = arith.constant 16 : index
        %get3A_904 = tpu.vector_load %arg10[%get3A_902, %get3A_903] {strides = array<i32>} : memref<128x128xf32, #tpu.memory_space<vmem>>, vector<1x16xf32>,
        %get3A_905 = vector.shape_cast %get3A_904 : vector<1x16xf32> to vector<16xf32>
        %mul3A_906 = vector.broadcast %squeeze3A_886 : f32 to vector<16xf32>
        %mul3A_907 = arith.mulf %get3A_905, %mul3A_906 : vector<16xf32>
        %swap3A_908 = arith.index_cast %add3A_890 : i32 to index
        %swap3A_909 = arith.constant 16 : index
        %swap3A_910 = tpu.vector_load %arg10[%swap3A_908, %swap3A_909] {strides = array<i32>} : memref<128x128xf32, #tpu.memory_space<vmem>>, vector<1x16xf32>,
        %swap3A_911 = vector.shape_cast %swap3A_910 : vector<1x16xf32> to vector<16xf32>
        %swap3A_912 = vector.shape_cast %mul3A_907 : vector<16xf32> to vector<1x16xf32>
        tpu.vector_store %arg10[%swap3A_908, %swap3A_909], %swap3A_912 {strides = array<i32>} : memref<128x128xf32, #tpu.memory_space<vmem>>, vector<1x16xf32>,
        %get3A_913 = arith.index_cast %add3A_890 : i32 to index
        %get3A_914 = arith.constant 32 : index
        %get3A_915 = tpu.vector_load %arg10[%get3A_913, %get3A_914] {strides = array<i32>} : memref<128x128xf32, #tpu.memory_space<vmem>>, vector<1x16xf32>,
        %get3A_916 = vector.shape_cast %get3A_915 : vector<1x16xf32> to vector<16xf32>
        %mul3A_917 = vector.broadcast %squeeze3A_886 : f32 to vector<16xf32>
        %mul3A_918 = arith.mulf %get3A_916, %mul3A_917 : vector<16xf32>
        %swap3A_919 = arith.index_cast %add3A_890 : i32 to index
        %swap3A_920 = arith.constant 32 : index
        %swap3A_921 = tpu.vector_load %arg10[%swap3A_919, %swap3A_920] {strides = array<i32>} : memref<128x128xf32, #tpu.memory_space<vmem>>, vector<1x16xf32>,
        %swap3A_922 = vector.shape_cast %swap3A_921 : vector<1x16xf32> to vector<16xf32>
        %swap3A_923 = vector.shape_cast %mul3A_918 : vector<16xf32> to vector<1x16xf32>
        tpu.vector_store %arg10[%swap3A_919, %swap3A_920], %swap3A_923 {strides = array<i32>} : memref<128x128xf32, #tpu.memory_space<vmem>>, vector<1x16xf32>,
        %get3A_924 = arith.index_cast %add3A_890 : i32 to index
        %get3A_925 = arith.constant 48 : index
        %get3A_926 = tpu.vector_load %arg10[%get3A_924, %get3A_925] {strides = array<i32>} : memref<128x128xf32, #tpu.memory_space<vmem>>, vector<1x16xf32>,
        %get3A_927 = vector.shape_cast %get3A_926 : vector<1x16xf32> to vector<16xf32>
        %mul3A_928 = vector.broadcast %squeeze3A_886 : f32 to vector<16xf32>
        %mul3A_929 = arith.mulf %get3A_927, %mul3A_928 : vector<16xf32>
        %swap3A_930 = arith.index_cast %add3A_890 : i32 to index
        %swap3A_931 = arith.constant 48 : index
        %swap3A_932 = tpu.vector_load %arg10[%swap3A_930, %swap3A_931] {strides = array<i32>} : memref<128x128xf32, #tpu.memory_space<vmem>>, vector<1x16xf32>,
        %swap3A_933 = vector.shape_cast %swap3A_932 : vector<1x16xf32> to vector<16xf32>
        %swap3A_934 = vector.shape_cast %mul3A_929 : vector<16xf32> to vector<1x16xf32>
        tpu.vector_store %arg10[%swap3A_930, %swap3A_931], %swap3A_934 {strides = array<i32>} : memref<128x128xf32, #tpu.memory_space<vmem>>, vector<1x16xf32>,
        %get3A_935 = arith.index_cast %add3A_890 : i32 to index
        %get3A_936 = arith.constant 64 : index
        %get3A_937 = tpu.vector_load %arg10[%get3A_935, %get3A_936] {strides = array<i32>} : memref<128x128xf32, #tpu.memory_space<vmem>>, vector<1x16xf32>,
        %get3A_938 = vector.shape_cast %get3A_937 : vector<1x16xf32> to vector<16xf32>
        %mul3A_939 = vector.broadcast %squeeze3A_886 : f32 to vector<16xf32>
        %mul3A_940 = arith.mulf %get3A_938, %mul3A_939 : vector<16xf32>
        %swap3A_941 = arith.index_cast %add3A_890 : i32 to index
        %swap3A_942 = arith.constant 64 : index
        %swap3A_943 = tpu.vector_load %arg10[%swap3A_941, %swap3A_942] {strides = array<i32>} : memref<128x128xf32, #tpu.memory_space<vmem>>, vector<1x16xf32>,
        %swap3A_944 = vector.shape_cast %swap3A_943 : vector<1x16xf32> to vector<16xf32>
        %swap3A_945 = vector.shape_cast %mul3A_940 : vector<16xf32> to vector<1x16xf32>
        tpu.vector_store %arg10[%swap3A_941, %swap3A_942], %swap3A_945 {strides = array<i32>} : memref<128x128xf32, #tpu.memory_space<vmem>>, vector<1x16xf32>,
        %get3A_946 = arith.index_cast %add3A_890 : i32 to index
        %get3A_947 = arith.constant 80 : index
        %get3A_948 = tpu.vector_load %arg10[%get3A_946, %get3A_947] {strides = array<i32>} : memref<128x128xf32, #tpu.memory_space<vmem>>, vector<1x16xf32>,
        %get3A_949 = vector.shape_cast %get3A_948 : vector<1x16xf32> to vector<16xf32>
        %mul3A_950 = vector.broadcast %squeeze3A_886 : f32 to vector<16xf32>
        %mul3A_951 = arith.mulf %get3A_949, %mul3A_950 : vector<16xf32>
        %swap3A_952 = arith.index_cast %add3A_890 : i32 to index
        %swap3A_953 = arith.constant 80 : index
        %swap3A_954 = tpu.vector_load %arg10[%swap3A_952, %swap3A_953] {strides = array<i32>} : memref<128x128xf32, #tpu.memory_space<vmem>>, vector<1x16xf32>,
        %swap3A_955 = vector.shape_cast %swap3A_954 : vector<1x16xf32> to vector<16xf32>
        %swap3A_956 = vector.shape_cast %mul3A_951 : vector<16xf32> to vector<1x16xf32>
        tpu.vector_store %arg10[%swap3A_952, %swap3A_953], %swap3A_956 {strides = array<i32>} : memref<128x128xf32, #tpu.memory_space<vmem>>, vector<1x16xf32>,
        %get3A_957 = arith.index_cast %add3A_890 : i32 to index
        %get3A_958 = arith.constant 96 : index
        %get3A_959 = tpu.vector_load %arg10[%get3A_957, %get3A_958] {strides = array<i32>} : memref<128x128xf32, #tpu.memory_space<vmem>>, vector<1x16xf32>,
        %get3A_960 = vector.shape_cast %get3A_959 : vector<1x16xf32> to vector<16xf32>
        %mul3A_961 = vector.broadcast %squeeze3A_886 : f32 to vector<16xf32>
        %mul3A_962 = arith.mulf %get3A_960, %mul3A_961 : vector<16xf32>
        %swap3A_963 = arith.index_cast %add3A_890 : i32 to index
        %swap3A_964 = arith.constant 96 : index
        %swap3A_965 = tpu.vector_load %arg10[%swap3A_963, %swap3A_964] {strides = array<i32>} : memref<128x128xf32, #tpu.memory_space<vmem>>, vector<1x16xf32>,
        %swap3A_966 = vector.shape_cast %swap3A_965 : vector<1x16xf32> to vector<16xf32>
        %swap3A_967 = vector.shape_cast %mul3A_962 : vector<16xf32> to vector<1x16xf32>
        tpu.vector_store %arg10[%swap3A_963, %swap3A_964], %swap3A_967 {strides = array<i32>} : memref<128x128xf32, #tpu.memory_space<vmem>>, vector<1x16xf32>,
        %get3A_968 = arith.index_cast %add3A_890 : i32 to index
        %get3A_969 = arith.constant 112 : index
        %get3A_970 = tpu.vector_load %arg10[%get3A_968, %get3A_969] {strides = array<i32>} : memref<128x128xf32, #tpu.memory_space<vmem>>, vector<1x16xf32>,
        %get3A_971 = vector.shape_cast %get3A_970 : vector<1x16xf32> to vector<16xf32>
        %mul3A_972 = vector.broadcast %squeeze3A_886 : f32 to vector<16xf32>
        %mul3A_973 = arith.mulf %get3A_971, %mul3A_972 : vector<16xf32>
        %swap3A_974 = arith.index_cast %add3A_890 : i32 to index
        %swap3A_975 = arith.constant 112 : index
        %swap3A_976 = tpu.vector_load %arg10[%swap3A_974, %swap3A_975] {strides = array<i32>} : memref<128x128xf32, #tpu.memory_space<vmem>>, vector<1x16xf32>,
        %swap3A_977 = vector.shape_cast %swap3A_976 : vector<1x16xf32> to vector<16xf32>
        %swap3A_978 = vector.shape_cast %mul3A_973 : vector<16xf32> to vector<1x16xf32>
        tpu.vector_store %arg10[%swap3A_974, %swap3A_975], %swap3A_978 {strides = array<i32>} : memref<128x128xf32, #tpu.memory_space<vmem>>, vector<1x16xf32>,
        %slice3A_979 = vector.extract_strided_slice %get3A_41 {offsets = [10], sizes = [1], strides = [1]} : vector<16xf32> to vector<1xf32>
        %squeeze3A_980 = vector.extract %slice3A_979[0] : f32 from vector<1xf32>
        %mul3A_981 = arith.constant 16 : i32
        %mul3A_982 = arith.muli %scan3A_37, %mul3A_981 : i32
        %add3A_983 = arith.constant 10 : i32
        %add3A_984 = arith.addi %mul3A_982, %add3A_983 : i32
        %get3A_985 = arith.index_cast %add3A_984 : i32 to index
        %get3A_986 = arith.constant 0 : index
        %get3A_987 = tpu.vector_load %arg10[%get3A_985, %get3A_986] {strides = array<i32>} : memref<128x128xf32, #tpu.memory_space<vmem>>, vector<1x16xf32>,
        %get3A_988 = vector.shape_cast %get3A_987 : vector<1x16xf32> to vector<16xf32>
        %mul3A_989 = vector.broadcast %squeeze3A_980 : f32 to vector<16xf32>
        %mul3A_990 = arith.mulf %get3A_988, %mul3A_989 : vector<16xf32>
        %swap3A_991 = arith.index_cast %add3A_984 : i32 to index
        %swap3A_992 = arith.constant 0 : index
        %swap3A_993 = tpu.vector_load %arg10[%swap3A_991, %swap3A_992] {strides = array<i32>} : memref<128x128xf32, #tpu.memory_space<vmem>>, vector<1x16xf32>,
        %swap3A_994 = vector.shape_cast %swap3A_993 : vector<1x16xf32> to vector<16xf32>
        %swap3A_995 = vector.shape_cast %mul3A_990 : vector<16xf32> to vector<1x16xf32>
        tpu.vector_store %arg10[%swap3A_991, %swap3A_992], %swap3A_995 {strides = array<i32>} : memref<128x128xf32, #tpu.memory_space<vmem>>, vector<1x16xf32>,
        %get3A_996 = arith.index_cast %add3A_984 : i32 to index
        %get3A_997 = arith.constant 16 : index
        %get3A_998 = tpu.vector_load %arg10[%get3A_996, %get3A_997] {strides = array<i32>} : memref<128x128xf32, #tpu.memory_space<vmem>>, vector<1x16xf32>,
        %get3A_999 = vector.shape_cast %get3A_998 : vector<1x16xf32> to vector<16xf32>
        %mul3A_1000 = vector.broadcast %squeeze3A_980 : f32 to vector<16xf32>
        %mul3A_1001 = arith.mulf %get3A_999, %mul3A_1000 : vector<16xf32>
        %swap3A_1002 = arith.index_cast %add3A_984 : i32 to index
        %swap3A_1003 = arith.constant 16 : index
        %swap3A_1004 = tpu.vector_load %arg10[%swap3A_1002, %swap3A_1003] {strides = array<i32>} : memref<128x128xf32, #tpu.memory_space<vmem>>, vector<1x16xf32>,
        %swap3A_1005 = vector.shape_cast %swap3A_1004 : vector<1x16xf32> to vector<16xf32>
        %swap3A_1006 = vector.shape_cast %mul3A_1001 : vector<16xf32> to vector<1x16xf32>
        tpu.vector_store %arg10[%swap3A_1002, %swap3A_1003], %swap3A_1006 {strides = array<i32>} : memref<128x128xf32, #tpu.memory_space<vmem>>, vector<1x16xf32>,
        %get3A_1007 = arith.index_cast %add3A_984 : i32 to index
        %get3A_1008 = arith.constant 32 : index
        %get3A_1009 = tpu.vector_load %arg10[%get3A_1007, %get3A_1008] {strides = array<i32>} : memref<128x128xf32, #tpu.memory_space<vmem>>, vector<1x16xf32>,
        %get3A_1010 = vector.shape_cast %get3A_1009 : vector<1x16xf32> to vector<16xf32>
        %mul3A_1011 = vector.broadcast %squeeze3A_980 : f32 to vector<16xf32>
        %mul3A_1012 = arith.mulf %get3A_1010, %mul3A_1011 : vector<16xf32>
        %swap3A_1013 = arith.index_cast %add3A_984 : i32 to index
        %swap3A_1014 = arith.constant 32 : index
        %swap3A_1015 = tpu.vector_load %arg10[%swap3A_1013, %swap3A_1014] {strides = array<i32>} : memref<128x128xf32, #tpu.memory_space<vmem>>, vector<1x16xf32>,
        %swap3A_1016 = vector.shape_cast %swap3A_1015 : vector<1x16xf32> to vector<16xf32>
        %swap3A_1017 = vector.shape_cast %mul3A_1012 : vector<16xf32> to vector<1x16xf32>
        tpu.vector_store %arg10[%swap3A_1013, %swap3A_1014], %swap3A_1017 {strides = array<i32>} : memref<128x128xf32, #tpu.memory_space<vmem>>, vector<1x16xf32>,
        %get3A_1018 = arith.index_cast %add3A_984 : i32 to index
        %get3A_1019 = arith.constant 48 : index
        %get3A_1020 = tpu.vector_load %arg10[%get3A_1018, %get3A_1019] {strides = array<i32>} : memref<128x128xf32, #tpu.memory_space<vmem>>, vector<1x16xf32>,
        %get3A_1021 = vector.shape_cast %get3A_1020 : vector<1x16xf32> to vector<16xf32>
        %mul3A_1022 = vector.broadcast %squeeze3A_980 : f32 to vector<16xf32>
        %mul3A_1023 = arith.mulf %get3A_1021, %mul3A_1022 : vector<16xf32>
        %swap3A_1024 = arith.index_cast %add3A_984 : i32 to index
        %swap3A_1025 = arith.constant 48 : index
        %swap3A_1026 = tpu.vector_load %arg10[%swap3A_1024, %swap3A_1025] {strides = array<i32>} : memref<128x128xf32, #tpu.memory_space<vmem>>, vector<1x16xf32>,
        %swap3A_1027 = vector.shape_cast %swap3A_1026 : vector<1x16xf32> to vector<16xf32>
        %swap3A_1028 = vector.shape_cast %mul3A_1023 : vector<16xf32> to vector<1x16xf32>
        tpu.vector_store %arg10[%swap3A_1024, %swap3A_1025], %swap3A_1028 {strides = array<i32>} : memref<128x128xf32, #tpu.memory_space<vmem>>, vector<1x16xf32>,
        %get3A_1029 = arith.index_cast %add3A_984 : i32 to index
        %get3A_1030 = arith.constant 64 : index
        %get3A_1031 = tpu.vector_load %arg10[%get3A_1029, %get3A_1030] {strides = array<i32>} : memref<128x128xf32, #tpu.memory_space<vmem>>, vector<1x16xf32>,
        %get3A_1032 = vector.shape_cast %get3A_1031 : vector<1x16xf32> to vector<16xf32>
        %mul3A_1033 = vector.broadcast %squeeze3A_980 : f32 to vector<16xf32>
        %mul3A_1034 = arith.mulf %get3A_1032, %mul3A_1033 : vector<16xf32>
        %swap3A_1035 = arith.index_cast %add3A_984 : i32 to index
        %swap3A_1036 = arith.constant 64 : index
        %swap3A_1037 = tpu.vector_load %arg10[%swap3A_1035, %swap3A_1036] {strides = array<i32>} : memref<128x128xf32, #tpu.memory_space<vmem>>, vector<1x16xf32>,
        %swap3A_1038 = vector.shape_cast %swap3A_1037 : vector<1x16xf32> to vector<16xf32>
        %swap3A_1039 = vector.shape_cast %mul3A_1034 : vector<16xf32> to vector<1x16xf32>
        tpu.vector_store %arg10[%swap3A_1035, %swap3A_1036], %swap3A_1039 {strides = array<i32>} : memref<128x128xf32, #tpu.memory_space<vmem>>, vector<1x16xf32>,
        %get3A_1040 = arith.index_cast %add3A_984 : i32 to index
        %get3A_1041 = arith.constant 80 : index
        %get3A_1042 = tpu.vector_load %arg10[%get3A_1040, %get3A_1041] {strides = array<i32>} : memref<128x128xf32, #tpu.memory_space<vmem>>, vector<1x16xf32>,
        %get3A_1043 = vector.shape_cast %get3A_1042 : vector<1x16xf32> to vector<16xf32>
        %mul3A_1044 = vector.broadcast %squeeze3A_980 : f32 to vector<16xf32>
        %mul3A_1045 = arith.mulf %get3A_1043, %mul3A_1044 : vector<16xf32>
        %swap3A_1046 = arith.index_cast %add3A_984 : i32 to index
        %swap3A_1047 = arith.constant 80 : index
        %swap3A_1048 = tpu.vector_load %arg10[%swap3A_1046, %swap3A_1047] {strides = array<i32>} : memref<128x128xf32, #tpu.memory_space<vmem>>, vector<1x16xf32>,
        %swap3A_1049 = vector.shape_cast %swap3A_1048 : vector<1x16xf32> to vector<16xf32>
        %swap3A_1050 = vector.shape_cast %mul3A_1045 : vector<16xf32> to vector<1x16xf32>
        tpu.vector_store %arg10[%swap3A_1046, %swap3A_1047], %swap3A_1050 {strides = array<i32>} : memref<128x128xf32, #tpu.memory_space<vmem>>, vector<1x16xf32>,
        %get3A_1051 = arith.index_cast %add3A_984 : i32 to index
        %get3A_1052 = arith.constant 96 : index
        %get3A_1053 = tpu.vector_load %arg10[%get3A_1051, %get3A_1052] {strides = array<i32>} : memref<128x128xf32, #tpu.memory_space<vmem>>, vector<1x16xf32>,
        %get3A_1054 = vector.shape_cast %get3A_1053 : vector<1x16xf32> to vector<16xf32>
        %mul3A_1055 = vector.broadcast %squeeze3A_980 : f32 to vector<16xf32>
        %mul3A_1056 = arith.mulf %get3A_1054, %mul3A_1055 : vector<16xf32>
        %swap3A_1057 = arith.index_cast %add3A_984 : i32 to index
        %swap3A_1058 = arith.constant 96 : index
        %swap3A_1059 = tpu.vector_load %arg10[%swap3A_1057, %swap3A_1058] {strides = array<i32>} : memref<128x128xf32, #tpu.memory_space<vmem>>, vector<1x16xf32>,
        %swap3A_1060 = vector.shape_cast %swap3A_1059 : vector<1x16xf32> to vector<16xf32>
        %swap3A_1061 = vector.shape_cast %mul3A_1056 : vector<16xf32> to vector<1x16xf32>
        tpu.vector_store %arg10[%swap3A_1057, %swap3A_1058], %swap3A_1061 {strides = array<i32>} : memref<128x128xf32, #tpu.memory_space<vmem>>, vector<1x16xf32>,
        %get3A_1062 = arith.index_cast %add3A_984 : i32 to index
        %get3A_1063 = arith.constant 112 : index
        %get3A_1064 = tpu.vector_load %arg10[%get3A_1062, %get3A_1063] {strides = array<i32>} : memref<128x128xf32, #tpu.memory_space<vmem>>, vector<1x16xf32>,
        %get3A_1065 = vector.shape_cast %get3A_1064 : vector<1x16xf32> to vector<16xf32>
        %mul3A_1066 = vector.broadcast %squeeze3A_980 : f32 to vector<16xf32>
        %mul3A_1067 = arith.mulf %get3A_1065, %mul3A_1066 : vector<16xf32>
        %swap3A_1068 = arith.index_cast %add3A_984 : i32 to index
        %swap3A_1069 = arith.constant 112 : index
        %swap3A_1070 = tpu.vector_load %arg10[%swap3A_1068, %swap3A_1069] {strides = array<i32>} : memref<128x128xf32, #tpu.memory_space<vmem>>, vector<1x16xf32>,
        %swap3A_1071 = vector.shape_cast %swap3A_1070 : vector<1x16xf32> to vector<16xf32>
        %swap3A_1072 = vector.shape_cast %mul3A_1067 : vector<16xf32> to vector<1x16xf32>
        tpu.vector_store %arg10[%swap3A_1068, %swap3A_1069], %swap3A_1072 {strides = array<i32>} : memref<128x128xf32, #tpu.memory_space<vmem>>, vector<1x16xf32>,
        %slice3A_1073 = vector.extract_strided_slice %get3A_41 {offsets = [11], sizes = [1], strides = [1]} : vector<16xf32> to vector<1xf32>
        %squeeze3A_1074 = vector.extract %slice3A_1073[0] : f32 from vector<1xf32>
        %mul3A_1075 = arith.constant 16 : i32
        %mul3A_1076 = arith.muli %scan3A_37, %mul3A_1075 : i32
        %add3A_1077 = arith.constant 11 : i32
        %add3A_1078 = arith.addi %mul3A_1076, %add3A_1077 : i32
        %get3A_1079 = arith.index_cast %add3A_1078 : i32 to index
        %get3A_1080 = arith.constant 0 : index
        %get3A_1081 = tpu.vector_load %arg10[%get3A_1079, %get3A_1080] {strides = array<i32>} : memref<128x128xf32, #tpu.memory_space<vmem>>, vector<1x16xf32>,
        %get3A_1082 = vector.shape_cast %get3A_1081 : vector<1x16xf32> to vector<16xf32>
        %mul3A_1083 = vector.broadcast %squeeze3A_1074 : f32 to vector<16xf32>
        %mul3A_1084 = arith.mulf %get3A_1082, %mul3A_1083 : vector<16xf32>
        %swap3A_1085 = arith.index_cast %add3A_1078 : i32 to index
        %swap3A_1086 = arith.constant 0 : index
        %swap3A_1087 = tpu.vector_load %arg10[%swap3A_1085, %swap3A_1086] {strides = array<i32>} : memref<128x128xf32, #tpu.memory_space<vmem>>, vector<1x16xf32>,
        %swap3A_1088 = vector.shape_cast %swap3A_1087 : vector<1x16xf32> to vector<16xf32>
        %swap3A_1089 = vector.shape_cast %mul3A_1084 : vector<16xf32> to vector<1x16xf32>
        tpu.vector_store %arg10[%swap3A_1085, %swap3A_1086], %swap3A_1089 {strides = array<i32>} : memref<128x128xf32, #tpu.memory_space<vmem>>, vector<1x16xf32>,
        %get3A_1090 = arith.index_cast %add3A_1078 : i32 to index
        %get3A_1091 = arith.constant 16 : index
        %get3A_1092 = tpu.vector_load %arg10[%get3A_1090, %get3A_1091] {strides = array<i32>} : memref<128x128xf32, #tpu.memory_space<vmem>>, vector<1x16xf32>,
        %get3A_1093 = vector.shape_cast %get3A_1092 : vector<1x16xf32> to vector<16xf32>
        %mul3A_1094 = vector.broadcast %squeeze3A_1074 : f32 to vector<16xf32>
        %mul3A_1095 = arith.mulf %get3A_1093, %mul3A_1094 : vector<16xf32>
        %swap3A_1096 = arith.index_cast %add3A_1078 : i32 to index
        %swap3A_1097 = arith.constant 16 : index
        %swap3A_1098 = tpu.vector_load %arg10[%swap3A_1096, %swap3A_1097] {strides = array<i32>} : memref<128x128xf32, #tpu.memory_space<vmem>>, vector<1x16xf32>,
        %swap3A_1099 = vector.shape_cast %swap3A_1098 : vector<1x16xf32> to vector<16xf32>
        %swap3A_1100 = vector.shape_cast %mul3A_1095 : vector<16xf32> to vector<1x16xf32>
        tpu.vector_store %arg10[%swap3A_1096, %swap3A_1097], %swap3A_1100 {strides = array<i32>} : memref<128x128xf32, #tpu.memory_space<vmem>>, vector<1x16xf32>,
        %get3A_1101 = arith.index_cast %add3A_1078 : i32 to index
        %get3A_1102 = arith.constant 32 : index
        %get3A_1103 = tpu.vector_load %arg10[%get3A_1101, %get3A_1102] {strides = array<i32>} : memref<128x128xf32, #tpu.memory_space<vmem>>, vector<1x16xf32>,
        %get3A_1104 = vector.shape_cast %get3A_1103 : vector<1x16xf32> to vector<16xf32>
        %mul3A_1105 = vector.broadcast %squeeze3A_1074 : f32 to vector<16xf32>
        %mul3A_1106 = arith.mulf %get3A_1104, %mul3A_1105 : vector<16xf32>
        %swap3A_1107 = arith.index_cast %add3A_1078 : i32 to index
        %swap3A_1108 = arith.constant 32 : index
        %swap3A_1109 = tpu.vector_load %arg10[%swap3A_1107, %swap3A_1108] {strides = array<i32>} : memref<128x128xf32, #tpu.memory_space<vmem>>, vector<1x16xf32>,
        %swap3A_1110 = vector.shape_cast %swap3A_1109 : vector<1x16xf32> to vector<16xf32>
        %swap3A_1111 = vector.shape_cast %mul3A_1106 : vector<16xf32> to vector<1x16xf32>
        tpu.vector_store %arg10[%swap3A_1107, %swap3A_1108], %swap3A_1111 {strides = array<i32>} : memref<128x128xf32, #tpu.memory_space<vmem>>, vector<1x16xf32>,
        %get3A_1112 = arith.index_cast %add3A_1078 : i32 to index
        %get3A_1113 = arith.constant 48 : index
        %get3A_1114 = tpu.vector_load %arg10[%get3A_1112, %get3A_1113] {strides = array<i32>} : memref<128x128xf32, #tpu.memory_space<vmem>>, vector<1x16xf32>,
        %get3A_1115 = vector.shape_cast %get3A_1114 : vector<1x16xf32> to vector<16xf32>
        %mul3A_1116 = vector.broadcast %squeeze3A_1074 : f32 to vector<16xf32>
        %mul3A_1117 = arith.mulf %get3A_1115, %mul3A_1116 : vector<16xf32>
        %swap3A_1118 = arith.index_cast %add3A_1078 : i32 to index
        %swap3A_1119 = arith.constant 48 : index
        %swap3A_1120 = tpu.vector_load %arg10[%swap3A_1118, %swap3A_1119] {strides = array<i32>} : memref<128x128xf32, #tpu.memory_space<vmem>>, vector<1x16xf32>,
        %swap3A_1121 = vector.shape_cast %swap3A_1120 : vector<1x16xf32> to vector<16xf32>
        %swap3A_1122 = vector.shape_cast %mul3A_1117 : vector<16xf32> to vector<1x16xf32>
        tpu.vector_store %arg10[%swap3A_1118, %swap3A_1119], %swap3A_1122 {strides = array<i32>} : memref<128x128xf32, #tpu.memory_space<vmem>>, vector<1x16xf32>,
        %get3A_1123 = arith.index_cast %add3A_1078 : i32 to index
        %get3A_1124 = arith.constant 64 : index
        %get3A_1125 = tpu.vector_load %arg10[%get3A_1123, %get3A_1124] {strides = array<i32>} : memref<128x128xf32, #tpu.memory_space<vmem>>, vector<1x16xf32>,
        %get3A_1126 = vector.shape_cast %get3A_1125 : vector<1x16xf32> to vector<16xf32>
        %mul3A_1127 = vector.broadcast %squeeze3A_1074 : f32 to vector<16xf32>
        %mul3A_1128 = arith.mulf %get3A_1126, %mul3A_1127 : vector<16xf32>
        %swap3A_1129 = arith.index_cast %add3A_1078 : i32 to index
        %swap3A_1130 = arith.constant 64 : index
        %swap3A_1131 = tpu.vector_load %arg10[%swap3A_1129, %swap3A_1130] {strides = array<i32>} : memref<128x128xf32, #tpu.memory_space<vmem>>, vector<1x16xf32>,
        %swap3A_1132 = vector.shape_cast %swap3A_1131 : vector<1x16xf32> to vector<16xf32>
        %swap3A_1133 = vector.shape_cast %mul3A_1128 : vector<16xf32> to vector<1x16xf32>
        tpu.vector_store %arg10[%swap3A_1129, %swap3A_1130], %swap3A_1133 {strides = array<i32>} : memref<128x128xf32, #tpu.memory_space<vmem>>, vector<1x16xf32>,
        %get3A_1134 = arith.index_cast %add3A_1078 : i32 to index
        %get3A_1135 = arith.constant 80 : index
        %get3A_1136 = tpu.vector_load %arg10[%get3A_1134, %get3A_1135] {strides = array<i32>} : memref<128x128xf32, #tpu.memory_space<vmem>>, vector<1x16xf32>,
        %get3A_1137 = vector.shape_cast %get3A_1136 : vector<1x16xf32> to vector<16xf32>
        %mul3A_1138 = vector.broadcast %squeeze3A_1074 : f32 to vector<16xf32>
        %mul3A_1139 = arith.mulf %get3A_1137, %mul3A_1138 : vector<16xf32>
        %swap3A_1140 = arith.index_cast %add3A_1078 : i32 to index
        %swap3A_1141 = arith.constant 80 : index
        %swap3A_1142 = tpu.vector_load %arg10[%swap3A_1140, %swap3A_1141] {strides = array<i32>} : memref<128x128xf32, #tpu.memory_space<vmem>>, vector<1x16xf32>,
        %swap3A_1143 = vector.shape_cast %swap3A_1142 : vector<1x16xf32> to vector<16xf32>
        %swap3A_1144 = vector.shape_cast %mul3A_1139 : vector<16xf32> to vector<1x16xf32>
        tpu.vector_store %arg10[%swap3A_1140, %swap3A_1141], %swap3A_1144 {strides = array<i32>} : memref<128x128xf32, #tpu.memory_space<vmem>>, vector<1x16xf32>,
        %get3A_1145 = arith.index_cast %add3A_1078 : i32 to index
        %get3A_1146 = arith.constant 96 : index
        %get3A_1147 = tpu.vector_load %arg10[%get3A_1145, %get3A_1146] {strides = array<i32>} : memref<128x128xf32, #tpu.memory_space<vmem>>, vector<1x16xf32>,
        %get3A_1148 = vector.shape_cast %get3A_1147 : vector<1x16xf32> to vector<16xf32>
        %mul3A_1149 = vector.broadcast %squeeze3A_1074 : f32 to vector<16xf32>
        %mul3A_1150 = arith.mulf %get3A_1148, %mul3A_1149 : vector<16xf32>
        %swap3A_1151 = arith.index_cast %add3A_1078 : i32 to index
        %swap3A_1152 = arith.constant 96 : index
        %swap3A_1153 = tpu.vector_load %arg10[%swap3A_1151, %swap3A_1152] {strides = array<i32>} : memref<128x128xf32, #tpu.memory_space<vmem>>, vector<1x16xf32>,
        %swap3A_1154 = vector.shape_cast %swap3A_1153 : vector<1x16xf32> to vector<16xf32>
        %swap3A_1155 = vector.shape_cast %mul3A_1150 : vector<16xf32> to vector<1x16xf32>
        tpu.vector_store %arg10[%swap3A_1151, %swap3A_1152], %swap3A_1155 {strides = array<i32>} : memref<128x128xf32, #tpu.memory_space<vmem>>, vector<1x16xf32>,
        %get3A_1156 = arith.index_cast %add3A_1078 : i32 to index
        %get3A_1157 = arith.constant 112 : index
        %get3A_1158 = tpu.vector_load %arg10[%get3A_1156, %get3A_1157] {strides = array<i32>} : memref<128x128xf32, #tpu.memory_space<vmem>>, vector<1x16xf32>,
        %get3A_1159 = vector.shape_cast %get3A_1158 : vector<1x16xf32> to vector<16xf32>
        %mul3A_1160 = vector.broadcast %squeeze3A_1074 : f32 to vector<16xf32>
        %mul3A_1161 = arith.mulf %get3A_1159, %mul3A_1160 : vector<16xf32>
        %swap3A_1162 = arith.index_cast %add3A_1078 : i32 to index
        %swap3A_1163 = arith.constant 112 : index
        %swap3A_1164 = tpu.vector_load %arg10[%swap3A_1162, %swap3A_1163] {strides = array<i32>} : memref<128x128xf32, #tpu.memory_space<vmem>>, vector<1x16xf32>,
        %swap3A_1165 = vector.shape_cast %swap3A_1164 : vector<1x16xf32> to vector<16xf32>
        %swap3A_1166 = vector.shape_cast %mul3A_1161 : vector<16xf32> to vector<1x16xf32>
        tpu.vector_store %arg10[%swap3A_1162, %swap3A_1163], %swap3A_1166 {strides = array<i32>} : memref<128x128xf32, #tpu.memory_space<vmem>>, vector<1x16xf32>,
        %slice3A_1167 = vector.extract_strided_slice %get3A_41 {offsets = [12], sizes = [1], strides = [1]} : vector<16xf32> to vector<1xf32>
        %squeeze3A_1168 = vector.extract %slice3A_1167[0] : f32 from vector<1xf32>
        %mul3A_1169 = arith.constant 16 : i32
        %mul3A_1170 = arith.muli %scan3A_37, %mul3A_1169 : i32
        %add3A_1171 = arith.constant 12 : i32
        %add3A_1172 = arith.addi %mul3A_1170, %add3A_1171 : i32
        %get3A_1173 = arith.index_cast %add3A_1172 : i32 to index
        %get3A_1174 = arith.constant 0 : index
        %get3A_1175 = tpu.vector_load %arg10[%get3A_1173, %get3A_1174] {strides = array<i32>} : memref<128x128xf32, #tpu.memory_space<vmem>>, vector<1x16xf32>,
        %get3A_1176 = vector.shape_cast %get3A_1175 : vector<1x16xf32> to vector<16xf32>
        %mul3A_1177 = vector.broadcast %squeeze3A_1168 : f32 to vector<16xf32>
        %mul3A_1178 = arith.mulf %get3A_1176, %mul3A_1177 : vector<16xf32>
        %swap3A_1179 = arith.index_cast %add3A_1172 : i32 to index
        %swap3A_1180 = arith.constant 0 : index
        %swap3A_1181 = tpu.vector_load %arg10[%swap3A_1179, %swap3A_1180] {strides = array<i32>} : memref<128x128xf32, #tpu.memory_space<vmem>>, vector<1x16xf32>,
        %swap3A_1182 = vector.shape_cast %swap3A_1181 : vector<1x16xf32> to vector<16xf32>
        %swap3A_1183 = vector.shape_cast %mul3A_1178 : vector<16xf32> to vector<1x16xf32>
        tpu.vector_store %arg10[%swap3A_1179, %swap3A_1180], %swap3A_1183 {strides = array<i32>} : memref<128x128xf32, #tpu.memory_space<vmem>>, vector<1x16xf32>,
        %get3A_1184 = arith.index_cast %add3A_1172 : i32 to index
        %get3A_1185 = arith.constant 16 : index
        %get3A_1186 = tpu.vector_load %arg10[%get3A_1184, %get3A_1185] {strides = array<i32>} : memref<128x128xf32, #tpu.memory_space<vmem>>, vector<1x16xf32>,
        %get3A_1187 = vector.shape_cast %get3A_1186 : vector<1x16xf32> to vector<16xf32>
        %mul3A_1188 = vector.broadcast %squeeze3A_1168 : f32 to vector<16xf32>
        %mul3A_1189 = arith.mulf %get3A_1187, %mul3A_1188 : vector<16xf32>
        %swap3A_1190 = arith.index_cast %add3A_1172 : i32 to index
        %swap3A_1191 = arith.constant 16 : index
        %swap3A_1192 = tpu.vector_load %arg10[%swap3A_1190, %swap3A_1191] {strides = array<i32>} : memref<128x128xf32, #tpu.memory_space<vmem>>, vector<1x16xf32>,
        %swap3A_1193 = vector.shape_cast %swap3A_1192 : vector<1x16xf32> to vector<16xf32>
        %swap3A_1194 = vector.shape_cast %mul3A_1189 : vector<16xf32> to vector<1x16xf32>
        tpu.vector_store %arg10[%swap3A_1190, %swap3A_1191], %swap3A_1194 {strides = array<i32>} : memref<128x128xf32, #tpu.memory_space<vmem>>, vector<1x16xf32>,
        %get3A_1195 = arith.index_cast %add3A_1172 : i32 to index
        %get3A_1196 = arith.constant 32 : index
        %get3A_1197 = tpu.vector_load %arg10[%get3A_1195, %get3A_1196] {strides = array<i32>} : memref<128x128xf32, #tpu.memory_space<vmem>>, vector<1x16xf32>,
        %get3A_1198 = vector.shape_cast %get3A_1197 : vector<1x16xf32> to vector<16xf32>
        %mul3A_1199 = vector.broadcast %squeeze3A_1168 : f32 to vector<16xf32>
        %mul3A_1200 = arith.mulf %get3A_1198, %mul3A_1199 : vector<16xf32>
        %swap3A_1201 = arith.index_cast %add3A_1172 : i32 to index
        %swap3A_1202 = arith.constant 32 : index
        %swap3A_1203 = tpu.vector_load %arg10[%swap3A_1201, %swap3A_1202] {strides = array<i32>} : memref<128x128xf32, #tpu.memory_space<vmem>>, vector<1x16xf32>,
        %swap3A_1204 = vector.shape_cast %swap3A_1203 : vector<1x16xf32> to vector<16xf32>
        %swap3A_1205 = vector.shape_cast %mul3A_1200 : vector<16xf32> to vector<1x16xf32>
        tpu.vector_store %arg10[%swap3A_1201, %swap3A_1202], %swap3A_1205 {strides = array<i32>} : memref<128x128xf32, #tpu.memory_space<vmem>>, vector<1x16xf32>,
        %get3A_1206 = arith.index_cast %add3A_1172 : i32 to index
        %get3A_1207 = arith.constant 48 : index
        %get3A_1208 = tpu.vector_load %arg10[%get3A_1206, %get3A_1207] {strides = array<i32>} : memref<128x128xf32, #tpu.memory_space<vmem>>, vector<1x16xf32>,
        %get3A_1209 = vector.shape_cast %get3A_1208 : vector<1x16xf32> to vector<16xf32>
        %mul3A_1210 = vector.broadcast %squeeze3A_1168 : f32 to vector<16xf32>
        %mul3A_1211 = arith.mulf %get3A_1209, %mul3A_1210 : vector<16xf32>
        %swap3A_1212 = arith.index_cast %add3A_1172 : i32 to index
        %swap3A_1213 = arith.constant 48 : index
        %swap3A_1214 = tpu.vector_load %arg10[%swap3A_1212, %swap3A_1213] {strides = array<i32>} : memref<128x128xf32, #tpu.memory_space<vmem>>, vector<1x16xf32>,
        %swap3A_1215 = vector.shape_cast %swap3A_1214 : vector<1x16xf32> to vector<16xf32>
        %swap3A_1216 = vector.shape_cast %mul3A_1211 : vector<16xf32> to vector<1x16xf32>
        tpu.vector_store %arg10[%swap3A_1212, %swap3A_1213], %swap3A_1216 {strides = array<i32>} : memref<128x128xf32, #tpu.memory_space<vmem>>, vector<1x16xf32>,
        %get3A_1217 = arith.index_cast %add3A_1172 : i32 to index
        %get3A_1218 = arith.constant 64 : index
        %get3A_1219 = tpu.vector_load %arg10[%get3A_1217, %get3A_1218] {strides = array<i32>} : memref<128x128xf32, #tpu.memory_space<vmem>>, vector<1x16xf32>,
        %get3A_1220 = vector.shape_cast %get3A_1219 : vector<1x16xf32> to vector<16xf32>
        %mul3A_1221 = vector.broadcast %squeeze3A_1168 : f32 to vector<16xf32>
        %mul3A_1222 = arith.mulf %get3A_1220, %mul3A_1221 : vector<16xf32>
        %swap3A_1223 = arith.index_cast %add3A_1172 : i32 to index
        %swap3A_1224 = arith.constant 64 : index
        %swap3A_1225 = tpu.vector_load %arg10[%swap3A_1223, %swap3A_1224] {strides = array<i32>} : memref<128x128xf32, #tpu.memory_space<vmem>>, vector<1x16xf32>,
        %swap3A_1226 = vector.shape_cast %swap3A_1225 : vector<1x16xf32> to vector<16xf32>
        %swap3A_1227 = vector.shape_cast %mul3A_1222 : vector<16xf32> to vector<1x16xf32>
        tpu.vector_store %arg10[%swap3A_1223, %swap3A_1224], %swap3A_1227 {strides = array<i32>} : memref<128x128xf32, #tpu.memory_space<vmem>>, vector<1x16xf32>,
        %get3A_1228 = arith.index_cast %add3A_1172 : i32 to index
        %get3A_1229 = arith.constant 80 : index
        %get3A_1230 = tpu.vector_load %arg10[%get3A_1228, %get3A_1229] {strides = array<i32>} : memref<128x128xf32, #tpu.memory_space<vmem>>, vector<1x16xf32>,
        %get3A_1231 = vector.shape_cast %get3A_1230 : vector<1x16xf32> to vector<16xf32>
        %mul3A_1232 = vector.broadcast %squeeze3A_1168 : f32 to vector<16xf32>
        %mul3A_1233 = arith.mulf %get3A_1231, %mul3A_1232 : vector<16xf32>
        %swap3A_1234 = arith.index_cast %add3A_1172 : i32 to index
        %swap3A_1235 = arith.constant 80 : index
        %swap3A_1236 = tpu.vector_load %arg10[%swap3A_1234, %swap3A_1235] {strides = array<i32>} : memref<128x128xf32, #tpu.memory_space<vmem>>, vector<1x16xf32>,
        %swap3A_1237 = vector.shape_cast %swap3A_1236 : vector<1x16xf32> to vector<16xf32>
        %swap3A_1238 = vector.shape_cast %mul3A_1233 : vector<16xf32> to vector<1x16xf32>
        tpu.vector_store %arg10[%swap3A_1234, %swap3A_1235], %swap3A_1238 {strides = array<i32>} : memref<128x128xf32, #tpu.memory_space<vmem>>, vector<1x16xf32>,
        %get3A_1239 = arith.index_cast %add3A_1172 : i32 to index
        %get3A_1240 = arith.constant 96 : index
        %get3A_1241 = tpu.vector_load %arg10[%get3A_1239, %get3A_1240] {strides = array<i32>} : memref<128x128xf32, #tpu.memory_space<vmem>>, vector<1x16xf32>,
        %get3A_1242 = vector.shape_cast %get3A_1241 : vector<1x16xf32> to vector<16xf32>
        %mul3A_1243 = vector.broadcast %squeeze3A_1168 : f32 to vector<16xf32>
        %mul3A_1244 = arith.mulf %get3A_1242, %mul3A_1243 : vector<16xf32>
        %swap3A_1245 = arith.index_cast %add3A_1172 : i32 to index
        %swap3A_1246 = arith.constant 96 : index
        %swap3A_1247 = tpu.vector_load %arg10[%swap3A_1245, %swap3A_1246] {strides = array<i32>} : memref<128x128xf32, #tpu.memory_space<vmem>>, vector<1x16xf32>,
        %swap3A_1248 = vector.shape_cast %swap3A_1247 : vector<1x16xf32> to vector<16xf32>
        %swap3A_1249 = vector.shape_cast %mul3A_1244 : vector<16xf32> to vector<1x16xf32>
        tpu.vector_store %arg10[%swap3A_1245, %swap3A_1246], %swap3A_1249 {strides = array<i32>} : memref<128x128xf32, #tpu.memory_space<vmem>>, vector<1x16xf32>,
        %get3A_1250 = arith.index_cast %add3A_1172 : i32 to index
        %get3A_1251 = arith.constant 112 : index
        %get3A_1252 = tpu.vector_load %arg10[%get3A_1250, %get3A_1251] {strides = array<i32>} : memref<128x128xf32, #tpu.memory_space<vmem>>, vector<1x16xf32>,
        %get3A_1253 = vector.shape_cast %get3A_1252 : vector<1x16xf32> to vector<16xf32>
        %mul3A_1254 = vector.broadcast %squeeze3A_1168 : f32 to vector<16xf32>
        %mul3A_1255 = arith.mulf %get3A_1253, %mul3A_1254 : vector<16xf32>
        %swap3A_1256 = arith.index_cast %add3A_1172 : i32 to index
        %swap3A_1257 = arith.constant 112 : index
        %swap3A_1258 = tpu.vector_load %arg10[%swap3A_1256, %swap3A_1257] {strides = array<i32>} : memref<128x128xf32, #tpu.memory_space<vmem>>, vector<1x16xf32>,
        %swap3A_1259 = vector.shape_cast %swap3A_1258 : vector<1x16xf32> to vector<16xf32>
        %swap3A_1260 = vector.shape_cast %mul3A_1255 : vector<16xf32> to vector<1x16xf32>
        tpu.vector_store %arg10[%swap3A_1256, %swap3A_1257], %swap3A_1260 {strides = array<i32>} : memref<128x128xf32, #tpu.memory_space<vmem>>, vector<1x16xf32>,
        %slice3A_1261 = vector.extract_strided_slice %get3A_41 {offsets = [13], sizes = [1], strides = [1]} : vector<16xf32> to vector<1xf32>
        %squeeze3A_1262 = vector.extract %slice3A_1261[0] : f32 from vector<1xf32>
        %mul3A_1263 = arith.constant 16 : i32
        %mul3A_1264 = arith.muli %scan3A_37, %mul3A_1263 : i32
        %add3A_1265 = arith.constant 13 : i32
        %add3A_1266 = arith.addi %mul3A_1264, %add3A_1265 : i32
        %get3A_1267 = arith.index_cast %add3A_1266 : i32 to index
        %get3A_1268 = arith.constant 0 : index
        %get3A_1269 = tpu.vector_load %arg10[%get3A_1267, %get3A_1268] {strides = array<i32>} : memref<128x128xf32, #tpu.memory_space<vmem>>, vector<1x16xf32>,
        %get3A_1270 = vector.shape_cast %get3A_1269 : vector<1x16xf32> to vector<16xf32>
        %mul3A_1271 = vector.broadcast %squeeze3A_1262 : f32 to vector<16xf32>
        %mul3A_1272 = arith.mulf %get3A_1270, %mul3A_1271 : vector<16xf32>
        %swap3A_1273 = arith.index_cast %add3A_1266 : i32 to index
        %swap3A_1274 = arith.constant 0 : index
        %swap3A_1275 = tpu.vector_load %arg10[%swap3A_1273, %swap3A_1274] {strides = array<i32>} : memref<128x128xf32, #tpu.memory_space<vmem>>, vector<1x16xf32>,
        %swap3A_1276 = vector.shape_cast %swap3A_1275 : vector<1x16xf32> to vector<16xf32>
        %swap3A_1277 = vector.shape_cast %mul3A_1272 : vector<16xf32> to vector<1x16xf32>
        tpu.vector_store %arg10[%swap3A_1273, %swap3A_1274], %swap3A_1277 {strides = array<i32>} : memref<128x128xf32, #tpu.memory_space<vmem>>, vector<1x16xf32>,
        %get3A_1278 = arith.index_cast %add3A_1266 : i32 to index
        %get3A_1279 = arith.constant 16 : index
        %get3A_1280 = tpu.vector_load %arg10[%get3A_1278, %get3A_1279] {strides = array<i32>} : memref<128x128xf32, #tpu.memory_space<vmem>>, vector<1x16xf32>,
        %get3A_1281 = vector.shape_cast %get3A_1280 : vector<1x16xf32> to vector<16xf32>
        %mul3A_1282 = vector.broadcast %squeeze3A_1262 : f32 to vector<16xf32>
        %mul3A_1283 = arith.mulf %get3A_1281, %mul3A_1282 : vector<16xf32>
        %swap3A_1284 = arith.index_cast %add3A_1266 : i32 to index
        %swap3A_1285 = arith.constant 16 : index
        %swap3A_1286 = tpu.vector_load %arg10[%swap3A_1284, %swap3A_1285] {strides = array<i32>} : memref<128x128xf32, #tpu.memory_space<vmem>>, vector<1x16xf32>,
        %swap3A_1287 = vector.shape_cast %swap3A_1286 : vector<1x16xf32> to vector<16xf32>
        %swap3A_1288 = vector.shape_cast %mul3A_1283 : vector<16xf32> to vector<1x16xf32>
        tpu.vector_store %arg10[%swap3A_1284, %swap3A_1285], %swap3A_1288 {strides = array<i32>} : memref<128x128xf32, #tpu.memory_space<vmem>>, vector<1x16xf32>,
        %get3A_1289 = arith.index_cast %add3A_1266 : i32 to index
        %get3A_1290 = arith.constant 32 : index
        %get3A_1291 = tpu.vector_load %arg10[%get3A_1289, %get3A_1290] {strides = array<i32>} : memref<128x128xf32, #tpu.memory_space<vmem>>, vector<1x16xf32>,
        %get3A_1292 = vector.shape_cast %get3A_1291 : vector<1x16xf32> to vector<16xf32>
        %mul3A_1293 = vector.broadcast %squeeze3A_1262 : f32 to vector<16xf32>
        %mul3A_1294 = arith.mulf %get3A_1292, %mul3A_1293 : vector<16xf32>
        %swap3A_1295 = arith.index_cast %add3A_1266 : i32 to index
        %swap3A_1296 = arith.constant 32 : index
        %swap3A_1297 = tpu.vector_load %arg10[%swap3A_1295, %swap3A_1296] {strides = array<i32>} : memref<128x128xf32, #tpu.memory_space<vmem>>, vector<1x16xf32>,
        %swap3A_1298 = vector.shape_cast %swap3A_1297 : vector<1x16xf32> to vector<16xf32>
        %swap3A_1299 = vector.shape_cast %mul3A_1294 : vector<16xf32> to vector<1x16xf32>
        tpu.vector_store %arg10[%swap3A_1295, %swap3A_1296], %swap3A_1299 {strides = array<i32>} : memref<128x128xf32, #tpu.memory_space<vmem>>, vector<1x16xf32>,
        %get3A_1300 = arith.index_cast %add3A_1266 : i32 to index
        %get3A_1301 = arith.constant 48 : index
        %get3A_1302 = tpu.vector_load %arg10[%get3A_1300, %get3A_1301] {strides = array<i32>} : memref<128x128xf32, #tpu.memory_space<vmem>>, vector<1x16xf32>,
        %get3A_1303 = vector.shape_cast %get3A_1302 : vector<1x16xf32> to vector<16xf32>
        %mul3A_1304 = vector.broadcast %squeeze3A_1262 : f32 to vector<16xf32>
        %mul3A_1305 = arith.mulf %get3A_1303, %mul3A_1304 : vector<16xf32>
        %swap3A_1306 = arith.index_cast %add3A_1266 : i32 to index
        %swap3A_1307 = arith.constant 48 : index
        %swap3A_1308 = tpu.vector_load %arg10[%swap3A_1306, %swap3A_1307] {strides = array<i32>} : memref<128x128xf32, #tpu.memory_space<vmem>>, vector<1x16xf32>,
        %swap3A_1309 = vector.shape_cast %swap3A_1308 : vector<1x16xf32> to vector<16xf32>
        %swap3A_1310 = vector.shape_cast %mul3A_1305 : vector<16xf32> to vector<1x16xf32>
        tpu.vector_store %arg10[%swap3A_1306, %swap3A_1307], %swap3A_1310 {strides = array<i32>} : memref<128x128xf32, #tpu.memory_space<vmem>>, vector<1x16xf32>,
        %get3A_1311 = arith.index_cast %add3A_1266 : i32 to index
        %get3A_1312 = arith.constant 64 : index
        %get3A_1313 = tpu.vector_load %arg10[%get3A_1311, %get3A_1312] {strides = array<i32>} : memref<128x128xf32, #tpu.memory_space<vmem>>, vector<1x16xf32>,
        %get3A_1314 = vector.shape_cast %get3A_1313 : vector<1x16xf32> to vector<16xf32>
        %mul3A_1315 = vector.broadcast %squeeze3A_1262 : f32 to vector<16xf32>
        %mul3A_1316 = arith.mulf %get3A_1314, %mul3A_1315 : vector<16xf32>
        %swap3A_1317 = arith.index_cast %add3A_1266 : i32 to index
        %swap3A_1318 = arith.constant 64 : index
        %swap3A_1319 = tpu.vector_load %arg10[%swap3A_1317, %swap3A_1318] {strides = array<i32>} : memref<128x128xf32, #tpu.memory_space<vmem>>, vector<1x16xf32>,
        %swap3A_1320 = vector.shape_cast %swap3A_1319 : vector<1x16xf32> to vector<16xf32>
        %swap3A_1321 = vector.shape_cast %mul3A_1316 : vector<16xf32> to vector<1x16xf32>
        tpu.vector_store %arg10[%swap3A_1317, %swap3A_1318], %swap3A_1321 {strides = array<i32>} : memref<128x128xf32, #tpu.memory_space<vmem>>, vector<1x16xf32>,
        %get3A_1322 = arith.index_cast %add3A_1266 : i32 to index
        %get3A_1323 = arith.constant 80 : index
        %get3A_1324 = tpu.vector_load %arg10[%get3A_1322, %get3A_1323] {strides = array<i32>} : memref<128x128xf32, #tpu.memory_space<vmem>>, vector<1x16xf32>,
        %get3A_1325 = vector.shape_cast %get3A_1324 : vector<1x16xf32> to vector<16xf32>
        %mul3A_1326 = vector.broadcast %squeeze3A_1262 : f32 to vector<16xf32>
        %mul3A_1327 = arith.mulf %get3A_1325, %mul3A_1326 : vector<16xf32>
        %swap3A_1328 = arith.index_cast %add3A_1266 : i32 to index
        %swap3A_1329 = arith.constant 80 : index
        %swap3A_1330 = tpu.vector_load %arg10[%swap3A_1328, %swap3A_1329] {strides = array<i32>} : memref<128x128xf32, #tpu.memory_space<vmem>>, vector<1x16xf32>,
        %swap3A_1331 = vector.shape_cast %swap3A_1330 : vector<1x16xf32> to vector<16xf32>
        %swap3A_1332 = vector.shape_cast %mul3A_1327 : vector<16xf32> to vector<1x16xf32>
        tpu.vector_store %arg10[%swap3A_1328, %swap3A_1329], %swap3A_1332 {strides = array<i32>} : memref<128x128xf32, #tpu.memory_space<vmem>>, vector<1x16xf32>,
        %get3A_1333 = arith.index_cast %add3A_1266 : i32 to index
        %get3A_1334 = arith.constant 96 : index
        %get3A_1335 = tpu.vector_load %arg10[%get3A_1333, %get3A_1334] {strides = array<i32>} : memref<128x128xf32, #tpu.memory_space<vmem>>, vector<1x16xf32>,
        %get3A_1336 = vector.shape_cast %get3A_1335 : vector<1x16xf32> to vector<16xf32>
        %mul3A_1337 = vector.broadcast %squeeze3A_1262 : f32 to vector<16xf32>
        %mul3A_1338 = arith.mulf %get3A_1336, %mul3A_1337 : vector<16xf32>
        %swap3A_1339 = arith.index_cast %add3A_1266 : i32 to index
        %swap3A_1340 = arith.constant 96 : index
        %swap3A_1341 = tpu.vector_load %arg10[%swap3A_1339, %swap3A_1340] {strides = array<i32>} : memref<128x128xf32, #tpu.memory_space<vmem>>, vector<1x16xf32>,
        %swap3A_1342 = vector.shape_cast %swap3A_1341 : vector<1x16xf32> to vector<16xf32>
        %swap3A_1343 = vector.shape_cast %mul3A_1338 : vector<16xf32> to vector<1x16xf32>
        tpu.vector_store %arg10[%swap3A_1339, %swap3A_1340], %swap3A_1343 {strides = array<i32>} : memref<128x128xf32, #tpu.memory_space<vmem>>, vector<1x16xf32>,
        %get3A_1344 = arith.index_cast %add3A_1266 : i32 to index
        %get3A_1345 = arith.constant 112 : index
        %get3A_1346 = tpu.vector_load %arg10[%get3A_1344, %get3A_1345] {strides = array<i32>} : memref<128x128xf32, #tpu.memory_space<vmem>>, vector<1x16xf32>,
        %get3A_1347 = vector.shape_cast %get3A_1346 : vector<1x16xf32> to vector<16xf32>
        %mul3A_1348 = vector.broadcast %squeeze3A_1262 : f32 to vector<16xf32>
        %mul3A_1349 = arith.mulf %get3A_1347, %mul3A_1348 : vector<16xf32>
        %swap3A_1350 = arith.index_cast %add3A_1266 : i32 to index
        %swap3A_1351 = arith.constant 112 : index
        %swap3A_1352 = tpu.vector_load %arg10[%swap3A_1350, %swap3A_1351] {strides = array<i32>} : memref<128x128xf32, #tpu.memory_space<vmem>>, vector<1x16xf32>,
        %swap3A_1353 = vector.shape_cast %swap3A_1352 : vector<1x16xf32> to vector<16xf32>
        %swap3A_1354 = vector.shape_cast %mul3A_1349 : vector<16xf32> to vector<1x16xf32>
        tpu.vector_store %arg10[%swap3A_1350, %swap3A_1351], %swap3A_1354 {strides = array<i32>} : memref<128x128xf32, #tpu.memory_space<vmem>>, vector<1x16xf32>,
        %slice3A_1355 = vector.extract_strided_slice %get3A_41 {offsets = [14], sizes = [1], strides = [1]} : vector<16xf32> to vector<1xf32>
        %squeeze3A_1356 = vector.extract %slice3A_1355[0] : f32 from vector<1xf32>
        %mul3A_1357 = arith.constant 16 : i32
        %mul3A_1358 = arith.muli %scan3A_37, %mul3A_1357 : i32
        %add3A_1359 = arith.constant 14 : i32
        %add3A_1360 = arith.addi %mul3A_1358, %add3A_1359 : i32
        %get3A_1361 = arith.index_cast %add3A_1360 : i32 to index
        %get3A_1362 = arith.constant 0 : index
        %get3A_1363 = tpu.vector_load %arg10[%get3A_1361, %get3A_1362] {strides = array<i32>} : memref<128x128xf32, #tpu.memory_space<vmem>>, vector<1x16xf32>,
        %get3A_1364 = vector.shape_cast %get3A_1363 : vector<1x16xf32> to vector<16xf32>
        %mul3A_1365 = vector.broadcast %squeeze3A_1356 : f32 to vector<16xf32>
        %mul3A_1366 = arith.mulf %get3A_1364, %mul3A_1365 : vector<16xf32>
        %swap3A_1367 = arith.index_cast %add3A_1360 : i32 to index
        %swap3A_1368 = arith.constant 0 : index
        %swap3A_1369 = tpu.vector_load %arg10[%swap3A_1367, %swap3A_1368] {strides = array<i32>} : memref<128x128xf32, #tpu.memory_space<vmem>>, vector<1x16xf32>,
        %swap3A_1370 = vector.shape_cast %swap3A_1369 : vector<1x16xf32> to vector<16xf32>
        %swap3A_1371 = vector.shape_cast %mul3A_1366 : vector<16xf32> to vector<1x16xf32>
        tpu.vector_store %arg10[%swap3A_1367, %swap3A_1368], %swap3A_1371 {strides = array<i32>} : memref<128x128xf32, #tpu.memory_space<vmem>>, vector<1x16xf32>,
        %get3A_1372 = arith.index_cast %add3A_1360 : i32 to index
        %get3A_1373 = arith.constant 16 : index
        %get3A_1374 = tpu.vector_load %arg10[%get3A_1372, %get3A_1373] {strides = array<i32>} : memref<128x128xf32, #tpu.memory_space<vmem>>, vector<1x16xf32>,
        %get3A_1375 = vector.shape_cast %get3A_1374 : vector<1x16xf32> to vector<16xf32>
        %mul3A_1376 = vector.broadcast %squeeze3A_1356 : f32 to vector<16xf32>
        %mul3A_1377 = arith.mulf %get3A_1375, %mul3A_1376 : vector<16xf32>
        %swap3A_1378 = arith.index_cast %add3A_1360 : i32 to index
        %swap3A_1379 = arith.constant 16 : index
        %swap3A_1380 = tpu.vector_load %arg10[%swap3A_1378, %swap3A_1379] {strides = array<i32>} : memref<128x128xf32, #tpu.memory_space<vmem>>, vector<1x16xf32>,
        %swap3A_1381 = vector.shape_cast %swap3A_1380 : vector<1x16xf32> to vector<16xf32>
        %swap3A_1382 = vector.shape_cast %mul3A_1377 : vector<16xf32> to vector<1x16xf32>
        tpu.vector_store %arg10[%swap3A_1378, %swap3A_1379], %swap3A_1382 {strides = array<i32>} : memref<128x128xf32, #tpu.memory_space<vmem>>, vector<1x16xf32>,
        %get3A_1383 = arith.index_cast %add3A_1360 : i32 to index
        %get3A_1384 = arith.constant 32 : index
        %get3A_1385 = tpu.vector_load %arg10[%get3A_1383, %get3A_1384] {strides = array<i32>} : memref<128x128xf32, #tpu.memory_space<vmem>>, vector<1x16xf32>,
        %get3A_1386 = vector.shape_cast %get3A_1385 : vector<1x16xf32> to vector<16xf32>
        %mul3A_1387 = vector.broadcast %squeeze3A_1356 : f32 to vector<16xf32>
        %mul3A_1388 = arith.mulf %get3A_1386, %mul3A_1387 : vector<16xf32>
        %swap3A_1389 = arith.index_cast %add3A_1360 : i32 to index
        %swap3A_1390 = arith.constant 32 : index
        %swap3A_1391 = tpu.vector_load %arg10[%swap3A_1389, %swap3A_1390] {strides = array<i32>} : memref<128x128xf32, #tpu.memory_space<vmem>>, vector<1x16xf32>,
        %swap3A_1392 = vector.shape_cast %swap3A_1391 : vector<1x16xf32> to vector<16xf32>
        %swap3A_1393 = vector.shape_cast %mul3A_1388 : vector<16xf32> to vector<1x16xf32>
        tpu.vector_store %arg10[%swap3A_1389, %swap3A_1390], %swap3A_1393 {strides = array<i32>} : memref<128x128xf32, #tpu.memory_space<vmem>>, vector<1x16xf32>,
        %get3A_1394 = arith.index_cast %add3A_1360 : i32 to index
        %get3A_1395 = arith.constant 48 : index
        %get3A_1396 = tpu.vector_load %arg10[%get3A_1394, %get3A_1395] {strides = array<i32>} : memref<128x128xf32, #tpu.memory_space<vmem>>, vector<1x16xf32>,
        %get3A_1397 = vector.shape_cast %get3A_1396 : vector<1x16xf32> to vector<16xf32>
        %mul3A_1398 = vector.broadcast %squeeze3A_1356 : f32 to vector<16xf32>
        %mul3A_1399 = arith.mulf %get3A_1397, %mul3A_1398 : vector<16xf32>
        %swap3A_1400 = arith.index_cast %add3A_1360 : i32 to index
        %swap3A_1401 = arith.constant 48 : index
        %swap3A_1402 = tpu.vector_load %arg10[%swap3A_1400, %swap3A_1401] {strides = array<i32>} : memref<128x128xf32, #tpu.memory_space<vmem>>, vector<1x16xf32>,
        %swap3A_1403 = vector.shape_cast %swap3A_1402 : vector<1x16xf32> to vector<16xf32>
        %swap3A_1404 = vector.shape_cast %mul3A_1399 : vector<16xf32> to vector<1x16xf32>
        tpu.vector_store %arg10[%swap3A_1400, %swap3A_1401], %swap3A_1404 {strides = array<i32>} : memref<128x128xf32, #tpu.memory_space<vmem>>, vector<1x16xf32>,
        %get3A_1405 = arith.index_cast %add3A_1360 : i32 to index
        %get3A_1406 = arith.constant 64 : index
        %get3A_1407 = tpu.vector_load %arg10[%get3A_1405, %get3A_1406] {strides = array<i32>} : memref<128x128xf32, #tpu.memory_space<vmem>>, vector<1x16xf32>,
        %get3A_1408 = vector.shape_cast %get3A_1407 : vector<1x16xf32> to vector<16xf32>
        %mul3A_1409 = vector.broadcast %squeeze3A_1356 : f32 to vector<16xf32>
        %mul3A_1410 = arith.mulf %get3A_1408, %mul3A_1409 : vector<16xf32>
        %swap3A_1411 = arith.index_cast %add3A_1360 : i32 to index
        %swap3A_1412 = arith.constant 64 : index
        %swap3A_1413 = tpu.vector_load %arg10[%swap3A_1411, %swap3A_1412] {strides = array<i32>} : memref<128x128xf32, #tpu.memory_space<vmem>>, vector<1x16xf32>,
        %swap3A_1414 = vector.shape_cast %swap3A_1413 : vector<1x16xf32> to vector<16xf32>
        %swap3A_1415 = vector.shape_cast %mul3A_1410 : vector<16xf32> to vector<1x16xf32>
        tpu.vector_store %arg10[%swap3A_1411, %swap3A_1412], %swap3A_1415 {strides = array<i32>} : memref<128x128xf32, #tpu.memory_space<vmem>>, vector<1x16xf32>,
        %get3A_1416 = arith.index_cast %add3A_1360 : i32 to index
        %get3A_1417 = arith.constant 80 : index
        %get3A_1418 = tpu.vector_load %arg10[%get3A_1416, %get3A_1417] {strides = array<i32>} : memref<128x128xf32, #tpu.memory_space<vmem>>, vector<1x16xf32>,
        %get3A_1419 = vector.shape_cast %get3A_1418 : vector<1x16xf32> to vector<16xf32>
        %mul3A_1420 = vector.broadcast %squeeze3A_1356 : f32 to vector<16xf32>
        %mul3A_1421 = arith.mulf %get3A_1419, %mul3A_1420 : vector<16xf32>
        %swap3A_1422 = arith.index_cast %add3A_1360 : i32 to index
        %swap3A_1423 = arith.constant 80 : index
        %swap3A_1424 = tpu.vector_load %arg10[%swap3A_1422, %swap3A_1423] {strides = array<i32>} : memref<128x128xf32, #tpu.memory_space<vmem>>, vector<1x16xf32>,
        %swap3A_1425 = vector.shape_cast %swap3A_1424 : vector<1x16xf32> to vector<16xf32>
        %swap3A_1426 = vector.shape_cast %mul3A_1421 : vector<16xf32> to vector<1x16xf32>
        tpu.vector_store %arg10[%swap3A_1422, %swap3A_1423], %swap3A_1426 {strides = array<i32>} : memref<128x128xf32, #tpu.memory_space<vmem>>, vector<1x16xf32>,
        %get3A_1427 = arith.index_cast %add3A_1360 : i32 to index
        %get3A_1428 = arith.constant 96 : index
        %get3A_1429 = tpu.vector_load %arg10[%get3A_1427, %get3A_1428] {strides = array<i32>} : memref<128x128xf32, #tpu.memory_space<vmem>>, vector<1x16xf32>,
        %get3A_1430 = vector.shape_cast %get3A_1429 : vector<1x16xf32> to vector<16xf32>
        %mul3A_1431 = vector.broadcast %squeeze3A_1356 : f32 to vector<16xf32>
        %mul3A_1432 = arith.mulf %get3A_1430, %mul3A_1431 : vector<16xf32>
        %swap3A_1433 = arith.index_cast %add3A_1360 : i32 to index
        %swap3A_1434 = arith.constant 96 : index
        %swap3A_1435 = tpu.vector_load %arg10[%swap3A_1433, %swap3A_1434] {strides = array<i32>} : memref<128x128xf32, #tpu.memory_space<vmem>>, vector<1x16xf32>,
        %swap3A_1436 = vector.shape_cast %swap3A_1435 : vector<1x16xf32> to vector<16xf32>
        %swap3A_1437 = vector.shape_cast %mul3A_1432 : vector<16xf32> to vector<1x16xf32>
        tpu.vector_store %arg10[%swap3A_1433, %swap3A_1434], %swap3A_1437 {strides = array<i32>} : memref<128x128xf32, #tpu.memory_space<vmem>>, vector<1x16xf32>,
        %get3A_1438 = arith.index_cast %add3A_1360 : i32 to index
        %get3A_1439 = arith.constant 112 : index
        %get3A_1440 = tpu.vector_load %arg10[%get3A_1438, %get3A_1439] {strides = array<i32>} : memref<128x128xf32, #tpu.memory_space<vmem>>, vector<1x16xf32>,
        %get3A_1441 = vector.shape_cast %get3A_1440 : vector<1x16xf32> to vector<16xf32>
        %mul3A_1442 = vector.broadcast %squeeze3A_1356 : f32 to vector<16xf32>
        %mul3A_1443 = arith.mulf %get3A_1441, %mul3A_1442 : vector<16xf32>
        %swap3A_1444 = arith.index_cast %add3A_1360 : i32 to index
        %swap3A_1445 = arith.constant 112 : index
        %swap3A_1446 = tpu.vector_load %arg10[%swap3A_1444, %swap3A_1445] {strides = array<i32>} : memref<128x128xf32, #tpu.memory_space<vmem>>, vector<1x16xf32>,
        %swap3A_1447 = vector.shape_cast %swap3A_1446 : vector<1x16xf32> to vector<16xf32>
        %swap3A_1448 = vector.shape_cast %mul3A_1443 : vector<16xf32> to vector<1x16xf32>
        tpu.vector_store %arg10[%swap3A_1444, %swap3A_1445], %swap3A_1448 {strides = array<i32>} : memref<128x128xf32, #tpu.memory_space<vmem>>, vector<1x16xf32>,
        %slice3A_1449 = vector.extract_strided_slice %get3A_41 {offsets = [15], sizes = [1], strides = [1]} : vector<16xf32> to vector<1xf32>
        %squeeze3A_1450 = vector.extract %slice3A_1449[0] : f32 from vector<1xf32>
        %mul3A_1451 = arith.constant 16 : i32
        %mul3A_1452 = arith.muli %scan3A_37, %mul3A_1451 : i32
        %add3A_1453 = arith.constant 15 : i32
        %add3A_1454 = arith.addi %mul3A_1452, %add3A_1453 : i32
        %get3A_1455 = arith.index_cast %add3A_1454 : i32 to index
        %get3A_1456 = arith.constant 0 : index
        %get3A_1457 = tpu.vector_load %arg10[%get3A_1455, %get3A_1456] {strides = array<i32>} : memref<128x128xf32, #tpu.memory_space<vmem>>, vector<1x16xf32>,
        %get3A_1458 = vector.shape_cast %get3A_1457 : vector<1x16xf32> to vector<16xf32>
        %mul3A_1459 = vector.broadcast %squeeze3A_1450 : f32 to vector<16xf32>
        %mul3A_1460 = arith.mulf %get3A_1458, %mul3A_1459 : vector<16xf32>
        %swap3A_1461 = arith.index_cast %add3A_1454 : i32 to index
        %swap3A_1462 = arith.constant 0 : index
        %swap3A_1463 = tpu.vector_load %arg10[%swap3A_1461, %swap3A_1462] {strides = array<i32>} : memref<128x128xf32, #tpu.memory_space<vmem>>, vector<1x16xf32>,
        %swap3A_1464 = vector.shape_cast %swap3A_1463 : vector<1x16xf32> to vector<16xf32>
        %swap3A_1465 = vector.shape_cast %mul3A_1460 : vector<16xf32> to vector<1x16xf32>
        tpu.vector_store %arg10[%swap3A_1461, %swap3A_1462], %swap3A_1465 {strides = array<i32>} : memref<128x128xf32, #tpu.memory_space<vmem>>, vector<1x16xf32>,
        %get3A_1466 = arith.index_cast %add3A_1454 : i32 to index
        %get3A_1467 = arith.constant 16 : index
        %get3A_1468 = tpu.vector_load %arg10[%get3A_1466, %get3A_1467] {strides = array<i32>} : memref<128x128xf32, #tpu.memory_space<vmem>>, vector<1x16xf32>,
        %get3A_1469 = vector.shape_cast %get3A_1468 : vector<1x16xf32> to vector<16xf32>
        %mul3A_1470 = vector.broadcast %squeeze3A_1450 : f32 to vector<16xf32>
        %mul3A_1471 = arith.mulf %get3A_1469, %mul3A_1470 : vector<16xf32>
        %swap3A_1472 = arith.index_cast %add3A_1454 : i32 to index
        %swap3A_1473 = arith.constant 16 : index
        %swap3A_1474 = tpu.vector_load %arg10[%swap3A_1472, %swap3A_1473] {strides = array<i32>} : memref<128x128xf32, #tpu.memory_space<vmem>>, vector<1x16xf32>,
        %swap3A_1475 = vector.shape_cast %swap3A_1474 : vector<1x16xf32> to vector<16xf32>
        %swap3A_1476 = vector.shape_cast %mul3A_1471 : vector<16xf32> to vector<1x16xf32>
        tpu.vector_store %arg10[%swap3A_1472, %swap3A_1473], %swap3A_1476 {strides = array<i32>} : memref<128x128xf32, #tpu.memory_space<vmem>>, vector<1x16xf32>,
        %get3A_1477 = arith.index_cast %add3A_1454 : i32 to index
        %get3A_1478 = arith.constant 32 : index
        %get3A_1479 = tpu.vector_load %arg10[%get3A_1477, %get3A_1478] {strides = array<i32>} : memref<128x128xf32, #tpu.memory_space<vmem>>, vector<1x16xf32>,
        %get3A_1480 = vector.shape_cast %get3A_1479 : vector<1x16xf32> to vector<16xf32>
        %mul3A_1481 = vector.broadcast %squeeze3A_1450 : f32 to vector<16xf32>
        %mul3A_1482 = arith.mulf %get3A_1480, %mul3A_1481 : vector<16xf32>
        %swap3A_1483 = arith.index_cast %add3A_1454 : i32 to index
        %swap3A_1484 = arith.constant 32 : index
        %swap3A_1485 = tpu.vector_load %arg10[%swap3A_1483, %swap3A_1484] {strides = array<i32>} : memref<128x128xf32, #tpu.memory_space<vmem>>, vector<1x16xf32>,
        %swap3A_1486 = vector.shape_cast %swap3A_1485 : vector<1x16xf32> to vector<16xf32>
        %swap3A_1487 = vector.shape_cast %mul3A_1482 : vector<16xf32> to vector<1x16xf32>
        tpu.vector_store %arg10[%swap3A_1483, %swap3A_1484], %swap3A_1487 {strides = array<i32>} : memref<128x128xf32, #tpu.memory_space<vmem>>, vector<1x16xf32>,
        %get3A_1488 = arith.index_cast %add3A_1454 : i32 to index
        %get3A_1489 = arith.constant 48 : index
        %get3A_1490 = tpu.vector_load %arg10[%get3A_1488, %get3A_1489] {strides = array<i32>} : memref<128x128xf32, #tpu.memory_space<vmem>>, vector<1x16xf32>,
        %get3A_1491 = vector.shape_cast %get3A_1490 : vector<1x16xf32> to vector<16xf32>
        %mul3A_1492 = vector.broadcast %squeeze3A_1450 : f32 to vector<16xf32>
        %mul3A_1493 = arith.mulf %get3A_1491, %mul3A_1492 : vector<16xf32>
        %swap3A_1494 = arith.index_cast %add3A_1454 : i32 to index
        %swap3A_1495 = arith.constant 48 : index
        %swap3A_1496 = tpu.vector_load %arg10[%swap3A_1494, %swap3A_1495] {strides = array<i32>} : memref<128x128xf32, #tpu.memory_space<vmem>>, vector<1x16xf32>,
        %swap3A_1497 = vector.shape_cast %swap3A_1496 : vector<1x16xf32> to vector<16xf32>
        %swap3A_1498 = vector.shape_cast %mul3A_1493 : vector<16xf32> to vector<1x16xf32>
        tpu.vector_store %arg10[%swap3A_1494, %swap3A_1495], %swap3A_1498 {strides = array<i32>} : memref<128x128xf32, #tpu.memory_space<vmem>>, vector<1x16xf32>,
        %get3A_1499 = arith.index_cast %add3A_1454 : i32 to index
        %get3A_1500 = arith.constant 64 : index
        %get3A_1501 = tpu.vector_load %arg10[%get3A_1499, %get3A_1500] {strides = array<i32>} : memref<128x128xf32, #tpu.memory_space<vmem>>, vector<1x16xf32>,
        %get3A_1502 = vector.shape_cast %get3A_1501 : vector<1x16xf32> to vector<16xf32>
        %mul3A_1503 = vector.broadcast %squeeze3A_1450 : f32 to vector<16xf32>
        %mul3A_1504 = arith.mulf %get3A_1502, %mul3A_1503 : vector<16xf32>
        %swap3A_1505 = arith.index_cast %add3A_1454 : i32 to index
        %swap3A_1506 = arith.constant 64 : index
        %swap3A_1507 = tpu.vector_load %arg10[%swap3A_1505, %swap3A_1506] {strides = array<i32>} : memref<128x128xf32, #tpu.memory_space<vmem>>, vector<1x16xf32>,
        %swap3A_1508 = vector.shape_cast %swap3A_1507 : vector<1x16xf32> to vector<16xf32>
        %swap3A_1509 = vector.shape_cast %mul3A_1504 : vector<16xf32> to vector<1x16xf32>
        tpu.vector_store %arg10[%swap3A_1505, %swap3A_1506], %swap3A_1509 {strides = array<i32>} : memref<128x128xf32, #tpu.memory_space<vmem>>, vector<1x16xf32>,
        %get3A_1510 = arith.index_cast %add3A_1454 : i32 to index
        %get3A_1511 = arith.constant 80 : index
        %get3A_1512 = tpu.vector_load %arg10[%get3A_1510, %get3A_1511] {strides = array<i32>} : memref<128x128xf32, #tpu.memory_space<vmem>>, vector<1x16xf32>,
        %get3A_1513 = vector.shape_cast %get3A_1512 : vector<1x16xf32> to vector<16xf32>
        %mul3A_1514 = vector.broadcast %squeeze3A_1450 : f32 to vector<16xf32>
        %mul3A_1515 = arith.mulf %get3A_1513, %mul3A_1514 : vector<16xf32>
        %swap3A_1516 = arith.index_cast %add3A_1454 : i32 to index
        %swap3A_1517 = arith.constant 80 : index
        %swap3A_1518 = tpu.vector_load %arg10[%swap3A_1516, %swap3A_1517] {strides = array<i32>} : memref<128x128xf32, #tpu.memory_space<vmem>>, vector<1x16xf32>,
        %swap3A_1519 = vector.shape_cast %swap3A_1518 : vector<1x16xf32> to vector<16xf32>
        %swap3A_1520 = vector.shape_cast %mul3A_1515 : vector<16xf32> to vector<1x16xf32>
        tpu.vector_store %arg10[%swap3A_1516, %swap3A_1517], %swap3A_1520 {strides = array<i32>} : memref<128x128xf32, #tpu.memory_space<vmem>>, vector<1x16xf32>,
        %get3A_1521 = arith.index_cast %add3A_1454 : i32 to index
        %get3A_1522 = arith.constant 96 : index
        %get3A_1523 = tpu.vector_load %arg10[%get3A_1521, %get3A_1522] {strides = array<i32>} : memref<128x128xf32, #tpu.memory_space<vmem>>, vector<1x16xf32>,
        %get3A_1524 = vector.shape_cast %get3A_1523 : vector<1x16xf32> to vector<16xf32>
        %mul3A_1525 = vector.broadcast %squeeze3A_1450 : f32 to vector<16xf32>
        %mul3A_1526 = arith.mulf %get3A_1524, %mul3A_1525 : vector<16xf32>
        %swap3A_1527 = arith.index_cast %add3A_1454 : i32 to index
        %swap3A_1528 = arith.constant 96 : index
        %swap3A_1529 = tpu.vector_load %arg10[%swap3A_1527, %swap3A_1528] {strides = array<i32>} : memref<128x128xf32, #tpu.memory_space<vmem>>, vector<1x16xf32>,
        %swap3A_1530 = vector.shape_cast %swap3A_1529 : vector<1x16xf32> to vector<16xf32>
        %swap3A_1531 = vector.shape_cast %mul3A_1526 : vector<16xf32> to vector<1x16xf32>
        tpu.vector_store %arg10[%swap3A_1527, %swap3A_1528], %swap3A_1531 {strides = array<i32>} : memref<128x128xf32, #tpu.memory_space<vmem>>, vector<1x16xf32>,
        %get3A_1532 = arith.index_cast %add3A_1454 : i32 to index
        %get3A_1533 = arith.constant 112 : index
        %get3A_1534 = tpu.vector_load %arg10[%get3A_1532, %get3A_1533] {strides = array<i32>} : memref<128x128xf32, #tpu.memory_space<vmem>>, vector<1x16xf32>,
        %get3A_1535 = vector.shape_cast %get3A_1534 : vector<1x16xf32> to vector<16xf32>
        %mul3A_1536 = vector.broadcast %squeeze3A_1450 : f32 to vector<16xf32>
        %mul3A_1537 = arith.mulf %get3A_1535, %mul3A_1536 : vector<16xf32>
        %swap3A_1538 = arith.index_cast %add3A_1454 : i32 to index
        %swap3A_1539 = arith.constant 112 : index
        %swap3A_1540 = tpu.vector_load %arg10[%swap3A_1538, %swap3A_1539] {strides = array<i32>} : memref<128x128xf32, #tpu.memory_space<vmem>>, vector<1x16xf32>,
        %swap3A_1541 = vector.shape_cast %swap3A_1540 : vector<1x16xf32> to vector<16xf32>
        %swap3A_1542 = vector.shape_cast %mul3A_1537 : vector<16xf32> to vector<1x16xf32>
        tpu.vector_store %arg10[%swap3A_1538, %swap3A_1539], %swap3A_1542 {strides = array<i32>} : memref<128x128xf32, #tpu.memory_space<vmem>>, vector<1x16xf32>,
      }
      %scan3A_36 = arith.constant 8 : i32
      "tpu.region"() ({
        %run_scoped3A = tpu.sem_alloc : memref<!tpu.dma_semaphore, #tpu.memory_space<semaphore_mem>>
        %dma_start3A_37 = arith.constant 0 : i32
        %dma_start3A_38 = arith.constant 0 : i32
        %dma_start3A_39 = tpu.memref_slice %arg12[%dma_start3A_37, %dma_start3A_38] : memref<10240x128xf32, #tpu.memory_space<vmem_shared>> -> memref<10240x128xf32, #tpu.memory_space<vmem_shared>>
        tpu.enqueue_indirect_dma source(%arg10 : memref<128x128xf32, #tpu.memory_space<vmem>>) target(%dma_start3A_39 : memref<10240x128xf32, #tpu.memory_space<vmem_shared>>) offsets(%arg8 : memref<128xi32, #tpu.memory_space<vmem>>) semaphore(%run_scoped3A : memref<!tpu.dma_semaphore, #tpu.memory_space<semaphore_mem>>) {add = true}
        %dma_wait3A_40 = arith.constant 0 : i32
        %dma_wait3A_41 = arith.constant 0 : i32
        %dma_wait3A_42 = tpu.memref_slice %arg12[%dma_wait3A_40, %dma_wait3A_41] : memref<10240x128xf32, #tpu.memory_space<vmem_shared>> -> memref<10240x128xf32, #tpu.memory_space<vmem_shared>>
        tpu.wait_indirect_dma semaphore(%run_scoped3A : memref<!tpu.dma_semaphore, #tpu.memory_space<semaphore_mem>>) src(%arg10 : memref<128x128xf32, #tpu.memory_space<vmem>>) dst(%dma_wait3A_42 : memref<10240x128xf32, #tpu.memory_space<vmem_shared>>)
        tpu.yield
      }) : () -> ()
    }
    %scan3A_19 = arith.constant 79 : i32
    %barrier3A_20 = arith.constant 0 : index
    tpu.barrier barrier_id(%barrier3A_20)
    "tpu.region"() ({
      %run_scoped3A = tpu.sem_alloc : memref<!tpu.dma_semaphore, #tpu.memory_space<semaphore_mem>>
      %dma_start3A = arith.constant 0 : i32
      %dma_start3A_21 = tpu.memref_slice %arg6[%arg0, %mul3A_7, %dma_start3A] : memref<2x10240x128xf32, #tpu.memory_space<hbm>> -> memref<1x640x128xf32, #tpu.memory_space<hbm>>
      %dma_start3A_22 = tpu.memref_squeeze %dma_start3A_21 : memref<1x640x128xf32, #tpu.memory_space<hbm>> -> memref<640x128xf32, #tpu.memory_space<hbm>>
      %dma_start3A_23 = arith.constant 0 : i32
      %dma_start3A_24 = tpu.memref_slice %arg12[%mul3A_7, %dma_start3A_23] : memref<10240x128xf32, #tpu.memory_space<vmem_shared>> -> memref<640x128xf32, #tpu.memory_space<vmem_shared>>
      tpu.enqueue_dma source(%dma_start3A_24 : memref<640x128xf32, #tpu.memory_space<vmem_shared>>) target(%dma_start3A_22 : memref<640x128xf32, #tpu.memory_space<hbm>>) target_semaphore(%run_scoped3A : memref<!tpu.dma_semaphore, #tpu.memory_space<semaphore_mem>>)
      %dma_wait3A = arith.constant 0 : i32
      %dma_wait3A_25 = tpu.memref_slice %arg6[%arg0, %mul3A_7, %dma_wait3A] : memref<2x10240x128xf32, #tpu.memory_space<hbm>> -> memref<1x640x128xf32, #tpu.memory_space<hbm>>
      %dma_wait3A_26 = tpu.memref_squeeze %dma_wait3A_25 : memref<1x640x128xf32, #tpu.memory_space<hbm>> -> memref<640x128xf32, #tpu.memory_space<hbm>>
      %dma_wait3A_27 = arith.constant 0 : i32
      %dma_wait3A_28 = tpu.memref_slice %arg12[%mul3A_7, %dma_wait3A_27] : memref<10240x128xf32, #tpu.memory_space<vmem_shared>> -> memref<640x128xf32, #tpu.memory_space<vmem_shared>>
      tpu.wait_dma2 semaphore(%run_scoped3A : memref<!tpu.dma_semaphore, #tpu.memory_space<semaphore_mem>>) src(%dma_wait3A_28 : memref<640x128xf32, #tpu.memory_space<vmem_shared>>) dst(%dma_wait3A_26 : memref<640x128xf32, #tpu.memory_space<hbm>>)
      tpu.yield
    }) : () -> ()
    return
  }
}

module attributes {stable_mosaic.version = 14 : i64} {
  func.func @_scale_body(%arg0: i32, %arg1: memref<1024x2xf32, #tpu.memory_space<vmem>>, %arg2: memref<1024x128xf32, #tpu.memory_space<vmem>>, %arg3: memref<1024x128xf32, #tpu.memory_space<vmem>>) attributes {dimension_semantics = [#tpu.dimension_semantics<arbitrary>], iteration_bounds = array<i64: 10>, scalar_prefetch = 0 : i64, scratch_operands = 0 : i64, tpu.core_type = #tpu.core_type<tc>, window_params = [{transform_indices = @transform_0, window_bounds = array<i64: 1024, 2>}, {transform_indices = @transform_1, window_bounds = array<i64: 1024, 128>}, {transform_indices = @transform_2, window_bounds = array<i64: 1024, 128>}]} {
    %get3A = arith.constant 0 : index
    %get3A_0 = arith.constant 0 : index
    %get3A_1 = vector.load %arg1[%get3A, %get3A_0] : memref<1024x2xf32, #tpu.memory_space<vmem>>, vector<1024x1xf32>
    %get3A_2 = arith.constant 0 : index
    %get3A_3 = arith.constant 1 : index
    %get3A_4 = vector.load %arg1[%get3A_2, %get3A_3] : memref<1024x2xf32, #tpu.memory_space<vmem>>, vector<1024x1xf32>
    %add3A = arith.addf %get3A_1, %get3A_4 : vector<1024x1xf32>
    %add3A_5 = arith.constant 1.000000e+00 : f32
    %add3A_6 = vector.broadcast %add3A_5 : f32 to vector<1024x1xf32>
    %add3A_7 = arith.addf %add3A, %add3A_6 : vector<1024x1xf32>
    %rsqrt3A = math.rsqrt %add3A_7 : vector<1024x1xf32>
    %get3A_8 = arith.constant 0 : index
    %get3A_9 = arith.constant 0 : index
    %get3A_10 = vector.load %arg2[%get3A_8, %get3A_9] : memref<1024x128xf32, #tpu.memory_space<vmem>>, vector<1024x128xf32>
    %mul3A = vector.broadcast %rsqrt3A : vector<1024x1xf32> to vector<1024x128xf32>
    %mul3A_11 = arith.mulf %get3A_10, %mul3A : vector<1024x128xf32>
    %swap3A = arith.constant 0 : index
    %swap3A_12 = arith.constant 0 : index
    %swap3A_13 = vector.load %arg3[%swap3A, %swap3A_12] : memref<1024x128xf32, #tpu.memory_space<vmem>>, vector<1024x128xf32>
    tpu.vector_store %arg3[%swap3A, %swap3A_12], %mul3A_11 {strides = array<i32>} : memref<1024x128xf32, #tpu.memory_space<vmem>>, vector<1024x128xf32>,
    return
  }
  func.func @transform_0(%arg0: i32) -> (i32, i32) {
    %c0_i32 = arith.constant 0 : i32
    %c0_i32_0 = arith.constant 0 : i32
    return %arg0, %c0_i32 : i32, i32
  }
  func.func @transform_1(%arg0: i32) -> (i32, i32) {
    %c0_i32 = arith.constant 0 : i32
    %c0_i32_0 = arith.constant 0 : i32
    return %arg0, %c0_i32 : i32, i32
  }
  func.func @transform_2(%arg0: i32) -> (i32, i32) {
    %c0_i32 = arith.constant 0 : i32
    %c0_i32_0 = arith.constant 0 : i32
    return %arg0, %c0_i32 : i32, i32
  }
}

module attributes {stable_mosaic.version = 14 : i64} {
  func.func @_dense_body(%arg0: i32, %arg1: memref<1024x2xf32, #tpu.memory_space<vmem>>, %arg2: memref<1024x128xf32, #tpu.memory_space<vmem>>, %arg3: memref<1x1024x128xf32, #tpu.memory_space<vmem>>, %arg4: memref<1x1024x128xf32, #tpu.memory_space<vmem>>, %arg5: memref<128x320xf32, #tpu.memory_space<vmem>>, %arg6: memref<128x320xf32, #tpu.memory_space<vmem>>, %arg7: memref<1x320xf32, #tpu.memory_space<vmem>>, %arg8: memref<1x320xf32, #tpu.memory_space<vmem>>, %arg9: memref<320x32xf32, #tpu.memory_space<vmem>>, %arg10: memref<32x64xf32, #tpu.memory_space<vmem>>, %arg11: memref<1x64xf32, #tpu.memory_space<vmem>>, %arg12: memref<64x32xf32, #tpu.memory_space<vmem>>, %arg13: memref<1x32xf32, #tpu.memory_space<vmem>>, %arg14: memref<32x100xf32, #tpu.memory_space<vmem>>, %arg15: memref<1x100xf32, #tpu.memory_space<vmem>>, %arg16: memref<1024x100xf32, #tpu.memory_space<vmem>>) attributes {dimension_semantics = [#tpu.dimension_semantics<arbitrary>], iteration_bounds = array<i64: 10>, scalar_prefetch = 0 : i64, scratch_operands = 0 : i64, tpu.core_type = #tpu.core_type<tc>, window_params = [{transform_indices = @transform_0, window_bounds = array<i64: 1024, 2>}, {transform_indices = @transform_1, window_bounds = array<i64: 1024, 128>}, {transform_indices = @transform_2, window_bounds = array<i64: 1, 1024, 128>}, {transform_indices = @transform_3, window_bounds = array<i64: 1, 1024, 128>}, {pipeline_mode = #tpu.pipeline_mode<synchronous>, transform_indices = @transform_4, window_bounds = array<i64: 128, 320>}, {pipeline_mode = #tpu.pipeline_mode<synchronous>, transform_indices = @transform_5, window_bounds = array<i64: 128, 320>}, {pipeline_mode = #tpu.pipeline_mode<synchronous>, transform_indices = @transform_6, window_bounds = array<i64: 1, 320>}, {pipeline_mode = #tpu.pipeline_mode<synchronous>, transform_indices = @transform_7, window_bounds = array<i64: 1, 320>}, {pipeline_mode = #tpu.pipeline_mode<synchronous>, transform_indices = @transform_8, window_bounds = array<i64: 320, 32>}, {pipeline_mode = #tpu.pipeline_mode<synchronous>, transform_indices = @transform_9, window_bounds = array<i64: 32, 64>}, {pipeline_mode = #tpu.pipeline_mode<synchronous>, transform_indices = @transform_10, window_bounds = array<i64: 1, 64>}, {pipeline_mode = #tpu.pipeline_mode<synchronous>, transform_indices = @transform_11, window_bounds = array<i64: 64, 32>}, {pipeline_mode = #tpu.pipeline_mode<synchronous>, transform_indices = @transform_12, window_bounds = array<i64: 1, 32>}, {pipeline_mode = #tpu.pipeline_mode<synchronous>, transform_indices = @transform_13, window_bounds = array<i64: 32, 100>}, {pipeline_mode = #tpu.pipeline_mode<synchronous>, transform_indices = @transform_14, window_bounds = array<i64: 1, 100>}, {transform_indices = @transform_15, window_bounds = array<i64: 1024, 100>}]} {
    %get3A = arith.constant 0 : index
    %get3A_0 = arith.constant 0 : index
    %get3A_1 = vector.load %arg1[%get3A, %get3A_0] : memref<1024x2xf32, #tpu.memory_space<vmem>>, vector<1024x1xf32>
    %get3A_2 = arith.constant 0 : index
    %get3A_3 = arith.constant 1 : index
    %get3A_4 = vector.load %arg1[%get3A_2, %get3A_3] : memref<1024x2xf32, #tpu.memory_space<vmem>>, vector<1024x1xf32>
    %add3A = arith.addf %get3A_1, %get3A_4 : vector<1024x1xf32>
    %add3A_5 = arith.constant 1.000000e+00 : f32
    %add3A_6 = vector.broadcast %add3A_5 : f32 to vector<1024x1xf32>
    %add3A_7 = arith.addf %add3A, %add3A_6 : vector<1024x1xf32>
    %rsqrt3A = math.rsqrt %add3A_7 : vector<1024x1xf32>
    %get3A_8 = arith.constant 0 : index
    %get3A_9 = arith.constant 0 : index
    %get3A_10 = arith.constant 0 : index
    %get3A_11 = vector.load %arg3[%get3A_8, %get3A_9, %get3A_10] : memref<1x1024x128xf32, #tpu.memory_space<vmem>>, vector<1x1024x128xf32>
    %get3A_12 = vector.shape_cast %get3A_11 : vector<1x1024x128xf32> to vector<1024x128xf32>
    %get3A_13 = arith.constant 0 : index
    %get3A_14 = arith.constant 0 : index
    %get3A_15 = arith.constant 0 : index
    %get3A_16 = vector.load %arg4[%get3A_13, %get3A_14, %get3A_15] : memref<1x1024x128xf32, #tpu.memory_space<vmem>>, vector<1x1024x128xf32>
    %get3A_17 = vector.shape_cast %get3A_16 : vector<1x1024x128xf32> to vector<1024x128xf32>
    %add3A_18 = arith.addf %get3A_12, %get3A_17 : vector<1024x128xf32>
    %mul3A = vector.broadcast %rsqrt3A : vector<1024x1xf32> to vector<1024x128xf32>
    %mul3A_19 = arith.mulf %mul3A, %add3A_18 : vector<1024x128xf32>
    %mul3A_20 = arith.mulf %rsqrt3A, %rsqrt3A : vector<1024x1xf32>
    %get3A_21 = arith.constant 0 : index
    %get3A_22 = arith.constant 0 : index
    %get3A_23 = vector.load %arg2[%get3A_21, %get3A_22] : memref<1024x128xf32, #tpu.memory_space<vmem>>, vector<1024x128xf32>
    %mul3A_24 = vector.broadcast %mul3A_20 : vector<1024x1xf32> to vector<1024x128xf32>
    %mul3A_25 = arith.mulf %mul3A_24, %get3A_23 : vector<1024x128xf32>
    %add3A_26 = arith.addf %mul3A_19, %mul3A_25 : vector<1024x128xf32>
    %get3A_27 = arith.constant 0 : index
    %get3A_28 = arith.constant 0 : index
    %get3A_29 = vector.load %arg5[%get3A_27, %get3A_28] : memref<128x320xf32, #tpu.memory_space<vmem>>, vector<128x320xf32>
    %dot_general3A = arith.constant dense<0.000000e+00> : vector<1024x320xf32>
    %dot_general3A_30 = tpu.matmul %add3A_26, %get3A_29, %dot_general3A {dimension_numbers = #tpu.dot_dimension_numbers<[1], [0], [0], [1], [0, 0, 1, 1], [], []>, precision = #tpu.contract_precision<fp32>, transpose_lhs_hint = false} : vector<1024x128xf32>, vector<128x320xf32>, vector<1024x320xf32> -> vector<1024x320xf32>
    %get3A_31 = arith.constant 0 : index
    %get3A_32 = arith.constant 0 : index
    %get3A_33 = vector.load %arg7[%get3A_31, %get3A_32] : memref<1x320xf32, #tpu.memory_space<vmem>>, vector<1x320xf32>
    %add3A_34 = vector.broadcast %get3A_33 : vector<1x320xf32> to vector<1024x320xf32>
    %add3A_35 = arith.addf %dot_general3A_30, %add3A_34 : vector<1024x320xf32>
    %get3A_36 = arith.constant 0 : index
    %get3A_37 = arith.constant 0 : index
    %get3A_38 = vector.load %arg6[%get3A_36, %get3A_37] : memref<128x320xf32, #tpu.memory_space<vmem>>, vector<128x320xf32>
    %dot_general3A_39 = arith.constant dense<0.000000e+00> : vector<1024x320xf32>
    %dot_general3A_40 = tpu.matmul %add3A_26, %get3A_38, %dot_general3A_39 {dimension_numbers = #tpu.dot_dimension_numbers<[1], [0], [0], [1], [0, 0, 1, 1], [], []>, precision = #tpu.contract_precision<fp32>, transpose_lhs_hint = false} : vector<1024x128xf32>, vector<128x320xf32>, vector<1024x320xf32> -> vector<1024x320xf32>
    %get3A_41 = arith.constant 0 : index
    %get3A_42 = arith.constant 0 : index
    %get3A_43 = vector.load %arg8[%get3A_41, %get3A_42] : memref<1x320xf32, #tpu.memory_space<vmem>>, vector<1x320xf32>
    %add3A_44 = vector.broadcast %get3A_43 : vector<1x320xf32> to vector<1024x320xf32>
    %add3A_45 = arith.addf %dot_general3A_40, %add3A_44 : vector<1024x320xf32>
    %logistic3A = arith.negf %add3A_35 : vector<1024x320xf32>
    %logistic3A_46 = math.exp %logistic3A : vector<1024x320xf32>
    %logistic3A_47 = arith.constant 1.000000e+00 : f32
    %logistic3A_48 = vector.broadcast %logistic3A_47 : f32 to vector<1024x320xf32>
    %logistic3A_49 = arith.addf %logistic3A_48, %logistic3A_46 : vector<1024x320xf32>
    %logistic3A_50 = arith.divf %logistic3A_48, %logistic3A_49 : vector<1024x320xf32>
    %sub3A = arith.constant 1.000000e+00 : f32
    %sub3A_51 = vector.broadcast %sub3A : f32 to vector<1024x320xf32>
    %sub3A_52 = arith.subf %sub3A_51, %logistic3A_50 : vector<1024x320xf32>
    %tanh3A = math.tanh %add3A_45 : vector<1024x320xf32>
    %mul3A_53 = arith.mulf %sub3A_52, %tanh3A : vector<1024x320xf32>
    %get3A_54 = arith.constant 0 : index
    %get3A_55 = arith.constant 0 : index
    %get3A_56 = vector.load %arg9[%get3A_54, %get3A_55] : memref<320x32xf32, #tpu.memory_space<vmem>>, vector<320x32xf32>
    %dot_general3A_57 = arith.constant dense<0.000000e+00> : vector<1024x32xf32>
    %dot_general3A_58 = tpu.matmul %mul3A_53, %get3A_56, %dot_general3A_57 {dimension_numbers = #tpu.dot_dimension_numbers<[1], [0], [0], [1], [0, 0, 1, 1], [], []>, precision = #tpu.contract_precision<fp32>, transpose_lhs_hint = false} : vector<1024x320xf32>, vector<320x32xf32>, vector<1024x32xf32> -> vector<1024x32xf32>
    %max3A = arith.constant 0.000000e+00 : f32
    %max3A_59 = vector.broadcast %max3A : f32 to vector<1024x32xf32>
    %max3A_60 = arith.maximumf %dot_general3A_58, %max3A_59 : vector<1024x32xf32>
    %get3A_61 = arith.constant 0 : index
    %get3A_62 = arith.constant 0 : index
    %get3A_63 = vector.load %arg10[%get3A_61, %get3A_62] : memref<32x64xf32, #tpu.memory_space<vmem>>, vector<32x64xf32>
    %dot_general3A_64 = arith.constant dense<0.000000e+00> : vector<1024x64xf32>
    %dot_general3A_65 = tpu.matmul %max3A_60, %get3A_63, %dot_general3A_64 {dimension_numbers = #tpu.dot_dimension_numbers<[1], [0], [0], [1], [0, 0, 1, 1], [], []>, precision = #tpu.contract_precision<fp32>, transpose_lhs_hint = false} : vector<1024x32xf32>, vector<32x64xf32>, vector<1024x64xf32> -> vector<1024x64xf32>
    %get3A_66 = arith.constant 0 : index
    %get3A_67 = arith.constant 0 : index
    %get3A_68 = vector.load %arg11[%get3A_66, %get3A_67] : memref<1x64xf32, #tpu.memory_space<vmem>>, vector<1x64xf32>
    %add3A_69 = vector.broadcast %get3A_68 : vector<1x64xf32> to vector<1024x64xf32>
    %add3A_70 = arith.addf %dot_general3A_65, %add3A_69 : vector<1024x64xf32>
    %max3A_71 = arith.constant 0.000000e+00 : f32
    %max3A_72 = vector.broadcast %max3A_71 : f32 to vector<1024x64xf32>
    %max3A_73 = arith.maximumf %add3A_70, %max3A_72 : vector<1024x64xf32>
    %get3A_74 = arith.constant 0 : index
    %get3A_75 = arith.constant 0 : index
    %get3A_76 = vector.load %arg12[%get3A_74, %get3A_75] : memref<64x32xf32, #tpu.memory_space<vmem>>, vector<64x32xf32>
    %dot_general3A_77 = arith.constant dense<0.000000e+00> : vector<1024x32xf32>
    %dot_general3A_78 = tpu.matmul %max3A_73, %get3A_76, %dot_general3A_77 {dimension_numbers = #tpu.dot_dimension_numbers<[1], [0], [0], [1], [0, 0, 1, 1], [], []>, precision = #tpu.contract_precision<fp32>, transpose_lhs_hint = false} : vector<1024x64xf32>, vector<64x32xf32>, vector<1024x32xf32> -> vector<1024x32xf32>
    %get3A_79 = arith.constant 0 : index
    %get3A_80 = arith.constant 0 : index
    %get3A_81 = vector.load %arg13[%get3A_79, %get3A_80] : memref<1x32xf32, #tpu.memory_space<vmem>>, vector<1x32xf32>
    %add3A_82 = vector.broadcast %get3A_81 : vector<1x32xf32> to vector<1024x32xf32>
    %add3A_83 = arith.addf %dot_general3A_78, %add3A_82 : vector<1024x32xf32>
    %max3A_84 = arith.constant 0.000000e+00 : f32
    %max3A_85 = vector.broadcast %max3A_84 : f32 to vector<1024x32xf32>
    %max3A_86 = arith.maximumf %add3A_83, %max3A_85 : vector<1024x32xf32>
    %get3A_87 = arith.constant 0 : index
    %get3A_88 = arith.constant 0 : index
    %get3A_89 = vector.load %arg14[%get3A_87, %get3A_88] : memref<32x100xf32, #tpu.memory_space<vmem>>, vector<32x100xf32>
    %dot_general3A_90 = arith.constant dense<0.000000e+00> : vector<1024x100xf32>
    %dot_general3A_91 = tpu.matmul %max3A_86, %get3A_89, %dot_general3A_90 {dimension_numbers = #tpu.dot_dimension_numbers<[1], [0], [0], [1], [0, 0, 1, 1], [], []>, precision = #tpu.contract_precision<fp32>, transpose_lhs_hint = false} : vector<1024x32xf32>, vector<32x100xf32>, vector<1024x100xf32> -> vector<1024x100xf32>
    %get3A_92 = arith.constant 0 : index
    %get3A_93 = arith.constant 0 : index
    %get3A_94 = vector.load %arg15[%get3A_92, %get3A_93] : memref<1x100xf32, #tpu.memory_space<vmem>>, vector<1x100xf32>
    %add3A_95 = vector.broadcast %get3A_94 : vector<1x100xf32> to vector<1024x100xf32>
    %add3A_96 = arith.addf %dot_general3A_91, %add3A_95 : vector<1024x100xf32>
    %swap3A = arith.constant 0 : index
    %swap3A_97 = arith.constant 0 : index
    %swap3A_98 = vector.load %arg16[%swap3A, %swap3A_97] : memref<1024x100xf32, #tpu.memory_space<vmem>>, vector<1024x100xf32>
    tpu.vector_store %arg16[%swap3A, %swap3A_97], %add3A_96 {strides = array<i32>} : memref<1024x100xf32, #tpu.memory_space<vmem>>, vector<1024x100xf32>,
    return
  }
  func.func @transform_0(%arg0: i32) -> (i32, i32) {
    %c0_i32 = arith.constant 0 : i32
    %c0_i32_0 = arith.constant 0 : i32
    return %arg0, %c0_i32 : i32, i32
  }
  func.func @transform_1(%arg0: i32) -> (i32, i32) {
    %c0_i32 = arith.constant 0 : i32
    %c0_i32_0 = arith.constant 0 : i32
    return %arg0, %c0_i32 : i32, i32
  }
  func.func @transform_2(%arg0: i32) -> (i32, i32, i32) {
    %c0_i32 = arith.constant 0 : i32
    %c0_i32_0 = arith.constant 0 : i32
    %c0_i32_1 = arith.constant 0 : i32
    return %c0_i32, %arg0, %c0_i32_0 : i32, i32, i32
  }
  func.func @transform_3(%arg0: i32) -> (i32, i32, i32) {
    %c1_i32 = arith.constant 1 : i32
    %c0_i32 = arith.constant 0 : i32
    %c0_i32_0 = arith.constant 0 : i32
    return %c1_i32, %arg0, %c0_i32 : i32, i32, i32
  }
  func.func @transform_4(%arg0: i32) -> (i32, i32) {
    %c0_i32 = arith.constant 0 : i32
    %c0_i32_0 = arith.constant 0 : i32
    %c0_i32_1 = arith.constant 0 : i32
    return %c0_i32, %c0_i32_0 : i32, i32
  }
  func.func @transform_5(%arg0: i32) -> (i32, i32) {
    %c0_i32 = arith.constant 0 : i32
    %c0_i32_0 = arith.constant 0 : i32
    %c0_i32_1 = arith.constant 0 : i32
    return %c0_i32, %c0_i32_0 : i32, i32
  }
  func.func @transform_6(%arg0: i32) -> (i32, i32) {
    %c0_i32 = arith.constant 0 : i32
    %c0_i32_0 = arith.constant 0 : i32
    %c0_i32_1 = arith.constant 0 : i32
    return %c0_i32, %c0_i32_0 : i32, i32
  }
  func.func @transform_7(%arg0: i32) -> (i32, i32) {
    %c0_i32 = arith.constant 0 : i32
    %c0_i32_0 = arith.constant 0 : i32
    %c0_i32_1 = arith.constant 0 : i32
    return %c0_i32, %c0_i32_0 : i32, i32
  }
  func.func @transform_8(%arg0: i32) -> (i32, i32) {
    %c0_i32 = arith.constant 0 : i32
    %c0_i32_0 = arith.constant 0 : i32
    %c0_i32_1 = arith.constant 0 : i32
    return %c0_i32, %c0_i32_0 : i32, i32
  }
  func.func @transform_9(%arg0: i32) -> (i32, i32) {
    %c0_i32 = arith.constant 0 : i32
    %c0_i32_0 = arith.constant 0 : i32
    %c0_i32_1 = arith.constant 0 : i32
    return %c0_i32, %c0_i32_0 : i32, i32
  }
  func.func @transform_10(%arg0: i32) -> (i32, i32) {
    %c0_i32 = arith.constant 0 : i32
    %c0_i32_0 = arith.constant 0 : i32
    %c0_i32_1 = arith.constant 0 : i32
    return %c0_i32, %c0_i32_0 : i32, i32
  }
  func.func @transform_11(%arg0: i32) -> (i32, i32) {
    %c0_i32 = arith.constant 0 : i32
    %c0_i32_0 = arith.constant 0 : i32
    %c0_i32_1 = arith.constant 0 : i32
    return %c0_i32, %c0_i32_0 : i32, i32
  }
  func.func @transform_12(%arg0: i32) -> (i32, i32) {
    %c0_i32 = arith.constant 0 : i32
    %c0_i32_0 = arith.constant 0 : i32
    %c0_i32_1 = arith.constant 0 : i32
    return %c0_i32, %c0_i32_0 : i32, i32
  }
  func.func @transform_13(%arg0: i32) -> (i32, i32) {
    %c0_i32 = arith.constant 0 : i32
    %c0_i32_0 = arith.constant 0 : i32
    %c0_i32_1 = arith.constant 0 : i32
    return %c0_i32, %c0_i32_0 : i32, i32
  }
  func.func @transform_14(%arg0: i32) -> (i32, i32) {
    %c0_i32 = arith.constant 0 : i32
    %c0_i32_0 = arith.constant 0 : i32
    %c0_i32_1 = arith.constant 0 : i32
    return %c0_i32, %c0_i32_0 : i32, i32
  }
  func.func @transform_15(%arg0: i32) -> (i32, i32) {
    %c0_i32 = arith.constant 0 : i32
    %c0_i32_0 = arith.constant 0 : i32
    return %arg0, %c0_i32 : i32, i32
  }
}

</mosaic_0001>

<sc_bundles>
// kernel: kernel.6.cloned.1.call-start
scs
__scs_entry_jumppad:
0x0: {  	(pc) =	sbr.rel $0x88, $3  }
0x1: {  	(tag) =	ssettag $0x0;
	lr =	simm.s32 $0x1  }
0x2: {  	[smem:$0x3F8F] =	sst lr;
	_ =	strace $0xD0000000  }
0x3: {  	_ = 	snop  }
0x4: {  	_ = 	snop  }
0x5: {  	_ = 	snop  }
0x6: {  	_ = 	snop  }
0x7: {  	_ = 	snop  }
__scs_overlays_trampoline_lowered:
0x8: {  	[smem:$0x3F9E] =	sst s0  }
0x9: {  	[smem:$0x3F9F] =	sst s1  }
0xa: {  	[smem:$0x3FA0] =	sst s2  }
0xb: {  	[smem:$0x3FA1] =	sst s3  }
0xc: {  	[smem:$0x3FA2] =	sst s4  }
0xd: {  	[smem:$0x3FA3] =	sst s5  }
0xe: {  	[smem:$0x3FA4] =	sst s6  }
0xf: {  	[smem:$0x3FA5] =	sst s7  }
0x10: {  	[smem:$0x3FA6] =	sst s8  }
0x11: {  	[smem:$0x3FA7] =	sst s9;
	s0 =	simm.s32 @!p0 $0x0  }
0x12: {  	s1 =	sld [smem:$0x3F8D];
	s0 =	simm.s32 @p0 $0x1  }
0x13: {  	[smem:$0x3FA8] =	sst s0;
	s0 =	simm.s32 @!p1 $0x0  }
0x14: {  	s2 =	sld [smem:$0x3F8C];
	s0 =	simm.s32 @p1 $0x1  }
0x15: {  	[smem:$0x3FA9] =	sst s0;
	s0 =	simm.s32 @!p2 $0x0  }
0x16: {  	s3 =	sld [smem:$0x3FDB];
	s0 =	simm.s32 @p2 $0x1  }
0x17: {  	s4 =	simm.s32 $0x1BF5;
	[smem:$0x3FAB] =	sst s0  }
0x18: {  	s0 =	sld [smem:$0x3F8E];
	_ =	swait.ge [sflag:s4], $0x0  }
0x19: {  	s7 =	sld [smem:$0x3F8F]  }
0x1a: {  	s8 =	sadd.s32 $0xFFFFE003, lr  }
0x1b: {  	s9 =	sadd.s32 $0xFFFFFEF7, lr;
	s5 =	simm.s32 $0xFFFFFFFF;
	p2 =	slt.u32 s8, $0xFFFFF086  }
0x1c: {  	p1 =	slt.u32 s9, $0xF7A;
	s5 =	simm.s32 @!p2 $0x0  }
0x1d: {  	s5 =	simm.s32 @p1 $0x1;
	p0 =	seq.s32 s7, s2  }
0x1e: {  	s7 =	smul.u32 @!p0 $0xF7A, s2;
	p2 =	seq.s32 @!p0 s5, $0x0  }
0x1f: {  	s9 =	smul.u32 $0xF7A, s1;
	s8 =	simm.s32 @!p0 $0x1BF5;
	p2 =	por !p2, p0  }
0x20: {  	[sflag:s8] =	ssyncset.s32 @!p0 $0xFFFFF086;
	s6 =	sadd.s32 @!p0 s3, s7;
	s7 =	simm.s32 @!p0 $0x108  }
0x21: {  	s3 =	sadd.s32 s3, s9;
	s6 =	sadd.s32 @!p0 $0x88, s6;
	s7 =	simm.s32 @p2 $0x1082  }
0x22: {  	[simem:s7], [sflag:s8] =	dma.local @!p0 [hbm:s6], $0xF7A  }
0x23: {  	s9 =	sor.u32 $0xD0000000, s2;
	s6 =	simm.s32 $0x108;
	_ =	swait.ge @!p0 [sflag:s8], $0x0  }
0x24: {  	s3 =	sadd.s32 $0x88, s3;
	s6 =	simm.s32 @!p1 $0x1082;
	[sflag:s4] =	ssyncset.s32 $0xFFFFF086  }
0x25: {  	[simem:s6], [sflag:s4] =	dma.local [hbm:s3], $0xF7A  }
0x26: {  	[smem:$0x3F8F] =	sst s1;
	(tag) =	ssettag s2;
	_ =	strace s9  }
0x27: {  	s1 =	sld [smem:$0x3F9F]  }
0x28: {  	s2 =	sld [smem:$0x3FA0]  }
0x29: {  	s4 =	sld [smem:$0x3FA2]  }
0x2a: {  	p0 =	seq.s32 s5, $0x0;
	s5 =	sld [smem:$0x3FA3]  }
0x2b: {  	s6 =	sld [smem:$0x3FA4]  }
0x2c: {  	s7 =	sld [smem:$0x3FA5]  }
0x2d: {  	s3 =	simm.s32 $0x108;
	s8 =	sld [smem:$0x3FA6]  }
0x2e: {  	s3 =	simm.s32 @!p0 $0x1082;
	s9 =	sld [smem:$0x3FA7]  }
0x2f: {  	lr =	sadd.s32 s0, s3;
	s0 =	sld [smem:$0x3F9E]  }
0x30: {  	s3 =	sld [smem:$0x3FA1]  }
0x31: {  	[smem:$0x3FAA] =	sst s10  }
0x32: {  	s10 =	sld [smem:$0x3FA8];
	_ =	sdelay $0x3  }
0x33: {  	p0 =	seq.s32 s10, $0x1;
	s10 =	sld [smem:$0x3FAA];
	_ =	sdelay $0x3  }
0x34: {  	[smem:$0x3FAA] =	sst s10  }
0x35: {  	s10 =	sld [smem:$0x3FA9];
	_ =	sdelay $0x3  }
0x36: {  	p1 =	seq.s32 s10, $0x1;
	s10 =	sld [smem:$0x3FAA];
	_ =	sdelay $0x3  }
0x37: {  	[smem:$0x3FAA] =	sst s10  }
0x38: {  	s10 =	sld [smem:$0x3FAB]  }
0x39: {  	_ = 	snop;
	(pc) =	sbr.ind lr, $3  }
0x3a: {  	_ = 	snop  }
0x3b: {  	_ = 	snop  }
0x3c: {  	p2 =	seq.s32 s10, $0x1;
	s10 =	sld [smem:$0x3FAA]  }
0x3d: {  	_ =	shalt  }
0x3e: {  	_ =	shalt  }
0x3f: {  	_ =	shalt  }
0x40: {  	_ =	shalt  }
0x41: {  	_ =	shalt  }
0x42: {  	_ =	shalt  }
0x43: {  	_ =	shalt  }
0x44: {  	_ =	shalt  }
0x45: {  	_ =	shalt  }
0x46: {  	_ =	shalt  }
0x47: {  	_ =	shalt  }
0x48: {  	_ =	shalt  }
0x49: {  	_ =	shalt  }
0x4a: {  	_ =	shalt  }
0x4b: {  	_ =	shalt  }
0x4c: {  	_ =	shalt  }
0x4d: {  	_ =	shalt  }
0x4e: {  	_ =	shalt  }
0x4f: {  	_ =	shalt  }
0x50: {  	_ =	shalt  }
0x51: {  	_ =	shalt  }
0x52: {  	_ =	shalt  }
0x53: {  	_ =	shalt  }
0x54: {  	_ =	shalt  }
0x55: {  	_ =	shalt  }
0x56: {  	_ =	shalt  }
0x57: {  	_ =	shalt  }
0x58: {  	_ =	shalt  }
0x59: {  	_ =	shalt  }
0x5a: {  	_ =	shalt  }
0x5b: {  	_ =	shalt  }
0x5c: {  	_ =	shalt  }
0x5d: {  	_ =	shalt  }
0x5e: {  	_ =	shalt  }
0x5f: {  	_ =	shalt  }
0x60: {  	_ =	shalt  }
0x61: {  	_ =	shalt  }
0x62: {  	_ =	shalt  }
0x63: {  	_ =	shalt  }
0x64: {  	_ =	shalt  }
0x65: {  	_ =	shalt  }
0x66: {  	_ =	shalt  }
0x67: {  	_ =	shalt  }
0x68: {  	_ =	shalt  }
0x69: {  	_ =	shalt  }
0x6a: {  	_ =	shalt  }
0x6b: {  	_ =	shalt  }
0x6c: {  	_ =	shalt  }
0x6d: {  	_ =	shalt  }
0x6e: {  	_ =	shalt  }
0x6f: {  	_ =	shalt  }
0x70: {  	_ =	shalt  }
0x71: {  	_ =	shalt  }
0x72: {  	_ =	shalt  }
0x73: {  	_ =	shalt  }
0x74: {  	_ =	shalt  }
0x75: {  	_ =	shalt  }
0x76: {  	_ =	shalt  }
0x77: {  	_ =	shalt  }
0x78: {  	_ =	shalt  }
0x79: {  	_ =	shalt  }
0x7a: {  	_ =	shalt  }
0x7b: {  	_ =	shalt  }
0x7c: {  	_ =	shalt  }
0x7d: {  	_ =	shalt  }
0x7e: {  	_ =	shalt  }
0x7f: {  	_ =	shalt  }
0x80: {  	_ =	shalt  }
0x81: {  	_ =	shalt  }
0x82: {  	_ =	shalt  }
0x83: {  	_ =	shalt  }
0x84: {  	_ =	shalt  }
0x85: {  	_ =	shalt  }
0x86: {  	_ =	shalt  }
0x87: {  	_ =	shalt  }
.Lfunc_end0:
.L_simem_size_0:
called_computation_lowered:
.L_overlay_start_0:
0x88: {  	s2 =	sld [smem:$0x3FD9]  }
0x89: {  	s3 =	sld [smem:$0x3FFE];
	_ =	sdelay $0x1  }
0x8a: {  	s1 =	srdreg.scid  }
0x8b: {  	s0 =	sand.u32 $0x1, s1  }
0x8c: {  	s17 =	sshll.u32 s0, $0xA;
	s2 =	sadd.s32 s3, s2  }
0x8d: {  	s2 =	sadd.s32 s2, s17  }
0x8e: {  	[smem:$0x3FB6] =	sst s2  }
0x8f: {  	_ = 	snop  }
0x90: {  	s2 =	sld [smem:$0x3FD0];
	(tm) =	ssettm $0x1  }
0x91: {  	s18 =	sld [smem:$0x3FFB];
	_ =	sdelay $0x3  }
0x92: {  	_ =	strace s18  }
0x93: {  	s3 =	sld [smem:$0x3FFC];
	_ =	sdelay $0x3  }
0x94: {  	_ =	strace s3  }
0x95: {  	s3 =	sld [smem:$0x3FFD];
	_ =	sdelay $0x3  }
0x96: {  	_ =	strace s3  }
0x97: {  	_ =	strace $0x8FFFFFFF  }
0x98: {  	s19 =	sld [smem:$0x3FDB];
	_ =	sdelay $0x1  }
0x99: {  	s4 =	simm.s32 $_scs_section_size  }
0x9a: {  	s5 =	simm.s32 $_size__tile_overlayer_lowered;
	s6 =	simm.s32 $_tile_overlayer_lowered  }
0x9b: {  	s22 =	simm.s32 $0x1BFF;
	s21 =	sshll.u32 s6, $0x1;
	s3 =	sadd.s32 s4, s19  }
0x9c: {  	s7 =	simm.s32 $0x0;
	s20 =	sshll.u32 s5, $0x1;
	s5 =	sadd.s32 s21, s3  }
0x9d: {  	[timem:s7], [sflag:s22] =	dma.local [hbm:s5], s20  }
0x9e: {  	_ =	swait.ge [sflag:s22], s20  }
0x9f: {  	s4 =	ssub.s32 $0x0, s20;
	[sflag:s22] =	ssyncset.done $0x0  }
0xa0: {  	[sflag:s22] =	ssyncadd.s32 s4;
	_ =	sdelay $0x1  }
0xa1: {  	s23 =	simm.s32 $0x1B8B  }
0xa2: {  	_ =	swait.ge [sflag:s23], $0x1  }
0xa3: {  	[sflag:s23] =	ssyncset.done $0x0  }
0xa4: {  	s25 =	simm.s32 $0x1B8E;
	s24 =	sld [smem:$0x3FFE];
	[sflag:s23] =	ssyncadd.s32 $0xFFFFFFFF  }
0xa5: {  	s26 =	simm.s32 $execute0_lowered;
	[smem:$0x3FD2] =	sst s25  }
0xa6: {  	s5 =	sshll.u32 s26, $0x1;
	_ =	strace $0x80000046;
	[dreg:$0x1] =	wrdreg $0xFFFFFFFF  }
0xa7: {  	s28 =	simm.s32 $_size_execute0_lowered;
	s3 =	sadd.s32 s3, s5;
	[dreg:$0x0] =	wrdreg $0x0  }
0xa8: {  	s5 =	sshll.u32 s28, $0x1;
	[dreg:$0x2] =	wrdreg s3  }
0xa9: {  	[dreg:$0x3] =	wrdreg s5  }
0xaa: {  	[dreg:$0x4] =	wrdreg $0xC0  }
0xab: {  	_ =	task [dreg:s7], $0x5FFFF  }
0xac: {  	[dreg:$0x1] =	wrdreg $0xFFFFFFFF  }
0xad: {  	[dreg:$0x0] =	wrdreg $0x60  }
0xae: {  	[dreg:$0x2] =	wrdreg s2  }
0xaf: {  	[dreg:$0x3] =	wrdreg s24  }
0xb0: {  	[dreg:$0x4] =	wrdreg $0x3800  }
0xb1: {  	[dreg:$0x5] =	wrdreg $0x9  }
0xb2: {  	_ =	task.clear_ibuf [dreg:s7], $0x6FFFF;
	_ =	strace $0x90000046  }
0xb3: {  	s29 =	simm.s32 $0x9;
	_ =	strace $0x80000048  }
0xb4: {  	_ =	swait.ge [sflag:s29], $0x1  }
0xb5: {  	[sflag:s29] =	ssyncadd.s32 $0xFFFFFFFF  }
0xb6: {  	_ =	strace $0x90000048  }
0xb7: {  	_ =	sfence  }
0xb8: {  	s30 =	sld [smem:$0x0];
	_ =	sdelay $0x2  }
0xb9: {  	s31 =	sshll.u32 s1, $0xD;
	s1 =	sshrl.u32 s1, $0x2  }
0xba: {  	s3 =	sand.u32 $0x4000, s31;
	s1 =	sadd.s32 s1, s30  }
0xbb: {  	s0 =	sor.u32 s3, s0;
	s1 =	sshll.u32 s1, $0x11  }
0xbc: {  	s0 =	sor.u32 s1, s0  }
0xbd: {  	s0 =	sadd.s32 $0x8F2B, s0  }
0xbe: {  	[sflag:s0] =	ssyncadd.remote.s32 $0x1  }
0xbf: {  	_ =	sfence.sel $0xFFFF  }
0xc0: {  	[dreg:$0x0] =	wrdreg $0xFFFFFFFF;
	(pc) =	sbr.abs _section_cstart, $3  }
0xc1: {  	[dreg:$0x1] =	wrdreg $0xFFFFFFFF  }
0xc2: {  	_ =	task.clear_ibuf [dreg:s7], $0x2FFFF;
	_ =	strace $0x9FFFFFFF  }
0xc3: {  	(tm) =	ssettm $0x7FFFFFFF  }
tec
execute0_lowered:
.L_overlay_start_1:
0x0: {  	(tag) =	ssettag $0x1  }
0x1: {  	s6 =	rddreg [dreg:$0x0]  }
0x2: {  	s4 =	rddreg [dreg:$0x1]  }
0x3: {  	s2 =	rddreg [dreg:$0x2]  }
0x4: {  	s0 =	rddreg [dreg:$0x3]  }
0x5: {  	s5 =	srdreg.scid;
	s1 =	stileid.u32  }
0x6: {  	s3 =	simm.s32 $0x0;
	s14 =	simm.s32 $0x20;
	s7 =	smul.u32 $0x500, s1  }
0x7: {  	s15 =	simm.s32 $0x10;
	s16 =	simm.s32 $0x0;
	s29 =	smul.u32 $0xA00, s1  }
0x8: {  	s5 =	sand.u32 $0x1, s5;
	[smem:$0x7FF] =	sst s3;
	s12 =	smul.u32 $0x4F0, s1  }
0x9: {  	s31 =	sshll.u32 s1, $0x6;
	s8 =	smul.u32 $0x4F00, s5;
	s9 =	sshll.u32 s5, $0x7  }
0xa: {  	_ =	strace $0x80000047;
	s5 =	ssub.s32 $0x2, s5;
	s7 =	sor.u32 s9, s7  }
0xb: {  	s11 =	sshrl.u32 s5, $0x1;
	s9 =	sshrl.u32 s29, $0x2;
	s10 =	sadd.s32 s8, s4  }
0xc: {  	s7 =	sshrl.u32 s7, $0x3;
	s11 =	ssub.s32 s5, s11;
	s8 =	sadd.s32 s8, s6  }
0xd: {  	s7 =	sadd.s32 s7, s4;
	s4 =	sadd.s32 s9, s2;
	s30 =	sadd.s32 s12, s10  }
0xe: {  	s6 =	smax.u32 s11, $0x1;
	s8 =	sadd.s32 s12, s8;
	s9 =	simm.s32 $0x100  }
0xf: {  	s10 =	simm.s32 $0x1;
	s11 =	simm.s32 $0x80;
	s12 =	sor.u32 $0x1C01, s31  }
0x10: {  	v0 =	vimm.f32 $0.0e+00;
	s5 =	sadd.s32 $0xB200, s7;
	s7 =	sadd.s32 $0x1400, s30;
	s13 =	sshrl.u32 s4, $0x3  }
.LBB2_1:
0x11: {  	[tilespmem:$0x100] =	vst v0  }
0x12: {  	[tilespmem:$0x110] =	vst v0  }
0x13: {  	[tilespmem:$0x120] =	vst v0  }
0x14: {  	[tilespmem:$0x130] =	vst v0  }
0x15: {  	[tilespmem:$0x140] =	vst v0  }
0x16: {  	[tilespmem:$0x150] =	vst v0  }
0x17: {  	[tilespmem:$0x160] =	vst v0  }
0x18: {  	[tilespmem:$0x170] =	vst v0  }
0x19: {  	[tilespmem:$0x180] =	vst v0  }
0x1a: {  	[tilespmem:$0x190] =	vst v0  }
0x1b: {  	[tilespmem:$0x1A0] =	vst v0  }
0x1c: {  	[tilespmem:$0x1B0] =	vst v0  }
0x1d: {  	[tilespmem:$0x1C0] =	vst v0  }
0x1e: {  	[tilespmem:$0x1D0] =	vst v0  }
0x1f: {  	[tilespmem:$0x1E0] =	vst v0  }
0x20: {  	[tilespmem:$0x1F0] =	vst v0  }
0x21: {  	[tilespmem:$0x200] =	vst v0  }
0x22: {  	[tilespmem:$0x210] =	vst v0  }
0x23: {  	[tilespmem:$0x220] =	vst v0  }
0x24: {  	[tilespmem:$0x230] =	vst v0  }
0x25: {  	[tilespmem:$0x240] =	vst v0  }
0x26: {  	[tilespmem:$0x250] =	vst v0  }
0x27: {  	[tilespmem:$0x260] =	vst v0  }
0x28: {  	[tilespmem:$0x270] =	vst v0  }
0x29: {  	[tilespmem:$0x280] =	vst v0  }
0x2a: {  	[tilespmem:$0x290] =	vst v0  }
0x2b: {  	[tilespmem:$0x2A0] =	vst v0  }
0x2c: {  	[tilespmem:$0x2B0] =	vst v0  }
0x2d: {  	[tilespmem:$0x2C0] =	vst v0  }
0x2e: {  	[tilespmem:$0x2D0] =	vst v0  }
0x2f: {  	[tilespmem:$0x2E0] =	vst v0  }
0x30: {  	[tilespmem:$0x2F0] =	vst v0  }
0x31: {  	[tilespmem:$0x300] =	vst v0  }
0x32: {  	[tilespmem:$0x310] =	vst v0  }
0x33: {  	[tilespmem:$0x320] =	vst v0  }
0x34: {  	[tilespmem:$0x330] =	vst v0  }
0x35: {  	[tilespmem:$0x340] =	vst v0  }
0x36: {  	[tilespmem:$0x350] =	vst v0  }
0x37: {  	[tilespmem:$0x360] =	vst v0  }
0x38: {  	[tilespmem:$0x370] =	vst v0  }
0x39: {  	[spmem:s4] =	stream.linear.scatter [tilespmem:s9], [sflag:$0x1], $0x280, $0x38;
	[tilespmem:$0x600] =	vst v63  }
0x3a: {  	_ =	swait.ge [sflag:s10], $0x280  }
0x3b: {  	[sflag:s10] =	ssyncset.done $0x0  }
0x3c: {  	[sflag:s10] =	ssyncadd.s32 $0xFFFFFD80  }
0x3d: {  	s17 =	sadd.s32 $0x0, s8;
	[bflag:$0x0] =	sbarrier.arrive $0xFFFF  }
0x3e: {  	[tilespmem:s3], [sflag:$0x1] =	stream.linear.gather [hbm4b:s17+s3], $0x80, $0x38;
	[tilespmem:$0x600] =	vst v63  }
0x3f: {  	_ =	swait.ge [sflag:s10], $0x80  }
0x40: {  	[sflag:s10] =	ssyncset.done $0x0  }
0x41: {  	s31 =	sadd.s32 $0x0, s7;
	[sflag:s10] =	ssyncadd.s32 $0xFFFFFF80  }
0x42: {  	[tilespmem:s11], [sflag:$0x1] =	stream.linear.gather [hbm4b:s31+s3], $0x80, $0x38;
	[tilespmem:$0x600] =	vst v63  }
0x43: {  	_ =	swait.ge [sflag:s10], $0x80  }
0x44: {  	[sflag:s10] =	ssyncset.done $0x0  }
0x45: {  	[sflag:s10] =	ssyncadd.s32 $0xFFFFFF80  }
0x46: {  	[spmem:s2] =	stream.indirect.scatter.add.f32 [tilespmem:s11], [sflag:$0x1], $0x1, s3, s11, $0xb8;
	[tilespmem:$0x600] =	vst v63  }
0x47: {  	_ =	swait.ge [sflag:s10], $0x80  }
0x48: {  	s18 =	simm.s32 $0x20;
	s17 =	simm.s32 $0x10;
	[sflag:s10] =	ssyncset.done $0x0  }
.LBB2_2:
0x49: {  	s19 =	sadd.s32 s17, s8  }
0x4a: {  	[sflag:s10] =	ssyncadd.s32 $0xFFFFFF80;
	s20 =	smov.u32 s18;
	s21 =	sadd.s32 $0x10, s18  }
0x4b: {  	[tilespmem:s3], [sflag:$0x1] =	stream.linear.gather [hbm4b:s19+s3], $0x80, $0x38;
	[tilespmem:$0x600] =	vst v63  }
0x4c: {  	p0 =	sne.s32 s18, $0x4E0;
	_ =	swait.ge [sflag:s10], $0x80  }
0x4d: {  	[sflag:s10] =	ssyncset.done $0x0  }
0x4e: {  	s18 =	sadd.s32 s17, s7;
	s17 =	smov.u32 s20;
	[sflag:s10] =	ssyncadd.s32 $0xFFFFFF80  }
0x4f: {  	[tilespmem:s11], [sflag:$0x1] =	stream.linear.gather [hbm4b:s18+s3], $0x80, $0x38;
	[tilespmem:$0x600] =	vst v63  }
0x50: {  	_ =	swait.ge [sflag:s10], $0x80  }
.Ltmp0:
0x51: {  	[sflag:s10] =	ssyncset.done $0x0;
	(pc) =	sbr.rel @p0 .LBB2_2-.Ltmp0, $4  }
0x52: {  	[sflag:s10] =	ssyncadd.s32 $0xFFFFFF80  }
0x53: {  	[spmem:s2] =	stream.indirect.scatter.add.f32 [tilespmem:s11], [sflag:$0x1], $0x1, s3, s11, $0xb8;
	[tilespmem:$0x600] =	vst v63  }
0x54: {  	_ =	swait.ge [sflag:s10], $0x80  }
0x55: {  	s18 =	smov.u32 s21;
	[sflag:s10] =	ssyncset.done $0x0  }
0x56: {  	s18 =	sadd.s32 s17, s8;
	[sflag:s10] =	ssyncadd.s32 $0xFFFFFF80  }
0x57: {  	[tilespmem:s3], [sflag:$0x1] =	stream.linear.gather [hbm4b:s18+s3], $0x80, $0x38;
	[tilespmem:$0x600] =	vst v63  }
0x58: {  	_ =	swait.ge [sflag:s10], $0x80  }
0x59: {  	[sflag:s10] =	ssyncset.done $0x0  }
0x5a: {  	s31 =	sadd.s32 s17, s7;
	[sflag:s10] =	ssyncadd.s32 $0xFFFFFF80  }
0x5b: {  	[tilespmem:s11], [sflag:$0x1] =	stream.linear.gather [hbm4b:s31+s3], $0x80, $0x38;
	[tilespmem:$0x600] =	vst v63  }
0x5c: {  	_ =	swait.ge [sflag:s10], $0x80  }
0x5d: {  	[sflag:s10] =	ssyncset.done $0x0  }
0x5e: {  	[sflag:s10] =	ssyncadd.s32 $0xFFFFFF80  }
0x5f: {  	[spmem:s2] =	stream.indirect.scatter.add.f32 [tilespmem:s11], [sflag:$0x1], $0x1, s3, s11, $0xb8;
	[tilespmem:$0x600] =	vst v63  }
0x60: {  	_ =	swait.ge [sflag:s10], $0x80  }
0x61: {  	s16 =	sadd.s32 $0x1, s16;
	[sflag:s10] =	ssyncset.done $0x0  }
0x62: {  	p0 =	sne.s32 s16, s6;
	[sflag:s10] =	ssyncadd.s32 $0xFFFFFF80  }
.Ltmp1:
0x63: {  	[bflag:$0x0] =	sbarrier.arrive $0xFFFF;
	(pc) =	sbr.rel @p0 .LBB2_1-.Ltmp1, $4  }
0x64: {  	[hbm:s5@s14], [sflag:s12] =	dma.strided [spmem:s13@s15], $0x50, s10, $0x10   }
0x65: {  	_ =	swait.ge [sflag:s10], $0x50  }
0x66: {  	[sflag:s10] =	ssyncset.done $0x0  }
0x67: {  	[sflag:s10] =	ssyncadd.s32 $0xFFFFFFB0  }
0x68: {  	_ =	sfence.sel $0x180000  }
0x69: {  	[bflag:$0x0] =	sbarrier.arrive $0xFFFF  }
0x6a: {  	p0 =	sne.s32 s1, $0x0;
	_ =	strace $0x90000047  }
0x6b: {  	s0 =	sadd.s32 @!p0 $0x100000, s0;
	[bflag:$0x2] =	sbarrier.arrive $0xFFFF  }
0x6c: {  	[sflag:s0] =	ssyncadd.tile.s32 @!p0 $0x1;
	_ =	shalt  }
.Lfunc_end2:
_tile_overlayer_lowered:
.L_overlay_start_2:
0x6d: {  	(tag) =	ssettag $0x2  }
0x6e: {  	s0 =	rddreg [dreg:$0x0];
	s2 =	stileid.u32  }
0x6f: {  	s1 =	rddreg [dreg:$0x1];
	p0 =	sne.s32 s2, $0x0  }
0x70: {  	s3 =	rddreg [dreg:$0x2];
	[bflag:$0x3] =	sbarrier.arrive $0xFFFF;
	s2 =	simm.s32 @!p0 $0x1C01  }
0x71: {  	[timem:s3], [sflag:s2] =	dma.local @!p0 [hbm:s0], s1  }
0x72: {  	s0 =	simm.s32 @!p0 $0x1  }
0x73: {  	_ =	swait.ge @!p0 [sflag:s0], s1  }
0x74: {  	s1 =	ssub.s32 @!p0 $0x0, s1;
	[sflag:s0] =	ssyncset.done @!p0 $0x0  }
0x75: {  	[sflag:s0] =	ssyncadd.s32 @!p0 s1  }
0x76: {  	[bflag:$0x3] =	sbarrier.arrive $0xFFFF  }
0x77: {  	_ =	shalt  }

// kernel: kernel.9.cloned.1.call-start
scs
__scs_entry_jumppad:
0x0: {  	(pc) =	sbr.rel $0x88, $3  }
0x1: {  	(tag) =	ssettag $0x0;
	lr =	simm.s32 $0x1  }
0x2: {  	[smem:$0x3F8F] =	sst lr;
	_ =	strace $0xD0000000  }
0x3: {  	_ = 	snop  }
0x4: {  	_ = 	snop  }
0x5: {  	_ = 	snop  }
0x6: {  	_ = 	snop  }
0x7: {  	_ = 	snop  }
__scs_overlays_trampoline_lowered:
0x8: {  	[smem:$0x3F9E] =	sst s0  }
0x9: {  	[smem:$0x3F9F] =	sst s1  }
0xa: {  	[smem:$0x3FA0] =	sst s2  }
0xb: {  	[smem:$0x3FA1] =	sst s3  }
0xc: {  	[smem:$0x3FA2] =	sst s4  }
0xd: {  	[smem:$0x3FA3] =	sst s5  }
0xe: {  	[smem:$0x3FA4] =	sst s6  }
0xf: {  	[smem:$0x3FA5] =	sst s7  }
0x10: {  	[smem:$0x3FA6] =	sst s8  }
0x11: {  	[smem:$0x3FA7] =	sst s9;
	s0 =	simm.s32 @!p0 $0x0  }
0x12: {  	s1 =	sld [smem:$0x3F8D];
	s0 =	simm.s32 @p0 $0x1  }
0x13: {  	[smem:$0x3FA8] =	sst s0;
	s0 =	simm.s32 @!p1 $0x0  }
0x14: {  	s2 =	sld [smem:$0x3F8C];
	s0 =	simm.s32 @p1 $0x1  }
0x15: {  	[smem:$0x3FA9] =	sst s0;
	s0 =	simm.s32 @!p2 $0x0  }
0x16: {  	s3 =	sld [smem:$0x3FDB];
	s0 =	simm.s32 @p2 $0x1  }
0x17: {  	s4 =	simm.s32 $0x1BF5;
	[smem:$0x3FAB] =	sst s0  }
0x18: {  	s0 =	sld [smem:$0x3F8E];
	_ =	swait.ge [sflag:s4], $0x0  }
0x19: {  	s7 =	sld [smem:$0x3F8F]  }
0x1a: {  	s8 =	sadd.s32 $0xFFFFE003, lr  }
0x1b: {  	s9 =	sadd.s32 $0xFFFFFEF7, lr;
	s5 =	simm.s32 $0xFFFFFFFF;
	p2 =	slt.u32 s8, $0xFFFFF086  }
0x1c: {  	p1 =	slt.u32 s9, $0xF7A;
	s5 =	simm.s32 @!p2 $0x0  }
0x1d: {  	s5 =	simm.s32 @p1 $0x1;
	p0 =	seq.s32 s7, s2  }
0x1e: {  	s7 =	smul.u32 @!p0 $0xF7A, s2;
	p2 =	seq.s32 @!p0 s5, $0x0  }
0x1f: {  	s9 =	smul.u32 $0xF7A, s1;
	s8 =	simm.s32 @!p0 $0x1BF5;
	p2 =	por !p2, p0  }
0x20: {  	[sflag:s8] =	ssyncset.s32 @!p0 $0xFFFFF086;
	s6 =	sadd.s32 @!p0 s3, s7;
	s7 =	simm.s32 @!p0 $0x108  }
0x21: {  	s3 =	sadd.s32 s3, s9;
	s6 =	sadd.s32 @!p0 $0x88, s6;
	s7 =	simm.s32 @p2 $0x1082  }
0x22: {  	[simem:s7], [sflag:s8] =	dma.local @!p0 [hbm:s6], $0xF7A  }
0x23: {  	s9 =	sor.u32 $0xD0000000, s2;
	s6 =	simm.s32 $0x108;
	_ =	swait.ge @!p0 [sflag:s8], $0x0  }
0x24: {  	s3 =	sadd.s32 $0x88, s3;
	s6 =	simm.s32 @!p1 $0x1082;
	[sflag:s4] =	ssyncset.s32 $0xFFFFF086  }
0x25: {  	[simem:s6], [sflag:s4] =	dma.local [hbm:s3], $0xF7A  }
0x26: {  	[smem:$0x3F8F] =	sst s1;
	(tag) =	ssettag s2;
	_ =	strace s9  }
0x27: {  	s1 =	sld [smem:$0x3F9F]  }
0x28: {  	s2 =	sld [smem:$0x3FA0]  }
0x29: {  	s4 =	sld [smem:$0x3FA2]  }
0x2a: {  	p0 =	seq.s32 s5, $0x0;
	s5 =	sld [smem:$0x3FA3]  }
0x2b: {  	s6 =	sld [smem:$0x3FA4]  }
0x2c: {  	s7 =	sld [smem:$0x3FA5]  }
0x2d: {  	s3 =	simm.s32 $0x108;
	s8 =	sld [smem:$0x3FA6]  }
0x2e: {  	s3 =	simm.s32 @!p0 $0x1082;
	s9 =	sld [smem:$0x3FA7]  }
0x2f: {  	lr =	sadd.s32 s0, s3;
	s0 =	sld [smem:$0x3F9E]  }
0x30: {  	s3 =	sld [smem:$0x3FA1]  }
0x31: {  	[smem:$0x3FAA] =	sst s10  }
0x32: {  	s10 =	sld [smem:$0x3FA8];
	_ =	sdelay $0x3  }
0x33: {  	p0 =	seq.s32 s10, $0x1;
	s10 =	sld [smem:$0x3FAA];
	_ =	sdelay $0x3  }
0x34: {  	[smem:$0x3FAA] =	sst s10  }
0x35: {  	s10 =	sld [smem:$0x3FA9];
	_ =	sdelay $0x3  }
0x36: {  	p1 =	seq.s32 s10, $0x1;
	s10 =	sld [smem:$0x3FAA];
	_ =	sdelay $0x3  }
0x37: {  	[smem:$0x3FAA] =	sst s10  }
0x38: {  	s10 =	sld [smem:$0x3FAB]  }
0x39: {  	_ = 	snop;
	(pc) =	sbr.ind lr, $3  }
0x3a: {  	_ = 	snop  }
0x3b: {  	_ = 	snop  }
0x3c: {  	p2 =	seq.s32 s10, $0x1;
	s10 =	sld [smem:$0x3FAA]  }
0x3d: {  	_ =	shalt  }
0x3e: {  	_ =	shalt  }
0x3f: {  	_ =	shalt  }
0x40: {  	_ =	shalt  }
0x41: {  	_ =	shalt  }
0x42: {  	_ =	shalt  }
0x43: {  	_ =	shalt  }
0x44: {  	_ =	shalt  }
0x45: {  	_ =	shalt  }
0x46: {  	_ =	shalt  }
0x47: {  	_ =	shalt  }
0x48: {  	_ =	shalt  }
0x49: {  	_ =	shalt  }
0x4a: {  	_ =	shalt  }
0x4b: {  	_ =	shalt  }
0x4c: {  	_ =	shalt  }
0x4d: {  	_ =	shalt  }
0x4e: {  	_ =	shalt  }
0x4f: {  	_ =	shalt  }
0x50: {  	_ =	shalt  }
0x51: {  	_ =	shalt  }
0x52: {  	_ =	shalt  }
0x53: {  	_ =	shalt  }
0x54: {  	_ =	shalt  }
0x55: {  	_ =	shalt  }
0x56: {  	_ =	shalt  }
0x57: {  	_ =	shalt  }
0x58: {  	_ =	shalt  }
0x59: {  	_ =	shalt  }
0x5a: {  	_ =	shalt  }
0x5b: {  	_ =	shalt  }
0x5c: {  	_ =	shalt  }
0x5d: {  	_ =	shalt  }
0x5e: {  	_ =	shalt  }
0x5f: {  	_ =	shalt  }
0x60: {  	_ =	shalt  }
0x61: {  	_ =	shalt  }
0x62: {  	_ =	shalt  }
0x63: {  	_ =	shalt  }
0x64: {  	_ =	shalt  }
0x65: {  	_ =	shalt  }
0x66: {  	_ =	shalt  }
0x67: {  	_ =	shalt  }
0x68: {  	_ =	shalt  }
0x69: {  	_ =	shalt  }
0x6a: {  	_ =	shalt  }
0x6b: {  	_ =	shalt  }
0x6c: {  	_ =	shalt  }
0x6d: {  	_ =	shalt  }
0x6e: {  	_ =	shalt  }
0x6f: {  	_ =	shalt  }
0x70: {  	_ =	shalt  }
0x71: {  	_ =	shalt  }
0x72: {  	_ =	shalt  }
0x73: {  	_ =	shalt  }
0x74: {  	_ =	shalt  }
0x75: {  	_ =	shalt  }
0x76: {  	_ =	shalt  }
0x77: {  	_ =	shalt  }
0x78: {  	_ =	shalt  }
0x79: {  	_ =	shalt  }
0x7a: {  	_ =	shalt  }
0x7b: {  	_ =	shalt  }
0x7c: {  	_ =	shalt  }
0x7d: {  	_ =	shalt  }
0x7e: {  	_ =	shalt  }
0x7f: {  	_ =	shalt  }
0x80: {  	_ =	shalt  }
0x81: {  	_ =	shalt  }
0x82: {  	_ =	shalt  }
0x83: {  	_ =	shalt  }
0x84: {  	_ =	shalt  }
0x85: {  	_ =	shalt  }
0x86: {  	_ =	shalt  }
0x87: {  	_ =	shalt  }
.Lfunc_end0:
.L_simem_size_0:
called_computation.1_lowered:
.L_overlay_start_0:
0x88: {  	s2 =	sld [smem:$0x3FD9]  }
0x89: {  	s3 =	sld [smem:$0x3FFE];
	_ =	sdelay $0x1  }
0x8a: {  	s1 =	srdreg.scid  }
0x8b: {  	s0 =	sand.u32 $0x1, s1  }
0x8c: {  	s17 =	sshll.u32 s0, $0xA;
	s2 =	sadd.s32 s3, s2  }
0x8d: {  	s2 =	sadd.s32 s2, s17  }
0x8e: {  	[smem:$0x3FB6] =	sst s2  }
0x8f: {  	_ = 	snop  }
0x90: {  	s2 =	sld [smem:$0x3FD0];
	(tm) =	ssettm $0x1  }
0x91: {  	s18 =	sld [smem:$0x3FFB];
	_ =	sdelay $0x3  }
0x92: {  	_ =	strace s18  }
0x93: {  	s3 =	sld [smem:$0x3FFC];
	_ =	sdelay $0x3  }
0x94: {  	_ =	strace s3  }
0x95: {  	s3 =	sld [smem:$0x3FFD];
	_ =	sdelay $0x3  }
0x96: {  	_ =	strace s3  }
0x97: {  	_ =	strace $0x8FFFFFFF  }
0x98: {  	s19 =	sld [smem:$0x3FDB];
	_ =	sdelay $0x1  }
0x99: {  	s4 =	simm.s32 $_scs_section_size  }
0x9a: {  	s5 =	simm.s32 $_size__tile_overlayer_lowered;
	s6 =	simm.s32 $_tile_overlayer_lowered  }
0x9b: {  	s22 =	simm.s32 $0x1BFF;
	s21 =	sshll.u32 s6, $0x1;
	s3 =	sadd.s32 s4, s19  }
0x9c: {  	s7 =	simm.s32 $0x0;
	s20 =	sshll.u32 s5, $0x1;
	s5 =	sadd.s32 s21, s3  }
0x9d: {  	[timem:s7], [sflag:s22] =	dma.local [hbm:s5], s20  }
0x9e: {  	_ =	swait.ge [sflag:s22], s20  }
0x9f: {  	s4 =	ssub.s32 $0x0, s20;
	[sflag:s22] =	ssyncset.done $0x0  }
0xa0: {  	[sflag:s22] =	ssyncadd.s32 s4;
	_ =	sdelay $0x1  }
0xa1: {  	s23 =	simm.s32 $0x1B8B  }
0xa2: {  	_ =	swait.ge [sflag:s23], $0x1  }
0xa3: {  	[sflag:s23] =	ssyncset.done $0x0  }
0xa4: {  	s25 =	simm.s32 $0x1B8E;
	s24 =	sld [smem:$0x3FFE];
	[sflag:s23] =	ssyncadd.s32 $0xFFFFFFFF  }
0xa5: {  	s26 =	simm.s32 $execute0_lowered;
	[smem:$0x3FD2] =	sst s25  }
0xa6: {  	s5 =	sshll.u32 s26, $0x1;
	_ =	strace $0x80000049;
	[dreg:$0x1] =	wrdreg $0xFFFFFFFF  }
0xa7: {  	s28 =	simm.s32 $_size_execute0_lowered;
	s3 =	sadd.s32 s3, s5;
	[dreg:$0x0] =	wrdreg $0x0  }
0xa8: {  	s5 =	sshll.u32 s28, $0x1;
	[dreg:$0x2] =	wrdreg s3  }
0xa9: {  	[dreg:$0x3] =	wrdreg s5  }
0xaa: {  	[dreg:$0x4] =	wrdreg $0xC0  }
0xab: {  	_ =	task [dreg:s7], $0x5FFFF  }
0xac: {  	[dreg:$0x1] =	wrdreg $0xFFFFFFFF  }
0xad: {  	[dreg:$0x0] =	wrdreg $0x60  }
0xae: {  	[dreg:$0x2] =	wrdreg s24  }
0xaf: {  	[dreg:$0x3] =	wrdreg s2  }
0xb0: {  	[dreg:$0x4] =	wrdreg $0x81800  }
0xb1: {  	[dreg:$0x5] =	wrdreg $0x9  }
0xb2: {  	_ =	task.clear_ibuf [dreg:s7], $0x6FFFF;
	_ =	strace $0x90000049  }
0xb3: {  	s29 =	simm.s32 $0x9;
	_ =	strace $0x8000004B  }
0xb4: {  	_ =	swait.ge [sflag:s29], $0x1  }
0xb5: {  	[sflag:s29] =	ssyncadd.s32 $0xFFFFFFFF  }
0xb6: {  	_ =	strace $0x9000004B  }
0xb7: {  	_ =	sfence  }
0xb8: {  	s30 =	sld [smem:$0x0];
	_ =	sdelay $0x2  }
0xb9: {  	s31 =	sshll.u32 s1, $0xD;
	s1 =	sshrl.u32 s1, $0x2  }
0xba: {  	s3 =	sand.u32 $0x4000, s31;
	s1 =	sadd.s32 s1, s30  }
0xbb: {  	s0 =	sor.u32 s3, s0;
	s1 =	sshll.u32 s1, $0x11  }
0xbc: {  	s0 =	sor.u32 s1, s0  }
0xbd: {  	s0 =	sadd.s32 $0x8F2B, s0  }
0xbe: {  	[sflag:s0] =	ssyncadd.remote.s32 $0x1  }
0xbf: {  	_ =	sfence.sel $0xFFFF  }
0xc0: {  	[dreg:$0x0] =	wrdreg $0xFFFFFFFF;
	(pc) =	sbr.abs _section_cstart, $3  }
0xc1: {  	[dreg:$0x1] =	wrdreg $0xFFFFFFFF  }
0xc2: {  	_ =	task.clear_ibuf [dreg:s7], $0x2FFFF;
	_ =	strace $0x9FFFFFFF  }
0xc3: {  	(tm) =	ssettm $0x7FFFFFFF  }
tec
execute0_lowered:
.L_overlay_start_1:
0x0: {  	(tag) =	ssettag $0x1  }
0x1: {  	s8 =	rddreg [dreg:$0x0]  }
0x2: {  	s2 =	rddreg [dreg:$0x1];
	s0 =	srdreg.scid  }
0x3: {  	s3 =	rddreg [dreg:$0x2];
	s1 =	stileid.u32  }
0x4: {  	s4 =	simm.s32 $0x0;
	s16 =	simm.s32 $0x4180;
	s17 =	simm.s32 $0x2  }
0x5: {  	s18 =	simm.s32 $0x80;
	s19 =	simm.s32 $0x100;
	s20 =	simm.s32 $0x180  }
0x6: {  	s9 =	sand.u32 $0x1, s0;
	s0 =	rddreg [dreg:$0x3];
	s7 =	smul.u32 $0x14000, s1  }
0x7: {  	s21 =	simm.s32 $0x1;
	[smem:$0x7FF] =	sst s4;
	s11 =	smul.u32 $0x50000, s1  }
0x8: {  	s5 =	sadd.s32 $0xBC00, s8;
	s22 =	sshll.u32 s1, $0x6;
	s6 =	smul.u32 $0x140000, s9  }
0x9: {  	_ =	strace $0x8000004A;
	s31 =	ssub.s32 $0x2, s9;
	s9 =	sshll.u32 s9, $0x4  }
0xa: {  	s22 =	sor.u32 $0x1C02, s22;
	s12 =	sshrl.u32 s31, $0x1;
	s11 =	sshrl.u32 s11, $0x2  }
0xb: {  	s9 =	sor.u32 s1, s9;
	s7 =	sadd.s32 s7, s6;
	s6 =	sadd.s32 $0x1400, s8  }
0xc: {  	s12 =	ssub.s32 s31, s12;
	s9 =	smul.u32 $0x4F, s9;
	s10 =	sshrl.u32 s7, $0x3  }
0xd: {  	s7 =	sadd.s32 $0x15A00, s8;
	s10 =	sadd.s32 s10, s8;
	s8 =	sadd.s32 s11, s3  }
0xe: {  	s11 =	smax.u32 s12, $0x1;
	s10 =	sadd.s32 $0x3DA00, s10;
	s12 =	sadd.s32 $0x4000, s8  }
0xf: {  	v0 =	vimm.f32 $0.0e+00;
	s13 =	sadd.s32 $0x8000, s8;
	s14 =	sadd.s32 $0xC000, s8;
	s15 =	sadd.s32 $0x10000, s8  }
.LBB2_1:
0x10: {  	s23 =	simm.s32 $0x0;
	s24 =	simm.s32 $0x200  }
.LBB2_2:
0x11: {  	p0 =	sne.s32 s24, $0xFE00;
	[tilespmem:s23+$0x41F0] =	vst v0  }
0x12: {  	[tilespmem:s23+$0x4180] =	vst v0  }
0x13: {  	[tilespmem:s23+$0x4190] =	vst v0  }
.Ltmp0:
0x14: {  	[tilespmem:s23+$0x41A0] =	vst v0;
	(pc) =	sbr.rel @p0 .LBB2_2-.Ltmp0, $4  }
0x15: {  	[tilespmem:s23+$0x41B0] =	vst v0  }
0x16: {  	[tilespmem:s23+$0x41C0] =	vst v0  }
0x17: {  	[tilespmem:s23+$0x41D0] =	vst v0  }
0x18: {  	[tilespmem:s23+$0x41E0] =	vst v0;
	s23 =	sshra.s32 s24, $0x2;
	s24 =	sadd.s32 $0x200, s24  }
0x19: {  	[tilespmem:s23+$0x41F0] =	vst v0  }
0x1a: {  	[tilespmem:s23+$0x4180] =	vst v0  }
0x1b: {  	[tilespmem:s23+$0x4190] =	vst v0  }
0x1c: {  	[tilespmem:s23+$0x41A0] =	vst v0  }
0x1d: {  	[tilespmem:s23+$0x41B0] =	vst v0  }
0x1e: {  	[tilespmem:s23+$0x41C0] =	vst v0  }
0x1f: {  	[tilespmem:s23+$0x41D0] =	vst v0  }
0x20: {  	[tilespmem:s23+$0x41E0] =	vst v0  }
0x21: {  	[spmem:s8] =	stream.linear.scatter [tilespmem:s16], [sflag:$0x2], $0x4000, $0x38;
	[tilespmem:$0x1C180] =	vst v63  }
0x22: {  	_ =	swait.ge [sflag:s17], $0x4000  }
0x23: {  	[sflag:s17] =	ssyncset.done $0x0  }
0x24: {  	[sflag:s17] =	ssyncadd.s32 $0xFFFFC000  }
0x25: {  	[spmem:s12] =	stream.linear.scatter [tilespmem:s16], [sflag:$0x2], $0x4000, $0x38;
	[tilespmem:$0x1C180] =	vst v63  }
0x26: {  	_ =	swait.ge [sflag:s17], $0x4000  }
0x27: {  	[sflag:s17] =	ssyncset.done $0x0  }
0x28: {  	[sflag:s17] =	ssyncadd.s32 $0xFFFFC000  }
0x29: {  	[spmem:s13] =	stream.linear.scatter [tilespmem:s16], [sflag:$0x2], $0x4000, $0x38;
	[tilespmem:$0x1C180] =	vst v63  }
0x2a: {  	_ =	swait.ge [sflag:s17], $0x4000  }
0x2b: {  	[sflag:s17] =	ssyncset.done $0x0  }
0x2c: {  	[sflag:s17] =	ssyncadd.s32 $0xFFFFC000  }
0x2d: {  	[spmem:s14] =	stream.linear.scatter [tilespmem:s16], [sflag:$0x2], $0x4000, $0x38;
	[tilespmem:$0x1C180] =	vst v63  }
0x2e: {  	_ =	swait.ge [sflag:s17], $0x4000  }
0x2f: {  	[sflag:s17] =	ssyncset.done $0x0  }
0x30: {  	[sflag:s17] =	ssyncadd.s32 $0xFFFFC000  }
0x31: {  	[spmem:s15] =	stream.linear.scatter [tilespmem:s16], [sflag:$0x2], $0x4000, $0x38;
	[tilespmem:$0x1C180] =	vst v63  }
0x32: {  	_ =	swait.ge [sflag:s17], $0x4000  }
0x33: {  	[sflag:s17] =	ssyncset.done $0x0  }
0x34: {  	[sflag:s17] =	ssyncadd.s32 $0xFFFFC000  }
0x35: {  	s23 =	simm.s32 $0x0;
	s24 =	simm.s32 $0x0;
	[bflag:$0x0] =	sbarrier.arrive $0xFFFF  }
.LBB2_4:
0x36: {  	s25 =	sadd.s32 s9, s24  }
0x37: {  	s25 =	sshll.u32 s25, $0x4  }
0x38: {  	s26 =	sadd.s32 s5, s25  }
0x39: {  	[tilespmem:s23], [sflag:$0x2] =	stream.linear.gather [hbm4b:s26+s23], $0x80, $0x38;
	[tilespmem:$0x1C180] =	vst v63  }
0x3a: {  	_ =	swait.ge [sflag:s17], $0x80  }
0x3b: {  	[sflag:s17] =	ssyncset.done $0x0  }
0x3c: {  	s29 =	sadd.s32 s2, s25;
	[sflag:s17] =	ssyncadd.s32 $0xFFFFFF80  }
0x3d: {  	[tilespmem:s18], [sflag:$0x2] =	stream.linear.gather [hbm4b:s29+s23], $0x80, $0x38;
	[tilespmem:$0x1C180] =	vst v63  }
0x3e: {  	_ =	swait.ge [sflag:s17], $0x80  }
0x3f: {  	[sflag:s17] =	ssyncset.done $0x0  }
0x40: {  	s25 =	sadd.s32 s6, s25;
	[sflag:s17] =	ssyncadd.s32 $0xFFFFFF80  }
0x41: {  	[tilespmem:s19], [sflag:$0x2] =	stream.linear.gather [hbm4b:s25+s23], $0x80, $0x38;
	[tilespmem:$0x1C180] =	vst v63  }
0x42: {  	_ =	swait.ge [sflag:s17], $0x80  }
0x43: {  	[sflag:s17] =	ssyncset.done $0x0  }
0x44: {  	[sflag:s17] =	ssyncadd.s32 $0xFFFFFF80  }
0x45: {  	[tilespmem:s20], [sflag:$0x1] =	stream.indirect.gather [hbm4b:s7+s18], $0x80, s23, s18, $0xb8;
	[tilespmem:$0x1C180] =	vst v63  }
0x46: {  	_ =	swait.ge [sflag:s21], $0x4000  }
0x47: {  	s30 =	simm.s32 $0x0;
	[sflag:s21] =	ssyncset.done $0x0  }
0x48: {  	s25 =	sand.u32 $0x3FFFFFF0, s30;
	[sflag:s21] =	ssyncadd.s32 $0xFFFFC000  }
0x49: {  	s31 =	simm.s32 $0x0;
	v1 =	vld [tilespmem:s25+$0x100]  }
0x4a: {  	s25 =	sand.u32 $0x3FFFF800, s31  }
0x4b: {  	v3 =	vld [tilespmem:s25+$0x1A0]  }
0x4c: {  	v4 =	vld [tilespmem:s25+$0x1B0]  }
0x4d: {  	v10 =	vld [tilespmem:s25+$0x1E0]  }
0x4e: {  	v11 =	vld [tilespmem:s25+$0x1F0];
	v2 =	vbroadcast v1, $0x0  }
0x4f: {  	v12 =	vld [tilespmem:s25+$0x200]  }
0x50: {  	v13 =	vld [tilespmem:s25+$0x210];
	v3 =	vmul.f32 v3, v2  }
0x51: {  	v14 =	vld [tilespmem:s25+$0x220];
	v4 =	vmul.f32 v4, v2  }
0x52: {  	v9 =	vld [tilespmem:s25+$0x230];
	v23 =	vbroadcast v1, $0x1;
	v22 =	vmul.f32 v10, v2;
	[tilespmem:s25+$0x1A0] =	vst v3  }
0x53: {  	v7 =	vld [tilespmem:s25+$0x240];
	v11 =	vmul.f32 v11, v2;
	[tilespmem:s25+$0x1B0] =	vst v4  }
0x54: {  	v8 =	vld [tilespmem:s25+$0x250];
	v12 =	vmul.f32 v12, v23;
	[tilespmem:s25+$0x1E0] =	vst v22  }
0x55: {  	v25 =	vld [tilespmem:s25+$0x270];
	v13 =	vmul.f32 v13, v23;
	[tilespmem:s25+$0x1F0] =	vst v11  }
0x56: {  	v26 =	vld [tilespmem:s25+$0x280];
	v14 =	vmul.f32 v14, v23;
	[tilespmem:s25+$0x200] =	vst v12  }
0x57: {  	v27 =	vld [tilespmem:s25+$0x290];
	v9 =	vmul.f32 v9, v23;
	[tilespmem:s25+$0x210] =	vst v13  }
0x58: {  	v6 =	vld [tilespmem:s25+$0x6F0];
	v7 =	vmul.f32 v7, v23;
	[tilespmem:s25+$0x220] =	vst v14  }
0x59: {  	v24 =	vld [tilespmem:s25+$0x260];
	v15 =	vbroadcast v1, $0x2;
	v8 =	vmul.f32 v8, v23;
	[tilespmem:s25+$0x230] =	vst v9  }
0x5a: {  	v28 =	vld [tilespmem:s25+$0x2A0];
	v10 =	vmul.f32 v25, v23;
	[tilespmem:s25+$0x240] =	vst v7  }
0x5b: {  	v29 =	vld [tilespmem:s25+$0x2B0];
	v5 =	vbroadcast v1, $0xA;
	v32 =	vmul.f32 v26, v15;
	[tilespmem:s25+$0x250] =	vst v8  }
0x5c: {  	v30 =	vld [tilespmem:s25+$0x2C0];
	v34 =	vmul.f32 v27, v15;
	[tilespmem:s25+$0x270] =	vst v10  }
0x5d: {  	v33 =	vld [tilespmem:s25+$0x2E0];
	v3 =	vmul.f32 v6, v5;
	[tilespmem:s25+$0x280] =	vst v32  }
0x5e: {  	v35 =	vld [tilespmem:s25+$0x2F0];
	v11 =	vmul.f32 v24, v23;
	[tilespmem:s25+$0x290] =	vst v34  }
0x5f: {  	v36 =	vld [tilespmem:s25+$0x300];
	v9 =	vmul.f32 v28, v15;
	[tilespmem:s25+$0x6F0] =	vst v3  }
0x60: {  	v31 =	vld [tilespmem:s25+$0x2D0];
	v7 =	vmul.f32 v29, v15;
	[tilespmem:s25+$0x260] =	vst v11  }
0x61: {  	v37 =	vld [tilespmem:s25+$0x310];
	v8 =	vmul.f32 v30, v15;
	[tilespmem:s25+$0x2A0] =	vst v9  }
0x62: {  	v38 =	vld [tilespmem:s25+$0x320];
	v41 =	vbroadcast v1, $0x3;
	v10 =	vmul.f32 v33, v15;
	[tilespmem:s25+$0x2B0] =	vst v7  }
0x63: {  	v39 =	vld [tilespmem:s25+$0x330];
	v12 =	vmul.f32 v35, v15;
	[tilespmem:s25+$0x2C0] =	vst v8  }
0x64: {  	v42 =	vld [tilespmem:s25+$0x350];
	v13 =	vmul.f32 v36, v41;
	[tilespmem:s25+$0x2E0] =	vst v10  }
0x65: {  	v43 =	vld [tilespmem:s25+$0x360];
	v11 =	vmul.f32 v31, v15;
	[tilespmem:s25+$0x2F0] =	vst v12  }
0x66: {  	v44 =	vld [tilespmem:s25+$0x370];
	v9 =	vmul.f32 v37, v41;
	[tilespmem:s25+$0x300] =	vst v13  }
0x67: {  	v40 =	vld [tilespmem:s25+$0x340];
	v7 =	vmul.f32 v38, v41;
	[tilespmem:s25+$0x2D0] =	vst v11  }
0x68: {  	v45 =	vld [tilespmem:s25+$0x380];
	v8 =	vmul.f32 v39, v41;
	[tilespmem:s25+$0x310] =	vst v9  }
0x69: {  	v46 =	vld [tilespmem:s25+$0x390];
	v10 =	vmul.f32 v42, v41;
	[tilespmem:s25+$0x320] =	vst v7  }
0x6a: {  	v47 =	vld [tilespmem:s25+$0x3A0];
	v12 =	vmul.f32 v43, v41;
	[tilespmem:s25+$0x330] =	vst v8  }
0x6b: {  	v49 =	vld [tilespmem:s25+$0x3C0];
	v50 =	vbroadcast v1, $0x4;
	v13 =	vmul.f32 v44, v41;
	[tilespmem:s25+$0x350] =	vst v10  }
0x6c: {  	v51 =	vld [tilespmem:s25+$0x3D0];
	v11 =	vmul.f32 v40, v41;
	[tilespmem:s25+$0x360] =	vst v12  }
0x6d: {  	v52 =	vld [tilespmem:s25+$0x3E0];
	v9 =	vmul.f32 v45, v50;
	[tilespmem:s25+$0x370] =	vst v13  }
0x6e: {  	v48 =	vld [tilespmem:s25+$0x3B0];
	v7 =	vmul.f32 v46, v50;
	[tilespmem:s25+$0x340] =	vst v11  }
0x6f: {  	v53 =	vld [tilespmem:s25+$0x3F0];
	v8 =	vmul.f32 v47, v50;
	[tilespmem:s25+$0x380] =	vst v9  }
0x70: {  	v54 =	vld [tilespmem:s25+$0x400];
	v10 =	vmul.f32 v49, v50;
	[tilespmem:s25+$0x390] =	vst v7  }
0x71: {  	v55 =	vld [tilespmem:s25+$0x410];
	v12 =	vmul.f32 v51, v50;
	[tilespmem:s25+$0x3A0] =	vst v8  }
0x72: {  	v57 =	vld [tilespmem:s25+$0x430];
	v13 =	vmul.f32 v52, v50;
	[tilespmem:s25+$0x3C0] =	vst v10  }
0x73: {  	v58 =	vld [tilespmem:s25+$0x440];
	v59 =	vbroadcast v1, $0x5;
	v11 =	vmul.f32 v48, v50;
	[tilespmem:s25+$0x3D0] =	vst v12  }
0x74: {  	v60 =	vld [tilespmem:s25+$0x450];
	v9 =	vmul.f32 v53, v50;
	[tilespmem:s25+$0x3E0] =	vst v13  }
0x75: {  	v56 =	vld [tilespmem:s25+$0x420];
	v7 =	vmul.f32 v54, v59;
	[tilespmem:s25+$0x3B0] =	vst v11  }
0x76: {  	v61 =	vld [tilespmem:s25+$0x460];
	v8 =	vmul.f32 v55, v59;
	[tilespmem:s25+$0x3F0] =	vst v9  }
0x77: {  	v62 =	vld [tilespmem:s25+$0x470];
	v10 =	vmul.f32 v57, v59;
	[tilespmem:s25+$0x400] =	vst v7  }
0x78: {  	v63 =	vld [tilespmem:s25+$0x480];
	v12 =	vmul.f32 v58, v59;
	[tilespmem:s25+$0x410] =	vst v8  }
0x79: {  	v19 =	vld [tilespmem:s25+$0x4A0];
	v13 =	vmul.f32 v60, v59;
	[tilespmem:s25+$0x430] =	vst v10  }
0x7a: {  	v20 =	vld [tilespmem:s25+$0x4B0];
	v11 =	vmul.f32 v56, v59;
	[tilespmem:s25+$0x440] =	vst v12  }
0x7b: {  	v21 =	vld [tilespmem:s25+$0x4C0];
	v22 =	vbroadcast v1, $0x6;
	v9 =	vmul.f32 v61, v59;
	[tilespmem:s25+$0x450] =	vst v13  }
0x7c: {  	v18 =	vld [tilespmem:s25+$0x490];
	v7 =	vmul.f32 v62, v59;
	[tilespmem:s25+$0x420] =	vst v11  }
0x7d: {  	v23 =	vld [tilespmem:s25+$0x4D0];
	v8 =	vmul.f32 v63, v22;
	[tilespmem:s25+$0x460] =	vst v9  }
0x7e: {  	v24 =	vld [tilespmem:s25+$0x4E0];
	v10 =	vmul.f32 v19, v22;
	[tilespmem:s25+$0x470] =	vst v7  }
0x7f: {  	v25 =	vld [tilespmem:s25+$0x4F0];
	v12 =	vmul.f32 v20, v22;
	[tilespmem:s25+$0x480] =	vst v8  }
0x80: {  	v27 =	vld [tilespmem:s25+$0x510];
	v13 =	vmul.f32 v21, v22;
	[tilespmem:s25+$0x4A0] =	vst v10  }
0x81: {  	v28 =	vld [tilespmem:s25+$0x520];
	v11 =	vmul.f32 v18, v22;
	[tilespmem:s25+$0x4B0] =	vst v12  }
0x82: {  	v29 =	vld [tilespmem:s25+$0x530];
	v9 =	vmul.f32 v23, v22;
	[tilespmem:s25+$0x4C0] =	vst v13  }
0x83: {  	v31 =	vbroadcast v1, $0x7;
	v53 =	vld [tilespmem:s25+$0x680];
	v7 =	vmul.f32 v24, v22;
	[tilespmem:s25+$0x490] =	vst v11  }
0x84: {  	v57 =	vld [tilespmem:s25+$0x6C0];
	v8 =	vmul.f32 v25, v22;
	[tilespmem:s25+$0x4D0] =	vst v9  }
0x85: {  	v58 =	vld [tilespmem:s25+$0x6D0];
	v10 =	vmul.f32 v27, v31;
	[tilespmem:s25+$0x4E0] =	vst v7  }
0x86: {  	v26 =	vld [tilespmem:s25+$0x500];
	v12 =	vmul.f32 v28, v31;
	[tilespmem:s25+$0x4F0] =	vst v8  }
0x87: {  	v30 =	vld [tilespmem:s25+$0x540];
	v13 =	vmul.f32 v29, v31;
	[tilespmem:s25+$0x510] =	vst v10  }
0x88: {  	v32 =	vld [tilespmem:s25+$0x550];
	v59 =	vmul.f32 v53, v5;
	[tilespmem:s25+$0x520] =	vst v12  }
0x89: {  	v33 =	vld [tilespmem:s25+$0x560];
	v18 =	vmul.f32 v57, v5;
	[tilespmem:s25+$0x530] =	vst v13  }
0x8a: {  	v35 =	vld [tilespmem:s25+$0x580];
	v20 =	vmul.f32 v58, v5;
	[tilespmem:s25+$0x680] =	vst v59  }
0x8b: {  	v36 =	vld [tilespmem:s25+$0x590];
	v11 =	vmul.f32 v26, v31;
	[tilespmem:s25+$0x6C0] =	vst v18  }
0x8c: {  	v37 =	vld [tilespmem:s25+$0x5A0];
	v9 =	vmul.f32 v30, v31;
	[tilespmem:s25+$0x6D0] =	vst v20  }
0x8d: {  	v4 =	vld [tilespmem:s25+$0x700];
	v40 =	vbroadcast v1, $0x8;
	v7 =	vmul.f32 v32, v31;
	[tilespmem:s25+$0x500] =	vst v11  }
0x8e: {  	v6 =	vld [tilespmem:s25+$0x710];
	v8 =	vmul.f32 v33, v31;
	[tilespmem:s25+$0x540] =	vst v9  }
0x8f: {  	v3 =	vld [tilespmem:s25+$0x950];
	v10 =	vmul.f32 v35, v40;
	[tilespmem:s25+$0x550] =	vst v7  }
0x90: {  	v61 =	vld [tilespmem:s25+$0x180];
	v23 =	vbroadcast v1, $0xB;
	v12 =	vmul.f32 v36, v40;
	[tilespmem:s25+$0x560] =	vst v8  }
0x91: {  	v34 =	vld [tilespmem:s25+$0x570];
	v13 =	vmul.f32 v37, v40;
	[tilespmem:s25+$0x580] =	vst v10  }
0x92: {  	v38 =	vld [tilespmem:s25+$0x5B0];
	v27 =	vbroadcast v1, $0xF;
	v4 =	vmul.f32 v4, v23;
	[tilespmem:s25+$0x590] =	vst v12  }
0x93: {  	v39 =	vld [tilespmem:s25+$0x5C0];
	v6 =	vmul.f32 v6, v23;
	[tilespmem:s25+$0x5A0] =	vst v13  }
0x94: {  	v41 =	vld [tilespmem:s25+$0x5D0];
	v3 =	vmul.f32 v3, v27;
	[tilespmem:s25+$0x700] =	vst v4  }
0x95: {  	v43 =	vld [tilespmem:s25+$0x5F0];
	v24 =	vmul.f32 v2, v61;
	[tilespmem:s25+$0x710] =	vst v6  }
0x96: {  	v44 =	vld [tilespmem:s25+$0x600];
	v11 =	vmul.f32 v34, v31;
	[tilespmem:s25+$0x950] =	vst v3  }
0x97: {  	v45 =	vld [tilespmem:s25+$0x610];
	v9 =	vmul.f32 v38, v40;
	[tilespmem:s25+$0x180] =	vst v24  }
0x98: {  	v63 =	vld [tilespmem:s25+$0x1C0];
	v7 =	vmul.f32 v39, v40;
	[tilespmem:s25+$0x570] =	vst v11  }
0x99: {  	v49 =	vbroadcast v1, $0x9;
	v29 =	vld [tilespmem:s25+$0x770];
	v8 =	vmul.f32 v41, v40;
	[tilespmem:s25+$0x5B0] =	vst v9  }
0x9a: {  	v42 =	vld [tilespmem:s25+$0x5E0];
	v10 =	vmul.f32 v43, v40;
	[tilespmem:s25+$0x5C0] =	vst v7  }
0x9b: {  	v46 =	vld [tilespmem:s25+$0x620];
	v12 =	vmul.f32 v44, v49;
	[tilespmem:s25+$0x5D0] =	vst v8  }
0x9c: {  	v47 =	vld [tilespmem:s25+$0x630];
	v13 =	vmul.f32 v45, v49;
	[tilespmem:s25+$0x5F0] =	vst v10  }
0x9d: {  	v48 =	vld [tilespmem:s25+$0x640];
	v3 =	vmul.f32 v63, v2;
	[tilespmem:s25+$0x600] =	vst v12  }
0x9e: {  	v51 =	vld [tilespmem:s25+$0x660];
	v6 =	vmul.f32 v29, v23;
	[tilespmem:s25+$0x610] =	vst v13  }
0x9f: {  	v52 =	vld [tilespmem:s25+$0x670];
	v11 =	vmul.f32 v42, v40;
	[tilespmem:s25+$0x1C0] =	vst v3  }
0xa0: {  	v28 =	vld [tilespmem:s25+$0x760];
	v9 =	vmul.f32 v46, v49;
	[tilespmem:s25+$0x770] =	vst v6  }
0xa1: {  	v26 =	vld [tilespmem:s25+$0x750];
	v7 =	vmul.f32 v47, v49;
	[tilespmem:s25+$0x5E0] =	vst v11  }
0xa2: {  	v30 =	vld [tilespmem:s25+$0x780];
	v8 =	vmul.f32 v48, v49;
	[tilespmem:s25+$0x620] =	vst v9  }
0xa3: {  	v50 =	vld [tilespmem:s25+$0x650];
	v10 =	vmul.f32 v51, v49;
	[tilespmem:s25+$0x630] =	vst v7  }
0xa4: {  	v54 =	vld [tilespmem:s25+$0x690];
	v12 =	vmul.f32 v52, v49;
	[tilespmem:s25+$0x640] =	vst v8  }
0xa5: {  	v55 =	vld [tilespmem:s25+$0x6A0];
	v35 =	vbroadcast v1, $0xC;
	v40 =	vmul.f32 v28, v23;
	[tilespmem:s25+$0x660] =	vst v10  }
0xa6: {  	v56 =	vld [tilespmem:s25+$0x6B0];
	v32 =	vmul.f32 v26, v23;
	[tilespmem:s25+$0x670] =	vst v12  }
0xa7: {  	v60 =	vld [tilespmem:s25+$0x6E0];
	v15 =	vmul.f32 v30, v35;
	[tilespmem:s25+$0x760] =	vst v40  }
0xa8: {  	v62 =	vld [tilespmem:s25+$0x190];
	v11 =	vmul.f32 v50, v49;
	[tilespmem:s25+$0x750] =	vst v32  }
0xa9: {  	v19 =	vld [tilespmem:s25+$0x1D0];
	v9 =	vmul.f32 v54, v5;
	[tilespmem:s25+$0x780] =	vst v15  }
0xaa: {  	v33 =	vld [tilespmem:s25+$0x7B0];
	v7 =	vmul.f32 v55, v5;
	[tilespmem:s25+$0x650] =	vst v11  }
0xab: {  	v61 =	vld [tilespmem:s25+$0x970];
	v8 =	vmul.f32 v56, v5;
	[tilespmem:s25+$0x690] =	vst v9  }
0xac: {  	v38 =	vld [tilespmem:s25+$0x7F0];
	v5 =	vmul.f32 v60, v5;
	[tilespmem:s25+$0x6A0] =	vst v7  }
0xad: {  	v21 =	vld [tilespmem:s25+$0x720];
	v12 =	vmul.f32 v62, v2;
	[tilespmem:s25+$0x6B0] =	vst v8  }
0xae: {  	v22 =	vld [tilespmem:s25+$0x730];
	v2 =	vmul.f32 v19, v2;
	[tilespmem:s25+$0x6E0] =	vst v5  }
0xaf: {  	v25 =	vld [tilespmem:s25+$0x740];
	v62 =	vmul.f32 v33, v35;
	[tilespmem:s25+$0x190] =	vst v12  }
0xb0: {  	v31 =	vld [tilespmem:s25+$0x790];
	v63 =	vmul.f32 v61, v27;
	[tilespmem:s25+$0x1D0] =	vst v2  }
0xb1: {  	v34 =	vld [tilespmem:s25+$0x7C0];
	v15 =	vmul.f32 v38, v35;
	[tilespmem:s25+$0x7B0] =	vst v62  }
0xb2: {  	v41 =	vld [tilespmem:s25+$0x820];
	v7 =	vmul.f32 v21, v23;
	[tilespmem:s25+$0x970] =	vst v63  }
0xb3: {  	v46 =	vld [tilespmem:s25+$0x860];
	v8 =	vmul.f32 v22, v23;
	[tilespmem:s25+$0x7F0] =	vst v15  }
0xb4: {  	v36 =	vld [tilespmem:s25+$0x7D0];
	v5 =	vmul.f32 v25, v23;
	[tilespmem:s25+$0x720] =	vst v7  }
0xb5: {  	v44 =	vbroadcast v1, $0xD;
	v9 =	vmul.f32 v31, v35;
	v2 =	vld [tilespmem:s25+$0x810];
	[tilespmem:s25+$0x730] =	vst v8  }
0xb6: {  	v37 =	vld [tilespmem:s25+$0x7E0];
	v12 =	vmul.f32 v34, v35;
	[tilespmem:s25+$0x740] =	vst v5  }
0xb7: {  	v39 =	vld [tilespmem:s25+$0x800];
	v11 =	vmul.f32 v41, v44;
	[tilespmem:s25+$0x790] =	vst v9  }
0xb8: {  	v42 =	vld [tilespmem:s25+$0x830];
	v51 =	vmul.f32 v46, v44;
	[tilespmem:s25+$0x7C0] =	vst v12  }
0xb9: {  	v48 =	vld [tilespmem:s25+$0x890];
	v8 =	vmul.f32 v36, v35;
	[tilespmem:s25+$0x820] =	vst v11  }
0xba: {  	v49 =	vld [tilespmem:s25+$0x8A0];
	[tilespmem:s25+$0x860] =	vst v51;
	v2 =	vmul.f32 v2, v44  }
0xbb: {  	v50 =	vld [tilespmem:s25+$0x8B0];
	v5 =	vmul.f32 v37, v35;
	[tilespmem:s25+$0x7D0] =	vst v8  }
0xbc: {  	v1 =	vbroadcast v1, $0xE;
	v9 =	vmul.f32 v39, v44;
	[tilespmem:s25+$0x810] =	vst v2;
	v2 =	vld [tilespmem:s25+$0x880]  }
0xbd: {  	v60 =	vld [tilespmem:s25+$0x960];
	v12 =	vmul.f32 v42, v44;
	[tilespmem:s25+$0x7E0] =	vst v5  }
0xbe: {  	v45 =	vld [tilespmem:s25+$0x850];
	v11 =	vmul.f32 v48, v1;
	[tilespmem:s25+$0x800] =	vst v9  }
0xbf: {  	v47 =	vld [tilespmem:s25+$0x870];
	v10 =	vmul.f32 v49, v1;
	[tilespmem:s25+$0x830] =	vst v12  }
0xc0: {  	v43 =	vld [tilespmem:s25+$0x840];
	v6 =	vmul.f32 v50, v1;
	[tilespmem:s25+$0x890] =	vst v11  }
0xc1: {  	v55 =	vld [tilespmem:s25+$0x900];
	[tilespmem:s25+$0x8A0] =	vst v10;
	v2 =	vmul.f32 v2, v1  }
0xc2: {  	v57 =	vld [tilespmem:s25+$0x920];
	v4 =	vmul.f32 v60, v27;
	[tilespmem:s25+$0x8B0] =	vst v6  }
0xc3: {  	v5 =	vmul.f32 v45, v44;
	[tilespmem:s25+$0x880] =	vst v2;
	v2 =	vld [tilespmem:s25+$0x8F0]  }
0xc4: {  	v52 =	vld [tilespmem:s25+$0x8C0];
	v9 =	vmul.f32 v47, v44;
	[tilespmem:s25+$0x960] =	vst v4  }
0xc5: {  	v56 =	vld [tilespmem:s25+$0x910];
	v8 =	vmul.f32 v43, v44;
	[tilespmem:s25+$0x850] =	vst v5  }
0xc6: {  	v54 =	vld [tilespmem:s25+$0x8E0];
	v11 =	vmul.f32 v55, v27;
	[tilespmem:s25+$0x870] =	vst v9  }
0xc7: {  	v58 =	vld [tilespmem:s25+$0x930];
	v6 =	vmul.f32 v57, v27;
	[tilespmem:s25+$0x840] =	vst v8  }
0xc8: {  	v53 =	vld [tilespmem:s25+$0x8D0];
	[tilespmem:s25+$0x900] =	vst v11;
	v2 =	vmul.f32 v2, v1  }
0xc9: {  	v59 =	vld [tilespmem:s25+$0x940];
	v5 =	vmul.f32 v52, v1;
	[tilespmem:s25+$0x920] =	vst v6  }
0xca: {  	[tilespmem:s25+$0x8F0] =	vst v2;
	v2 =	vmul.f32 v56, v27  }
0xcb: {  	v3 =	vld [tilespmem:s25+$0x7A0];
	v9 =	vmul.f32 v54, v1;
	[tilespmem:s25+$0x8C0] =	vst v5  }
0xcc: {  	[tilespmem:s25+$0x910] =	vst v2;
	v2 =	vmul.f32 v58, v27  }
0xcd: {  	[tilespmem:s25+$0x8E0] =	vst v9;
	v1 =	vmul.f32 v53, v1  }
0xce: {  	[tilespmem:s25+$0x930] =	vst v2;
	v2 =	vmul.f32 v59, v27  }
0xcf: {  	[tilespmem:s25+$0x8D0] =	vst v1  }
0xd0: {  	s26 =	simm.s32 $0x1;
	[tilespmem:s25+$0x940] =	vst v2;
	v2 =	vmul.f32 v3, v35  }
.LBB2_5:
0xd1: {  	s28 =	sshll.u32 s26, $0x4  }
0xd2: {  	p0 =	sne.s32 s26, $0x7;
	[tilespmem:s25+$0x7A0] =	vst v2;
	s25 =	smov.u32 s26;
	s26 =	sadd.s32 $0x1, s26  }
0xd3: {  	s28 =	sand.u32 $0x3FFFFFF0, s28  }
0xd4: {  	s25 =	sshll.u32 s25, $0xB;
	v1 =	vld [tilespmem:s28+$0x100]  }
0xd5: {  	s25 =	sand.u32 $0x3FFFF800, s25  }
0xd6: {  	v8 =	vld [tilespmem:s25+$0x240]  }
0xd7: {  	v9 =	vld [tilespmem:s25+$0x250]  }
0xd8: {  	v10 =	vld [tilespmem:s25+$0x230]  }
0xd9: {  	v2 =	vbroadcast v1, $0x0;
	v3 =	vld [tilespmem:s25+$0x1A0];
	v7 =	vbroadcast v1, $0x4  }
0xda: {  	v5 =	vld [tilespmem:s25+$0x1B0]  }
0xdb: {  	v6 =	vld [tilespmem:s25+$0x6F0]  }
0xdc: {  	v11 =	vld [tilespmem:s25+$0x1E0]  }
0xdd: {  	v12 =	vld [tilespmem:s25+$0x1F0]  }
0xde: {  	v4 =	vbroadcast v1, $0xA;
	v3 =	vmul.f32 v3, v2;
	v13 =	vld [tilespmem:s25+$0x200]  }
0xdf: {  	v5 =	vmul.f32 v5, v2;
	v14 =	vld [tilespmem:s25+$0x210]  }
0xe0: {  	[tilespmem:s25+$0x1A0] =	vst v3;
	v15 =	vld [tilespmem:s25+$0x220];
	v3 =	vmul.f32 v6, v4  }
0xe1: {  	[tilespmem:s25+$0x1B0] =	vst v5;
	v6 =	vmul.f32 v11, v2;
	v11 =	vbroadcast v1, $0x1;
	v5 =	vld [tilespmem:s25+$0x700]  }
0xe2: {  	v12 =	vmul.f32 v12, v2;
	[tilespmem:s25+$0x6F0] =	vst v3;
	v3 =	vld [tilespmem:s25+$0x950]  }
0xe3: {  	[tilespmem:s25+$0x1E0] =	vst v6;
	v13 =	vmul.f32 v13, v11;
	v6 =	vld [tilespmem:s25+$0x710]  }
0xe4: {  	[tilespmem:s25+$0x1F0] =	vst v12;
	v12 =	vmul.f32 v14, v11;
	v14 =	vld [tilespmem:s25+$0x260]  }
0xe5: {  	[tilespmem:s25+$0x200] =	vst v13;
	v13 =	vmul.f32 v15, v11;
	v15 =	vld [tilespmem:s25+$0x270]  }
0xe6: {  	v10 =	vmul.f32 v10, v11;
	[tilespmem:s25+$0x210] =	vst v12;
	v12 =	vld [tilespmem:s25+$0x280]  }
0xe7: {  	v8 =	vmul.f32 v8, v11;
	[tilespmem:s25+$0x220] =	vst v13;
	v13 =	vld [tilespmem:s25+$0x290]  }
0xe8: {  	v9 =	vmul.f32 v9, v11;
	[tilespmem:s25+$0x230] =	vst v10;
	v10 =	vld [tilespmem:s25+$0x2A0]  }
0xe9: {  	[tilespmem:s25+$0x240] =	vst v8;
	v8 =	vmul.f32 v14, v11;
	v14 =	vbroadcast v1, $0x2;
	v16 =	vld [tilespmem:s25+$0x2B0]  }
0xea: {  	[tilespmem:s25+$0x250] =	vst v9;
	v9 =	vmul.f32 v15, v11;
	v11 =	vld [tilespmem:s25+$0x2C0]  }
0xeb: {  	[tilespmem:s25+$0x260] =	vst v8;
	v8 =	vmul.f32 v12, v14;
	v12 =	vld [tilespmem:s25+$0x2D0]  }
0xec: {  	[tilespmem:s25+$0x270] =	vst v9;
	v9 =	vmul.f32 v13, v14;
	v13 =	vld [tilespmem:s25+$0x2E0]  }
0xed: {  	[tilespmem:s25+$0x280] =	vst v8;
	v8 =	vmul.f32 v10, v14;
	v10 =	vld [tilespmem:s25+$0x2F0]  }
0xee: {  	[tilespmem:s25+$0x290] =	vst v9;
	v9 =	vmul.f32 v16, v14;
	v15 =	vld [tilespmem:s25+$0x300]  }
0xef: {  	[tilespmem:s25+$0x2A0] =	vst v8;
	v8 =	vmul.f32 v11, v14;
	v11 =	vld [tilespmem:s25+$0x310]  }
0xf0: {  	[tilespmem:s25+$0x2B0] =	vst v9;
	v9 =	vmul.f32 v12, v14;
	v12 =	vld [tilespmem:s25+$0x320]  }
0xf1: {  	[tilespmem:s25+$0x2C0] =	vst v8;
	v8 =	vmul.f32 v13, v14;
	v13 =	vbroadcast v1, $0x3;
	v16 =	vld [tilespmem:s25+$0x330]  }
0xf2: {  	[tilespmem:s25+$0x2D0] =	vst v9;
	v9 =	vmul.f32 v10, v14;
	v10 =	vld [tilespmem:s25+$0x340]  }
0xf3: {  	[tilespmem:s25+$0x2E0] =	vst v8;
	v8 =	vmul.f32 v15, v13;
	v14 =	vld [tilespmem:s25+$0x350]  }
0xf4: {  	[tilespmem:s25+$0x2F0] =	vst v9;
	v9 =	vmul.f32 v11, v13;
	v11 =	vld [tilespmem:s25+$0x360]  }
0xf5: {  	[tilespmem:s25+$0x300] =	vst v8;
	v8 =	vmul.f32 v12, v13;
	v12 =	vld [tilespmem:s25+$0x370]  }
0xf6: {  	[tilespmem:s25+$0x310] =	vst v9;
	v9 =	vmul.f32 v16, v13;
	v15 =	vld [tilespmem:s25+$0x380]  }
0xf7: {  	[tilespmem:s25+$0x320] =	vst v8;
	v8 =	vmul.f32 v10, v13;
	v10 =	vld [tilespmem:s25+$0x390]  }
0xf8: {  	[tilespmem:s25+$0x330] =	vst v9;
	v9 =	vmul.f32 v14, v13;
	v14 =	vld [tilespmem:s25+$0x3A0]  }
0xf9: {  	[tilespmem:s25+$0x340] =	vst v8;
	v8 =	vmul.f32 v11, v13;
	v11 =	vld [tilespmem:s25+$0x3B0]  }
0xfa: {  	[tilespmem:s25+$0x350] =	vst v9;
	v9 =	vmul.f32 v12, v13;
	v12 =	vld [tilespmem:s25+$0x3C0]  }
0xfb: {  	[tilespmem:s25+$0x360] =	vst v8;
	v8 =	vmul.f32 v15, v7;
	v13 =	vld [tilespmem:s25+$0x3D0]  }
0xfc: {  	[tilespmem:s25+$0x370] =	vst v9;
	v9 =	vmul.f32 v10, v7;
	v10 =	vld [tilespmem:s25+$0x3E0]  }
0xfd: {  	[tilespmem:s25+$0x380] =	vst v8;
	v8 =	vmul.f32 v14, v7;
	v14 =	vld [tilespmem:s25+$0x3F0]  }
0xfe: {  	[tilespmem:s25+$0x390] =	vst v9;
	v9 =	vmul.f32 v11, v7;
	v11 =	vld [tilespmem:s25+$0x400]  }
0xff: {  	[tilespmem:s25+$0x3A0] =	vst v8;
	v8 =	vmul.f32 v12, v7;
	v12 =	vld [tilespmem:s25+$0x410]  }
0x100: {  	[tilespmem:s25+$0x3B0] =	vst v9;
	v9 =	vmul.f32 v13, v7;
	v13 =	vld [tilespmem:s25+$0x420]  }
0x101: {  	[tilespmem:s25+$0x3C0] =	vst v8;
	v8 =	vmul.f32 v10, v7;
	v10 =	vbroadcast v1, $0x5;
	v15 =	vld [tilespmem:s25+$0x430]  }
0x102: {  	[tilespmem:s25+$0x3D0] =	vst v9;
	v7 =	vmul.f32 v14, v7;
	v9 =	vld [tilespmem:s25+$0x440]  }
0x103: {  	[tilespmem:s25+$0x3E0] =	vst v8;
	v8 =	vmul.f32 v11, v10;
	v11 =	vld [tilespmem:s25+$0x450]  }
0x104: {  	[tilespmem:s25+$0x3F0] =	vst v7;
	v7 =	vmul.f32 v12, v10;
	v12 =	vld [tilespmem:s25+$0x460]  }
0x105: {  	[tilespmem:s25+$0x400] =	vst v8;
	v8 =	vmul.f32 v13, v10;
	v13 =	vld [tilespmem:s25+$0x470]  }
0x106: {  	[tilespmem:s25+$0x410] =	vst v7;
	v7 =	vmul.f32 v15, v10;
	v14 =	vld [tilespmem:s25+$0x480]  }
0x107: {  	[tilespmem:s25+$0x420] =	vst v8;
	v8 =	vmul.f32 v9, v10;
	v9 =	vld [tilespmem:s25+$0x490]  }
0x108: {  	[tilespmem:s25+$0x430] =	vst v7;
	v7 =	vmul.f32 v11, v10;
	v11 =	vld [tilespmem:s25+$0x4A0]  }
0x109: {  	[tilespmem:s25+$0x440] =	vst v8;
	v8 =	vmul.f32 v12, v10;
	v12 =	vbroadcast v1, $0x6;
	v15 =	vld [tilespmem:s25+$0x4B0]  }
0x10a: {  	[tilespmem:s25+$0x450] =	vst v7;
	v7 =	vmul.f32 v13, v10;
	v10 =	vld [tilespmem:s25+$0x4C0]  }
0x10b: {  	[tilespmem:s25+$0x460] =	vst v8;
	v8 =	vmul.f32 v14, v12;
	v13 =	vld [tilespmem:s25+$0x4D0]  }
0x10c: {  	[tilespmem:s25+$0x470] =	vst v7;
	v7 =	vmul.f32 v9, v12;
	v9 =	vld [tilespmem:s25+$0x4E0]  }
0x10d: {  	[tilespmem:s25+$0x480] =	vst v8;
	v8 =	vmul.f32 v11, v12;
	v11 =	vld [tilespmem:s25+$0x4F0]  }
0x10e: {  	[tilespmem:s25+$0x490] =	vst v7;
	v7 =	vmul.f32 v15, v12;
	v14 =	vld [tilespmem:s25+$0x500]  }
0x10f: {  	[tilespmem:s25+$0x4A0] =	vst v8;
	v8 =	vmul.f32 v10, v12;
	v10 =	vld [tilespmem:s25+$0x510]  }
0x110: {  	[tilespmem:s25+$0x4B0] =	vst v7;
	v7 =	vmul.f32 v13, v12;
	v13 =	vld [tilespmem:s25+$0x520]  }
0x111: {  	[tilespmem:s25+$0x4C0] =	vst v8;
	v8 =	vmul.f32 v9, v12;
	v9 =	vbroadcast v1, $0x7;
	v15 =	vld [tilespmem:s25+$0x530]  }
0x112: {  	[tilespmem:s25+$0x4D0] =	vst v7;
	v7 =	vmul.f32 v11, v12;
	v11 =	vld [tilespmem:s25+$0x540]  }
0x113: {  	[tilespmem:s25+$0x4E0] =	vst v8;
	v8 =	vmul.f32 v14, v9;
	v12 =	vld [tilespmem:s25+$0x550]  }
0x114: {  	[tilespmem:s25+$0x4F0] =	vst v7;
	v7 =	vmul.f32 v10, v9;
	v10 =	vld [tilespmem:s25+$0x560]  }
0x115: {  	[tilespmem:s25+$0x500] =	vst v8;
	v8 =	vmul.f32 v13, v9;
	v13 =	vld [tilespmem:s25+$0x570]  }
0x116: {  	[tilespmem:s25+$0x510] =	vst v7;
	v7 =	vmul.f32 v15, v9;
	v14 =	vld [tilespmem:s25+$0x580]  }
0x117: {  	[tilespmem:s25+$0x520] =	vst v8;
	v8 =	vmul.f32 v11, v9;
	v11 =	vld [tilespmem:s25+$0x590]  }
0x118: {  	[tilespmem:s25+$0x530] =	vst v7;
	v7 =	vmul.f32 v12, v9;
	v12 =	vld [tilespmem:s25+$0x5A0]  }
0x119: {  	[tilespmem:s25+$0x540] =	vst v8;
	v8 =	vmul.f32 v10, v9;
	v10 =	vbroadcast v1, $0x8;
	v15 =	vld [tilespmem:s25+$0x5B0]  }
0x11a: {  	[tilespmem:s25+$0x550] =	vst v7;
	v7 =	vmul.f32 v13, v9;
	v9 =	vld [tilespmem:s25+$0x5C0]  }
0x11b: {  	[tilespmem:s25+$0x560] =	vst v8;
	v8 =	vmul.f32 v14, v10;
	v13 =	vld [tilespmem:s25+$0x5D0]  }
0x11c: {  	[tilespmem:s25+$0x570] =	vst v7;
	v7 =	vmul.f32 v11, v10;
	v11 =	vld [tilespmem:s25+$0x5E0]  }
0x11d: {  	[tilespmem:s25+$0x580] =	vst v8;
	v8 =	vmul.f32 v12, v10;
	v12 =	vld [tilespmem:s25+$0x5F0]  }
0x11e: {  	[tilespmem:s25+$0x590] =	vst v7;
	v7 =	vmul.f32 v15, v10;
	v14 =	vld [tilespmem:s25+$0x600]  }
0x11f: {  	[tilespmem:s25+$0x5A0] =	vst v8;
	v8 =	vmul.f32 v9, v10;
	v9 =	vld [tilespmem:s25+$0x610]  }
0x120: {  	[tilespmem:s25+$0x5B0] =	vst v7;
	v7 =	vmul.f32 v13, v10;
	v13 =	vld [tilespmem:s25+$0x620]  }
0x121: {  	[tilespmem:s25+$0x5C0] =	vst v8;
	v8 =	vmul.f32 v11, v10;
	v11 =	vbroadcast v1, $0x9;
	v15 =	vld [tilespmem:s25+$0x630]  }
0x122: {  	[tilespmem:s25+$0x5D0] =	vst v7;
	v7 =	vmul.f32 v12, v10;
	v10 =	vld [tilespmem:s25+$0x640]  }
0x123: {  	[tilespmem:s25+$0x5E0] =	vst v8;
	v8 =	vmul.f32 v14, v11;
	v12 =	vld [tilespmem:s25+$0x650]  }
0x124: {  	[tilespmem:s25+$0x5F0] =	vst v7;
	v7 =	vmul.f32 v9, v11;
	v9 =	vld [tilespmem:s25+$0x660]  }
0x125: {  	[tilespmem:s25+$0x600] =	vst v8;
	v8 =	vmul.f32 v13, v11;
	v13 =	vld [tilespmem:s25+$0x670]  }
0x126: {  	[tilespmem:s25+$0x610] =	vst v7;
	v7 =	vmul.f32 v15, v11;
	v14 =	vld [tilespmem:s25+$0x680]  }
0x127: {  	[tilespmem:s25+$0x620] =	vst v8;
	v8 =	vmul.f32 v10, v11;
	v10 =	vld [tilespmem:s25+$0x690]  }
0x128: {  	[tilespmem:s25+$0x630] =	vst v7;
	v7 =	vmul.f32 v12, v11;
	v12 =	vld [tilespmem:s25+$0x6A0]  }
0x129: {  	[tilespmem:s25+$0x640] =	vst v8;
	v8 =	vmul.f32 v9, v11;
	v9 =	vld [tilespmem:s25+$0x6B0]  }
0x12a: {  	[tilespmem:s25+$0x650] =	vst v7;
	v7 =	vmul.f32 v13, v11;
	v11 =	vld [tilespmem:s25+$0x6C0]  }
0x12b: {  	[tilespmem:s25+$0x660] =	vst v8;
	v8 =	vmul.f32 v14, v4;
	v13 =	vld [tilespmem:s25+$0x6D0]  }
0x12c: {  	[tilespmem:s25+$0x670] =	vst v7;
	v7 =	vmul.f32 v10, v4;
	v10 =	vld [tilespmem:s25+$0x6E0]  }
0x12d: {  	v14 =	vld [tilespmem:s25+$0x180];
	[tilespmem:s25+$0x680] =	vst v8;
	v8 =	vmul.f32 v12, v4  }
0x12e: {  	v12 =	vld [tilespmem:s25+$0x190];
	[tilespmem:s25+$0x690] =	vst v7;
	v7 =	vmul.f32 v9, v4  }
0x12f: {  	v9 =	vld [tilespmem:s25+$0x1C0];
	[tilespmem:s25+$0x6A0] =	vst v8;
	v8 =	vmul.f32 v11, v4  }
0x130: {  	v11 =	vld [tilespmem:s25+$0x1D0];
	[tilespmem:s25+$0x6B0] =	vst v7;
	v7 =	vmul.f32 v13, v4  }
0x131: {  	[tilespmem:s25+$0x6C0] =	vst v8;
	v8 =	vmul.f32 v10, v4;
	v10 =	vbroadcast v1, $0xB;
	v13 =	vld [tilespmem:s25+$0x720]  }
0x132: {  	v4 =	vbroadcast v1, $0xF;
	v14 =	vmul.f32 v2, v14;
	[tilespmem:s25+$0x6D0] =	vst v7;
	v7 =	vld [tilespmem:s25+$0x730]  }
0x133: {  	v12 =	vmul.f32 v12, v2;
	[tilespmem:s25+$0x6E0] =	vst v8;
	v5 =	vmul.f32 v5, v10;
	v8 =	vld [tilespmem:s25+$0x740]  }
0x134: {  	v6 =	vmul.f32 v6, v10;
	[tilespmem:s25+$0x180] =	vst v14;
	v9 =	vmul.f32 v9, v2;
	v14 =	vld [tilespmem:s25+$0x750]  }
0x135: {  	v3 =	vmul.f32 v3, v4;
	v11 =	vmul.f32 v11, v2;
	[tilespmem:s25+$0x700] =	vst v5;
	v2 =	vld [tilespmem:s25+$0x760]  }
0x136: {  	[tilespmem:s25+$0x710] =	vst v6;
	v5 =	vmul.f32 v13, v10;
	v6 =	vld [tilespmem:s25+$0x770]  }
0x137: {  	v7 =	vmul.f32 v7, v10;
	v13 =	vld [tilespmem:s25+$0x780];
	[tilespmem:s25+$0x950] =	vst v3  }
0x138: {  	[tilespmem:s25+$0x190] =	vst v12;
	v3 =	vmul.f32 v8, v10;
	v8 =	vld [tilespmem:s25+$0x790]  }
0x139: {  	[tilespmem:s25+$0x1C0] =	vst v9;
	v9 =	vmul.f32 v14, v10;
	v12 =	vld [tilespmem:s25+$0x7A0]  }
0x13a: {  	v14 =	vbroadcast v1, $0xC;
	[tilespmem:s25+$0x720] =	vst v5;
	v5 =	vmul.f32 v2, v10;
	v15 =	vld [tilespmem:s25+$0x7B0]  }
0x13b: {  	[tilespmem:s25+$0x750] =	vst v9;
	v6 =	vmul.f32 v6, v10;
	v9 =	vld [tilespmem:s25+$0x7C0]  }
0x13c: {  	[tilespmem:s25+$0x730] =	vst v7;
	v2 =	vmul.f32 v13, v14;
	v7 =	vld [tilespmem:s25+$0x7D0]  }
0x13d: {  	[tilespmem:s25+$0x740] =	vst v3;
	v3 =	vmul.f32 v8, v14;
	v8 =	vld [tilespmem:s25+$0x7E0]  }
0x13e: {  	[tilespmem:s25+$0x780] =	vst v2;
	v2 =	vmul.f32 v12, v14;
	v10 =	vld [tilespmem:s25+$0x7F0]  }
0x13f: {  	[tilespmem:s25+$0x790] =	vst v3;
	v3 =	vld [tilespmem:s25+$0x800]  }
0x140: {  	[tilespmem:s25+$0x1D0] =	vst v11;
	v9 =	vmul.f32 v9, v14;
	v11 =	vld [tilespmem:s25+$0x810]  }
0x141: {  	[tilespmem:s25+$0x760] =	vst v5;
	v5 =	vmul.f32 v7, v14;
	v7 =	vld [tilespmem:s25+$0x820]  }
0x142: {  	[tilespmem:s25+$0x7C0] =	vst v9;
	v8 =	vmul.f32 v8, v14;
	v9 =	vbroadcast v1, $0xD;
	v12 =	vld [tilespmem:s25+$0x830]  }
0x143: {  	[tilespmem:s25+$0x7D0] =	vst v5;
	v5 =	vmul.f32 v10, v14;
	v10 =	vld [tilespmem:s25+$0x840]  }
0x144: {  	[tilespmem:s25+$0x7E0] =	vst v8;
	v3 =	vmul.f32 v3, v9;
	v8 =	vld [tilespmem:s25+$0x850]  }
0x145: {  	[tilespmem:s25+$0x7F0] =	vst v5;
	v5 =	vmul.f32 v11, v9;
	v11 =	vld [tilespmem:s25+$0x860]  }
0x146: {  	[tilespmem:s25+$0x800] =	vst v3;
	v3 =	vmul.f32 v7, v9;
	v7 =	vld [tilespmem:s25+$0x870]  }
0x147: {  	[tilespmem:s25+$0x810] =	vst v5;
	v5 =	vmul.f32 v12, v9;
	v12 =	vld [tilespmem:s25+$0x880]  }
0x148: {  	[tilespmem:s25+$0x820] =	vst v3;
	v3 =	vmul.f32 v10, v9;
	v10 =	vld [tilespmem:s25+$0x890]  }
0x149: {  	[tilespmem:s25+$0x830] =	vst v5;
	v5 =	vmul.f32 v8, v9;
	v8 =	vld [tilespmem:s25+$0x8A0]  }
0x14a: {  	v1 =	vbroadcast v1, $0xE;
	[tilespmem:s25+$0x770] =	vst v6;
	v6 =	vmul.f32 v11, v9;
	v11 =	vld [tilespmem:s25+$0x8B0]  }
0x14b: {  	[tilespmem:s25+$0x850] =	vst v5;
	v5 =	vmul.f32 v7, v9;
	v7 =	vld [tilespmem:s25+$0x8C0]  }
0x14c: {  	[tilespmem:s25+$0x860] =	vst v6;
	v6 =	vmul.f32 v12, v1;
	v9 =	vld [tilespmem:s25+$0x8D0]  }
0x14d: {  	[tilespmem:s25+$0x870] =	vst v5;
	v5 =	vmul.f32 v10, v1;
	v10 =	vld [tilespmem:s25+$0x8E0]  }
0x14e: {  	[tilespmem:s25+$0x880] =	vst v6;
	v6 =	vmul.f32 v8, v1;
	v8 =	vld [tilespmem:s25+$0x8F0]  }
0x14f: {  	[tilespmem:s25+$0x890] =	vst v5;
	v5 =	vmul.f32 v11, v1;
	v11 =	vld [tilespmem:s25+$0x900]  }
0x150: {  	[tilespmem:s25+$0x8A0] =	vst v6;
	v6 =	vmul.f32 v7, v1;
	v7 =	vld [tilespmem:s25+$0x910]  }
0x151: {  	[tilespmem:s25+$0x8B0] =	vst v5;
	v5 =	vmul.f32 v9, v1;
	v9 =	vld [tilespmem:s25+$0x920]  }
0x152: {  	[tilespmem:s25+$0x8C0] =	vst v6;
	v6 =	vmul.f32 v10, v1;
	v10 =	vld [tilespmem:s25+$0x930]  }
0x153: {  	[tilespmem:s25+$0x840] =	vst v3;
	v1 =	vmul.f32 v8, v1;
	v3 =	vld [tilespmem:s25+$0x940]  }
0x154: {  	[tilespmem:s25+$0x8E0] =	vst v6;
	v6 =	vmul.f32 v11, v4;
	v8 =	vld [tilespmem:s25+$0x960]  }
0x155: {  	[tilespmem:s25+$0x8F0] =	vst v1;
	v1 =	vmul.f32 v7, v4;
	v7 =	vld [tilespmem:s25+$0x970]  }
0x156: {  	[tilespmem:s25+$0x900] =	vst v6;
	v6 =	vmul.f32 v9, v4  }
0x157: {  	[tilespmem:s25+$0x910] =	vst v1;
	v1 =	vmul.f32 v10, v4  }
0x158: {  	v9 =	vmul.f32 v15, v14;
	[tilespmem:s25+$0x920] =	vst v6  }
0x159: {  	[tilespmem:s25+$0x930] =	vst v1;
	v1 =	vmul.f32 v3, v4  }
.Ltmp1:
0x15a: {  	[tilespmem:s25+$0x7B0] =	vst v9;
	v3 =	vmul.f32 v7, v4;
	(pc) =	sbr.rel @p0 .LBB2_5-.Ltmp1, $4  }
0x15b: {  	[tilespmem:s25+$0x940] =	vst v1  }
0x15c: {  	v1 =	vmul.f32 v8, v4;
	[tilespmem:s25+$0x970] =	vst v3  }
0x15d: {  	[tilespmem:s25+$0x8D0] =	vst v5  }
0x15e: {  	[tilespmem:s25+$0x960] =	vst v1  }
0x15f: {  	s24 =	sadd.s32 $0x1, s24  }
0x160: {  	p0 =	sne.s32 s24, $0x4F  }
.Ltmp2:
0x161: {  	[tilespmem:s25+$0x7A0] =	vst v2;
	(pc) =	sbr.rel @p0 .LBB2_4-.Ltmp2, $4  }
0x162: {  	[spmem:s3] =	stream.indirect.scatter.add.f32 [tilespmem:s20], [sflag:$0x2], $0x80, s18, s18, $0xb8;
	[tilespmem:$0x1C180] =	vst v63  }
0x163: {  	_ =	swait.ge [sflag:s17], $0x4000  }
0x164: {  	[sflag:s17] =	ssyncset.done $0x0  }
0x165: {  	[sflag:s17] =	ssyncadd.s32 $0xFFFFC000  }
0x166: {  	s4 =	sadd.s32 $0x1, s4  }
0x167: {  	p0 =	sne.s32 s4, s11  }
.Ltmp3:
0x168: {  	[bflag:$0x0] =	sbarrier.arrive $0xFFFF;
	s23 =	sshrl.u32 s8, $0x3;
	(pc) =	sbr.rel @p0 .LBB2_1-.Ltmp3, $4  }
0x169: {  	[hbm:s10], [sflag:s22] =	dma.local [spmem:s23], $0x2800  }
0x16a: {  	_ =	swait.ge [sflag:s17], $0x2800  }
0x16b: {  	[sflag:s17] =	ssyncset.done $0x0  }
0x16c: {  	[sflag:s17] =	ssyncadd.s32 $0xFFFFD800  }
0x16d: {  	_ =	sfence.sel $0x180000  }
0x16e: {  	[bflag:$0x0] =	sbarrier.arrive $0xFFFF  }
0x16f: {  	p0 =	sne.s32 s1, $0x0;
	_ =	strace $0x9000004A  }
0x170: {  	s0 =	sadd.s32 @!p0 $0x100000, s0;
	[bflag:$0x2] =	sbarrier.arrive $0xFFFF  }
0x171: {  	[sflag:s0] =	ssyncadd.tile.s32 @!p0 $0x1;
	_ =	shalt  }
.Lfunc_end2:
_tile_overlayer_lowered:
.L_overlay_start_2:
0x172: {  	(tag) =	ssettag $0x2  }
0x173: {  	s0 =	rddreg [dreg:$0x0];
	s2 =	stileid.u32  }
0x174: {  	s1 =	rddreg [dreg:$0x1];
	p0 =	sne.s32 s2, $0x0  }
0x175: {  	s3 =	rddreg [dreg:$0x2];
	[bflag:$0x3] =	sbarrier.arrive $0xFFFF;
	s2 =	simm.s32 @!p0 $0x1C02  }
0x176: {  	[timem:s3], [sflag:s2] =	dma.local @!p0 [hbm:s0], s1  }
0x177: {  	s0 =	simm.s32 @!p0 $0x2  }
0x178: {  	_ =	swait.ge @!p0 [sflag:s0], s1  }
0x179: {  	s1 =	ssub.s32 @!p0 $0x0, s1;
	[sflag:s0] =	ssyncset.done @!p0 $0x0  }
0x17a: {  	[sflag:s0] =	ssyncadd.s32 @!p0 s1  }
0x17b: {  	[bflag:$0x3] =	sbarrier.arrive $0xFFFF  }
0x17c: {  	_ =	shalt  }

</sc_bundles>
